<compile_context>
chip_gen: v7x
topology: tpu7x:2x2x1
jax: 0.10.2.dev20260603
libtpu: 0.0.44.dev20260713+nightly
codegen_flags: <defaults>
</compile_context>

<pallas_src>
import functools

import jax
import jax.numpy as jnp
from jax import lax
from jax.experimental import pallas as pl
from jax.experimental.pallas import tpu as pltpu
from jax.experimental.pallas import tpu_sc as plsc

NUM_ROWS = 256
NUM_COLS = 32
EPS = 1e-10
LOG_ZERO = -10000.0

B = 4
S = 8192
H = 768
NCELL = NUM_ROWS * NUM_COLS
L = 16


_TL_BLK = 4096
_TL_GRID = (B * S) // _TL_BLK


def _tl_body(x_ref, w_ref, b_ref, o_ref):
    x = x_ref[0]
    w2 = w_ref[...].reshape(1, H)
    y = jax.lax.dot_general(
        w2, x, (((1,), (1,)), ((), ())),
        preferred_element_type=jnp.float32)
    o_ref[...] = y[None] + b_ref[0]


def _token_logits(seq_flat, w, b):
    x3 = seq_flat.reshape(_TL_GRID, _TL_BLK, H)
    out = pl.pallas_call(
        _tl_body,
        grid=(_TL_GRID,),
        in_specs=[
            pl.BlockSpec((1, _TL_BLK, H), lambda i: (i, 0, 0)),
            pl.BlockSpec((H,), lambda i: (0,)),
            pl.BlockSpec(memory_space=pltpu.SMEM),
        ],
        out_specs=pl.BlockSpec((1, 1, _TL_BLK), lambda i: (i, 0, 0)),
        out_shape=jax.ShapeDtypeStruct((_TL_GRID, 1, _TL_BLK), jnp.float32),
    )(x3, w, b.reshape(1))
    return out.reshape(B, S)



_sc_mesh = plsc.VectorSubcoreMesh(
    core_axis_name="c", subcore_axis_name="s", num_cores=2, num_subcores=16
)

_G = 8
_TOK = S // _G
_CEL = NCELL // _G


@functools.partial(
    pl.kernel,
    out_type=jax.ShapeDtypeStruct((B, NUM_COLS), jnp.float32),
    mesh=_sc_mesh,
    compiler_params=pltpu.CompilerParams(needs_layout_passes=False),
    scratch_types=[
        pltpu.VMEM((_TOK,), jnp.float32),
        pltpu.VMEM((_TOK,), jnp.int32),
        pltpu.VMEM((_TOK,), jnp.int32),
        pltpu.VMEM((_CEL,), jnp.float32),
        pltpu.VMEM((NCELL,), jnp.float32),
        pltpu.VMEM((NCELL,), jnp.float32),
        pltpu.VMEM((_G, _CEL), jnp.float32),
        pltpu.VMEM((_G, _CEL), jnp.float32),
        pltpu.VMEM((_G, 128), jnp.float32),
        pltpu.VMEM((128,), jnp.float32),
        pltpu.VMEM((NUM_COLS,), jnp.float32),
        pltpu.VMEM((NUM_COLS,), jnp.float32),
        pltpu.VMEM_SHARED((2, _G, 2, NCELL), jnp.float32),
        pltpu.VMEM_SHARED((2, _G, 128), jnp.float32),
        pltpu.SemaphoreType.DMA,
    ],
)
def _sc_columns(tl_hbm, row_hbm, col_hbm, mask_hbm, pen_hbm, out_hbm,
                tl_v, row_v, col_v, mask_v, sums_v, cnts_v,
                psum_v, pcnt_v, pcol_v, stage_v, pen_v, out_v, bins_sh, cols_sh,
                dma_sem):
    cid = lax.axis_index("c")
    sid = lax.axis_index("s")
    bs = sid // _G
    g = sid % _G
    b = cid * 2 + bs

    cps = [
        pltpu.async_copy(tl_hbm.at[b, pl.ds(g * _TOK, _TOK)], tl_v, dma_sem),
        pltpu.async_copy(row_hbm.at[b, pl.ds(g * _TOK, _TOK)], row_v, dma_sem),
        pltpu.async_copy(col_hbm.at[b, pl.ds(g * _TOK, _TOK)], col_v, dma_sem),
        pltpu.async_copy(mask_hbm.at[b, pl.ds(g * _CEL, _CEL)], mask_v, dma_sem),
        pltpu.async_copy(pen_hbm, pen_v, dma_sem),
    ]
    for cp in cps:
        cp.wait()

    zeros = jnp.zeros((L,), jnp.float32)
    ones = jnp.full((L,), 1.0, jnp.float32)

    def zero_body(i, _):
        sums_v[pl.ds(i * L, L)] = zeros
        cnts_v[pl.ds(i * L, L)] = zeros
        return 0

    lax.fori_loop(0, NCELL // L, zero_body, 0, unroll=8)

    def scat_body(i, _):
        r = row_v[pl.ds(i * L, L)]
        c = col_v[pl.ds(i * L, L)]
        v = tl_v[pl.ds(i * L, L)]
        idx = c + r * NUM_COLS
        plsc.addupdate_scatter(sums_v, [idx], v)
        plsc.addupdate_scatter(cnts_v, [idx], ones)
        return 0

    lax.fori_loop(0, _TOK // L, scat_body, 0, unroll=8)

    cps = [
        pltpu.async_copy(sums_v, bins_sh.at[bs, g, 0], dma_sem),
        pltpu.async_copy(cnts_v, bins_sh.at[bs, g, 1], dma_sem),
    ]
    for cp in cps:
        cp.wait()
    plsc.subcore_barrier()
    cps = []
    for t in range(_G):
        cps.append(pltpu.async_copy(
            bins_sh.at[bs, t, 0, pl.ds(g * _CEL, _CEL)], psum_v.at[t], dma_sem))
        cps.append(pltpu.async_copy(
            bins_sh.at[bs, t, 1, pl.ds(g * _CEL, _CEL)], pcnt_v.at[t], dma_sem))
    for cp in cps:
        cp.wait()

    def red_body(i, carry):
        a0, a1, m0, m1 = carry
        base = i * 2 * L
        s0 = psum_v[0, pl.ds(base, L)]
        c0 = pcnt_v[0, pl.ds(base, L)]
        s1 = psum_v[0, pl.ds(base + L, L)]
        c1 = pcnt_v[0, pl.ds(base + L, L)]
        for t in range(1, _G):
            s0 = s0 + psum_v[t, pl.ds(base, L)]
            c0 = c0 + pcnt_v[t, pl.ds(base, L)]
            s1 = s1 + psum_v[t, pl.ds(base + L, L)]
            c1 = c1 + pcnt_v[t, pl.ds(base + L, L)]
        k0 = mask_v[pl.ds(base, L)]
        k1 = mask_v[pl.ds(base + L, L)]
        a0 = a0 + k0 * (s0 / jnp.maximum(c0, 1.0))
        m0 = m0 + k0
        a1 = a1 + k1 * (s1 / jnp.maximum(c1, 1.0))
        m1 = m1 + k1
        return (a0, a1, m0, m1)

    a0, a1, m0, m1 = lax.fori_loop(
        0, _CEL // (2 * L), red_body,
        (zeros, zeros, zeros, zeros), unroll=4)

    stage_v[pl.ds(0, L)] = a0
    stage_v[pl.ds(L, L)] = a1
    stage_v[pl.ds(2 * L, L)] = m0
    stage_v[pl.ds(3 * L, L)] = m1
    for i in range(4, 8):
        stage_v[pl.ds(i * L, L)] = zeros
    pltpu.sync_copy(stage_v, cols_sh.at[bs, g])
    plsc.subcore_barrier()

    @pl.when(g == 0)
    def _():
        pltpu.sync_copy(cols_sh.at[bs], pcol_v)
        f0 = pcol_v[0, pl.ds(0, L)]
        f1 = pcol_v[0, pl.ds(L, L)]
        n0 = pcol_v[0, pl.ds(2 * L, L)]
        n1 = pcol_v[0, pl.ds(3 * L, L)]
        for t in range(1, _G):
            f0 = f0 + pcol_v[t, pl.ds(0, L)]
            f1 = f1 + pcol_v[t, pl.ds(L, L)]
            n0 = n0 + pcol_v[t, pl.ds(2 * L, L)]
            n1 = n1 + pcol_v[t, pl.ds(3 * L, L)]
        lane = lax.broadcasted_iota(jnp.int32, (L,), 0)
        pad0 = jnp.logical_and(n0 < 0.5, lane != 0).astype(jnp.float32)
        pad1 = (n1 < 0.5).astype(jnp.float32)
        out0 = f0 / (n0 + EPS) + LOG_ZERO * pad0 + pen_v[pl.ds(0, L)]
        out1 = f1 / (n1 + EPS) + LOG_ZERO * pad1 + pen_v[pl.ds(L, L)]
        out_v[pl.ds(0, L)] = out0
        out_v[pl.ds(L, L)] = out1
        pltpu.sync_copy(out_v, out_hbm.at[b])




def kernel(sequence_output, row_ids, col_ids, cell_mask, column_output_weights,
           column_output_bias, allow_empty_column_selection):
    tl = _token_logits(
        sequence_output.reshape(B * S, H),
        column_output_weights,
        column_output_bias.astype(jnp.float32),
    )
    col0 = (jnp.arange(NUM_COLS) == 0).astype(jnp.float32)
    pen = jnp.where(allow_empty_column_selection == 0, LOG_ZERO, 0.0) * col0
    return _sc_columns(tl, row_ids.astype(jnp.int32), col_ids.astype(jnp.int32),
                       cell_mask, pen.astype(jnp.float32))

# --- scband reference (transcript-rebuilt; emitter-appended) ---
"""Pipeline reference for scband-tftapas-compute-column-logits-55336358641993 (READ-ONLY COPY).

The authoritative reference and input builder live on the scoring server;
editing this copy changes nothing except your own understanding.
"""

import jax, jax.numpy as jnp
import numpy as np

NUM_ROWS = 256
NUM_COLS = 32
EPSILON_ZERO_DIVISION = 1e-10
CLOSE_ENOUGH_TO_LOG_ZERO = -10000.0


def setup_inputs(seed: int = 0):
    key = jax.random.key(seed)
    k1, k2, k3, k4, k5 = jax.random.split(key, 5)
    B, S, H = 4, 8192, 768
    sequence_output = jax.random.normal(k1, (B, S, H), dtype=jnp.float32)
    row_ids = jax.random.randint(k2, (B, S), 0, NUM_ROWS)
    col_ids = jax.random.randint(k3, (B, S), 0, NUM_COLS)
    cell_mask = jax.random.uniform(k4, (B, NUM_ROWS * NUM_COLS), dtype=jnp.float32)
    column_output_weights = jax.random.normal(k5, (H,), dtype=jnp.float32) * 0.02
    column_output_bias = jnp.zeros((), dtype=jnp.float32)
    return {
        "sequence_output": sequence_output,
        "row_ids": row_ids,
        "col_ids": col_ids,
        "cell_mask": cell_mask,
        "column_output_weights": column_output_weights,
        "column_output_bias": column_output_bias,
        "allow_empty_column_selection": 0,
    }


def _compute_column_logits(sequence_output, cell_mask, w, b, row_ids, col_ids, allow_empty):
    B, S, H = sequence_output.shape
    num_cells = NUM_ROWS * NUM_COLS
    # token logits: einsum('bsj,j->bs') + bias
    token_logits = jnp.einsum("bsj,j->bs", sequence_output, w) + b
    # ProductIndexMap(outer=row, inner=col): cell = col + row * NUM_COLS
    cell_ids = col_ids + row_ids * NUM_COLS
    # flatten batch (segments shifted per batch element)
    flat_cell_ids = (cell_ids + jnp.arange(B)[:, None] * num_cells).reshape(-1)
    flat_logits = token_logits.reshape(-1)
    # unsorted_segment_mean (0 for empty segments)
    sums = jax.ops.segment_sum(flat_logits, flat_cell_ids, num_segments=B * num_cells)
    counts = jax.ops.segment_sum(jnp.ones_like(flat_logits), flat_cell_ids, num_segments=B * num_cells)
    cell_logits = (sums / jnp.maximum(counts, 1.0)).reshape(B, num_cells)
    # project_inner: column of each cell = cell % NUM_COLS
    col_of_cell = jnp.arange(num_cells) % NUM_COLS
    flat_col_ids = (col_of_cell[None, :] + jnp.arange(B)[:, None] * NUM_COLS).reshape(-1)
    column_logits = jax.ops.segment_sum((cell_logits * cell_mask).reshape(-1), flat_col_ids, num_segments=B * NUM_COLS).reshape(B, NUM_COLS)
    cell_count = jax.ops.segment_sum(cell_mask.reshape(-1), flat_col_ids, num_segments=B * NUM_COLS).reshape(B, NUM_COLS)
    column_logits = column_logits / (cell_count + EPSILON_ZERO_DIVISION)
    out_index = jnp.tile(jnp.arange(NUM_COLS)[None, :], (B, 1))
    is_padding = jnp.logical_and(cell_count < 0.5, out_index != 0)
    column_logits = column_logits + CLOSE_ENOUGH_TO_LOG_ZERO * is_padding.astype(jnp.float32)
    column_logits = jnp.where(
        allow_empty == 0,
        column_logits + CLOSE_ENOUGH_TO_LOG_ZERO * (out_index == 0).astype(jnp.float32),
        column_logits,
    )
    return column_logits


def reference(sequence_output, row_ids, col_ids, cell_mask, column_output_weights, column_output_bias, allow_empty_column_selection):
    return _compute_column_logits(
        sequence_output, cell_mask, column_output_weights, column_output_bias,
        row_ids, col_ids, allow_empty_column_selection,
    )

if __name__ == "__main__":
    import jax
    _d = setup_inputs()
    print(jax.jit(kernel)(*tuple(_d.values())))

</pallas_src>

<mosaic_0001>
#map = affine_map<(d0, d1) -> (0, 0)>
#map1 = affine_map<(d0, d1) -> (0)>
module attributes {stable_mosaic.version = 14 : i64} {
  func.func @_sc_columns(%arg0: i32, %arg1: i32, %arg2: memref<4x8192xf32, #tpu.memory_space<hbm>>, %arg3: memref<4x8192xi32, #tpu.memory_space<hbm>>, %arg4: memref<4x8192xi32, #tpu.memory_space<hbm>>, %arg5: memref<4x8192xf32, #tpu.memory_space<hbm>>, %arg6: memref<32xf32, #tpu.memory_space<hbm>>, %arg7: memref<4x32xf32, #tpu.memory_space<hbm>>, %arg8: memref<1024xf32, #tpu.memory_space<vmem>>, %arg9: memref<1024xi32, #tpu.memory_space<vmem>>, %arg10: memref<1024xi32, #tpu.memory_space<vmem>>, %arg11: memref<1024xf32, #tpu.memory_space<vmem>>, %arg12: memref<8192xf32, #tpu.memory_space<vmem>>, %arg13: memref<8192xf32, #tpu.memory_space<vmem>>, %arg14: memref<8x1024xf32, #tpu.memory_space<vmem>>, %arg15: memref<8x1024xf32, #tpu.memory_space<vmem>>, %arg16: memref<8x128xf32, #tpu.memory_space<vmem>>, %arg17: memref<128xf32, #tpu.memory_space<vmem>>, %arg18: memref<32xf32, #tpu.memory_space<vmem>>, %arg19: memref<32xf32, #tpu.memory_space<vmem>>, %arg20: memref<2x8x2x8192xf32, #tpu.memory_space<vmem_shared>>, %arg21: memref<2x8x128xf32, #tpu.memory_space<vmem_shared>>, %arg22: memref<!tpu.dma_semaphore, #tpu.memory_space<semaphore_mem>>) attributes {dimension_semantics = [#tpu.dimension_semantics<core_parallel>, #tpu.dimension_semantics<subcore_parallel>], iteration_bounds = array<i64: 2, 16>, scalar_prefetch = 0 : i64, scratch_operands = 15 : i64, tpu.core_type = #tpu.core_type<sc_vector_subcore>, window_params = [{transform_indices = #map}, {transform_indices = #map}, {transform_indices = #map}, {transform_indices = #map}, {transform_indices = #map1}, {transform_indices = #map}]} {
    %jit3A = arith.constant 8 : i32
    %div3A = arith.divsi %arg1, %jit3A : i32
    %sign3A = arith.constant 0 : i32
    %sign3A_0 = arith.cmpi sgt, %arg1, %sign3A : i32
    %sign3A_1 = arith.extui %sign3A_0 : i1 to i32
    %sign3A_2 = arith.constant 0 : i32
    %sign3A_3 = arith.cmpi slt, %arg1, %sign3A_2 : i32
    %sign3A_4 = arith.extui %sign3A_3 : i1 to i32
    %sign3A_5 = arith.subi %sign3A_1, %sign3A_4 : i32
    %sign3A_6 = arith.constant 0 : i32
    %sign3A_7 = arith.cmpi sgt, %jit3A, %sign3A_6 : i32
    %sign3A_8 = arith.extui %sign3A_7 : i1 to i32
    %sign3A_9 = arith.constant 0 : i32
    %sign3A_10 = arith.cmpi slt, %jit3A, %sign3A_9 : i32
    %sign3A_11 = arith.extui %sign3A_10 : i1 to i32
    %sign3A_12 = arith.subi %sign3A_8, %sign3A_11 : i32
    %ne3A = arith.cmpi ne, %sign3A_5, %sign3A_12 : i32
    %rem3A = arith.remsi %arg1, %jit3A : i32
    %ne3A_13 = arith.constant 0 : i32
    %ne3A_14 = arith.cmpi ne, %rem3A, %ne3A_13 : i32
    %and3A = arith.andi %ne3A, %ne3A_14 : i1
    %sub3A = arith.constant 1 : i32
    %sub3A_15 = arith.subi %div3A, %sub3A : i32
    %select_n3A = arith.select %and3A, %sub3A_15, %div3A : i32
    %jit3A_16 = arith.constant 8 : i32
    %eq3A = arith.constant 0 : i32
    %eq3A_17 = arith.cmpi eq, %jit3A_16, %eq3A : i32
    %jit3A_18 = arith.constant 1 : i32
    %select_n3A_19 = arith.select %eq3A_17, %jit3A_18, %jit3A_16 : i32
    %rem3A_20 = arith.remsi %arg1, %select_n3A_19 : i32
    %ne3A_21 = arith.constant 0 : i32
    %ne3A_22 = arith.cmpi ne, %rem3A_20, %ne3A_21 : i32
    %lt3A = arith.constant 0 : i32
    %lt3A_23 = arith.cmpi slt, %rem3A_20, %lt3A : i32
    %lt3A_24 = arith.constant 0 : i32
    %lt3A_25 = arith.cmpi slt, %select_n3A_19, %lt3A_24 : i32
    %ne3A_26 = arith.xori %lt3A_23, %lt3A_25 : i1
    %and3A_27 = arith.andi %ne3A_26, %ne3A_22 : i1
    %add3A = arith.addi %rem3A_20, %select_n3A_19 : i32
    %select_n3A_28 = arith.select %and3A_27, %add3A, %rem3A_20 : i32
    %mul3A = arith.constant 2 : i32
    %mul3A_29 = arith.muli %arg0, %mul3A : i32
    %add3A_30 = arith.addi %mul3A_29, %select_n3A : i32
    %mul3A_31 = arith.constant 1024 : i32
    %mul3A_32 = arith.muli %select_n3A_28, %mul3A_31 : i32
    %dma_start3A = tpu.memref_slice %arg2[%add3A_30, %mul3A_32] : memref<4x8192xf32, #tpu.memory_space<hbm>> -> memref<1x1024xf32, #tpu.memory_space<hbm>>
    %dma_start3A_33 = tpu.memref_squeeze %dma_start3A : memref<1x1024xf32, #tpu.memory_space<hbm>> -> memref<1024xf32, #tpu.memory_space<hbm>>
    %dma_start3A_34 = tpu.memref_slice %arg2[%add3A_30, %mul3A_32] : memref<4x8192xf32, #tpu.memory_space<hbm>> -> memref<1x1024xf32, #tpu.memory_space<hbm>>
    %dma_start3A_35 = tpu.memref_squeeze %dma_start3A_34 : memref<1x1024xf32, #tpu.memory_space<hbm>> -> memref<1024xf32, #tpu.memory_space<hbm>>
    tpu.enqueue_dma source(%dma_start3A_35 : memref<1024xf32, #tpu.memory_space<hbm>>) target(%arg8 : memref<1024xf32, #tpu.memory_space<vmem>>) target_semaphore(%arg22 : memref<!tpu.dma_semaphore, #tpu.memory_space<semaphore_mem>>)
    %mul3A_36 = arith.constant 1024 : i32
    %mul3A_37 = arith.muli %select_n3A_28, %mul3A_36 : i32
    %dma_start3A_38 = tpu.memref_slice %arg3[%add3A_30, %mul3A_37] : memref<4x8192xi32, #tpu.memory_space<hbm>> -> memref<1x1024xi32, #tpu.memory_space<hbm>>
    %dma_start3A_39 = tpu.memref_squeeze %dma_start3A_38 : memref<1x1024xi32, #tpu.memory_space<hbm>> -> memref<1024xi32, #tpu.memory_space<hbm>>
    %dma_start3A_40 = tpu.memref_slice %arg3[%add3A_30, %mul3A_37] : memref<4x8192xi32, #tpu.memory_space<hbm>> -> memref<1x1024xi32, #tpu.memory_space<hbm>>
    %dma_start3A_41 = tpu.memref_squeeze %dma_start3A_40 : memref<1x1024xi32, #tpu.memory_space<hbm>> -> memref<1024xi32, #tpu.memory_space<hbm>>
    tpu.enqueue_dma source(%dma_start3A_41 : memref<1024xi32, #tpu.memory_space<hbm>>) target(%arg9 : memref<1024xi32, #tpu.memory_space<vmem>>) target_semaphore(%arg22 : memref<!tpu.dma_semaphore, #tpu.memory_space<semaphore_mem>>)
    %mul3A_42 = arith.constant 1024 : i32
    %mul3A_43 = arith.muli %select_n3A_28, %mul3A_42 : i32
    %dma_start3A_44 = tpu.memref_slice %arg4[%add3A_30, %mul3A_43] : memref<4x8192xi32, #tpu.memory_space<hbm>> -> memref<1x1024xi32, #tpu.memory_space<hbm>>
    %dma_start3A_45 = tpu.memref_squeeze %dma_start3A_44 : memref<1x1024xi32, #tpu.memory_space<hbm>> -> memref<1024xi32, #tpu.memory_space<hbm>>
    %dma_start3A_46 = tpu.memref_slice %arg4[%add3A_30, %mul3A_43] : memref<4x8192xi32, #tpu.memory_space<hbm>> -> memref<1x1024xi32, #tpu.memory_space<hbm>>
    %dma_start3A_47 = tpu.memref_squeeze %dma_start3A_46 : memref<1x1024xi32, #tpu.memory_space<hbm>> -> memref<1024xi32, #tpu.memory_space<hbm>>
    tpu.enqueue_dma source(%dma_start3A_47 : memref<1024xi32, #tpu.memory_space<hbm>>) target(%arg10 : memref<1024xi32, #tpu.memory_space<vmem>>) target_semaphore(%arg22 : memref<!tpu.dma_semaphore, #tpu.memory_space<semaphore_mem>>)
    %mul3A_48 = arith.constant 1024 : i32
    %mul3A_49 = arith.muli %select_n3A_28, %mul3A_48 : i32
    %dma_start3A_50 = tpu.memref_slice %arg5[%add3A_30, %mul3A_49] : memref<4x8192xf32, #tpu.memory_space<hbm>> -> memref<1x1024xf32, #tpu.memory_space<hbm>>
    %dma_start3A_51 = tpu.memref_squeeze %dma_start3A_50 : memref<1x1024xf32, #tpu.memory_space<hbm>> -> memref<1024xf32, #tpu.memory_space<hbm>>
    %dma_start3A_52 = tpu.memref_slice %arg5[%add3A_30, %mul3A_49] : memref<4x8192xf32, #tpu.memory_space<hbm>> -> memref<1x1024xf32, #tpu.memory_space<hbm>>
    %dma_start3A_53 = tpu.memref_squeeze %dma_start3A_52 : memref<1x1024xf32, #tpu.memory_space<hbm>> -> memref<1024xf32, #tpu.memory_space<hbm>>
    tpu.enqueue_dma source(%dma_start3A_53 : memref<1024xf32, #tpu.memory_space<hbm>>) target(%arg11 : memref<1024xf32, #tpu.memory_space<vmem>>) target_semaphore(%arg22 : memref<!tpu.dma_semaphore, #tpu.memory_space<semaphore_mem>>)
    tpu.enqueue_dma source(%arg6 : memref<32xf32, #tpu.memory_space<hbm>>) target(%arg18 : memref<32xf32, #tpu.memory_space<vmem>>) target_semaphore(%arg22 : memref<!tpu.dma_semaphore, #tpu.memory_space<semaphore_mem>>)
    %dma_wait3A = tpu.memref_slice %arg2[%add3A_30, %mul3A_32] : memref<4x8192xf32, #tpu.memory_space<hbm>> -> memref<1x1024xf32, #tpu.memory_space<hbm>>
    %dma_wait3A_54 = tpu.memref_squeeze %dma_wait3A : memref<1x1024xf32, #tpu.memory_space<hbm>> -> memref<1024xf32, #tpu.memory_space<hbm>>
    %dma_wait3A_55 = tpu.memref_slice %arg2[%add3A_30, %mul3A_32] : memref<4x8192xf32, #tpu.memory_space<hbm>> -> memref<1x1024xf32, #tpu.memory_space<hbm>>
    %dma_wait3A_56 = tpu.memref_squeeze %dma_wait3A_55 : memref<1x1024xf32, #tpu.memory_space<hbm>> -> memref<1024xf32, #tpu.memory_space<hbm>>
    tpu.wait_dma2 semaphore(%arg22 : memref<!tpu.dma_semaphore, #tpu.memory_space<semaphore_mem>>) src(%dma_wait3A_56 : memref<1024xf32, #tpu.memory_space<hbm>>) dst(%arg8 : memref<1024xf32, #tpu.memory_space<vmem>>)
    %dma_wait3A_57 = tpu.memref_slice %arg3[%add3A_30, %mul3A_37] : memref<4x8192xi32, #tpu.memory_space<hbm>> -> memref<1x1024xi32, #tpu.memory_space<hbm>>
    %dma_wait3A_58 = tpu.memref_squeeze %dma_wait3A_57 : memref<1x1024xi32, #tpu.memory_space<hbm>> -> memref<1024xi32, #tpu.memory_space<hbm>>
    %dma_wait3A_59 = tpu.memref_slice %arg3[%add3A_30, %mul3A_37] : memref<4x8192xi32, #tpu.memory_space<hbm>> -> memref<1x1024xi32, #tpu.memory_space<hbm>>
    %dma_wait3A_60 = tpu.memref_squeeze %dma_wait3A_59 : memref<1x1024xi32, #tpu.memory_space<hbm>> -> memref<1024xi32, #tpu.memory_space<hbm>>
    tpu.wait_dma2 semaphore(%arg22 : memref<!tpu.dma_semaphore, #tpu.memory_space<semaphore_mem>>) src(%dma_wait3A_60 : memref<1024xi32, #tpu.memory_space<hbm>>) dst(%arg9 : memref<1024xi32, #tpu.memory_space<vmem>>)
    %dma_wait3A_61 = tpu.memref_slice %arg4[%add3A_30, %mul3A_43] : memref<4x8192xi32, #tpu.memory_space<hbm>> -> memref<1x1024xi32, #tpu.memory_space<hbm>>
    %dma_wait3A_62 = tpu.memref_squeeze %dma_wait3A_61 : memref<1x1024xi32, #tpu.memory_space<hbm>> -> memref<1024xi32, #tpu.memory_space<hbm>>
    %dma_wait3A_63 = tpu.memref_slice %arg4[%add3A_30, %mul3A_43] : memref<4x8192xi32, #tpu.memory_space<hbm>> -> memref<1x1024xi32, #tpu.memory_space<hbm>>
    %dma_wait3A_64 = tpu.memref_squeeze %dma_wait3A_63 : memref<1x1024xi32, #tpu.memory_space<hbm>> -> memref<1024xi32, #tpu.memory_space<hbm>>
    tpu.wait_dma2 semaphore(%arg22 : memref<!tpu.dma_semaphore, #tpu.memory_space<semaphore_mem>>) src(%dma_wait3A_64 : memref<1024xi32, #tpu.memory_space<hbm>>) dst(%arg10 : memref<1024xi32, #tpu.memory_space<vmem>>)
    %dma_wait3A_65 = tpu.memref_slice %arg5[%add3A_30, %mul3A_49] : memref<4x8192xf32, #tpu.memory_space<hbm>> -> memref<1x1024xf32, #tpu.memory_space<hbm>>
    %dma_wait3A_66 = tpu.memref_squeeze %dma_wait3A_65 : memref<1x1024xf32, #tpu.memory_space<hbm>> -> memref<1024xf32, #tpu.memory_space<hbm>>
    %dma_wait3A_67 = tpu.memref_slice %arg5[%add3A_30, %mul3A_49] : memref<4x8192xf32, #tpu.memory_space<hbm>> -> memref<1x1024xf32, #tpu.memory_space<hbm>>
    %dma_wait3A_68 = tpu.memref_squeeze %dma_wait3A_67 : memref<1x1024xf32, #tpu.memory_space<hbm>> -> memref<1024xf32, #tpu.memory_space<hbm>>
    tpu.wait_dma2 semaphore(%arg22 : memref<!tpu.dma_semaphore, #tpu.memory_space<semaphore_mem>>) src(%dma_wait3A_68 : memref<1024xf32, #tpu.memory_space<hbm>>) dst(%arg11 : memref<1024xf32, #tpu.memory_space<vmem>>)
    tpu.wait_dma2 semaphore(%arg22 : memref<!tpu.dma_semaphore, #tpu.memory_space<semaphore_mem>>) src(%arg6 : memref<32xf32, #tpu.memory_space<hbm>>) dst(%arg18 : memref<32xf32, #tpu.memory_space<vmem>>)
    %broadcast_in_dim3A = arith.constant 0.000000e+00 : f32
    %broadcast_in_dim3A_69 = vector.broadcast %broadcast_in_dim3A : f32 to vector<16xf32>
    %broadcast_in_dim3A_70 = arith.constant 1.000000e+00 : f32
    %broadcast_in_dim3A_71 = vector.broadcast %broadcast_in_dim3A_70 : f32 to vector<16xf32>
    %scan3A = arith.constant 0 : i32
    %scan3A_72 = arith.constant 0 : i32
    %scan3A_73 = arith.constant 512 : i32
    %scan3A_74 = arith.addi %scan3A_72, %scan3A_73 : i32
    %scan3A_75 = arith.constant 8 : i32
    %scan3A_76 = scf.for %scan3A_586 = %scan3A_72 to %scan3A_74 step %scan3A_75 iter_args(%scan3A_587 = %scan3A) -> (i32)  : i32 {
      %mul3A_588 = arith.constant 16 : i32
      %mul3A_589 = arith.muli %scan3A_586, %mul3A_588 : i32
      %swap3A_590 = arith.index_cast %mul3A_589 : i32 to index
      %swap3A_591 = tpu.vector_load %arg12[%swap3A_590] {strides = array<i32>} : memref<8192xf32, #tpu.memory_space<vmem>>, vector<16xf32>,
      tpu.vector_store %arg12[%swap3A_590], %broadcast_in_dim3A_69 {strides = array<i32>} : memref<8192xf32, #tpu.memory_space<vmem>>, vector<16xf32>,
      %mul3A_592 = arith.constant 16 : i32
      %mul3A_593 = arith.muli %scan3A_586, %mul3A_592 : i32
      %swap3A_594 = arith.index_cast %mul3A_593 : i32 to index
      %swap3A_595 = tpu.vector_load %arg13[%swap3A_594] {strides = array<i32>} : memref<8192xf32, #tpu.memory_space<vmem>>, vector<16xf32>,
      tpu.vector_store %arg13[%swap3A_594], %broadcast_in_dim3A_69 {strides = array<i32>} : memref<8192xf32, #tpu.memory_space<vmem>>, vector<16xf32>,
      %scan3A_596 = arith.constant 0 : i32
      %scan3A_597 = arith.constant 1 : i32
      %scan3A_598 = arith.addi %scan3A_586, %scan3A_597 : i32
      %mul3A_599 = arith.constant 16 : i32
      %mul3A_600 = arith.muli %scan3A_598, %mul3A_599 : i32
      %swap3A_601 = arith.index_cast %mul3A_600 : i32 to index
      %swap3A_602 = tpu.vector_load %arg12[%swap3A_601] {strides = array<i32>} : memref<8192xf32, #tpu.memory_space<vmem>>, vector<16xf32>,
      tpu.vector_store %arg12[%swap3A_601], %broadcast_in_dim3A_69 {strides = array<i32>} : memref<8192xf32, #tpu.memory_space<vmem>>, vector<16xf32>,
      %mul3A_603 = arith.constant 16 : i32
      %mul3A_604 = arith.muli %scan3A_598, %mul3A_603 : i32
      %swap3A_605 = arith.index_cast %mul3A_604 : i32 to index
      %swap3A_606 = tpu.vector_load %arg13[%swap3A_605] {strides = array<i32>} : memref<8192xf32, #tpu.memory_space<vmem>>, vector<16xf32>,
      tpu.vector_store %arg13[%swap3A_605], %broadcast_in_dim3A_69 {strides = array<i32>} : memref<8192xf32, #tpu.memory_space<vmem>>, vector<16xf32>,
      %scan3A_607 = arith.constant 0 : i32
      %scan3A_608 = arith.constant 2 : i32
      %scan3A_609 = arith.addi %scan3A_586, %scan3A_608 : i32
      %mul3A_610 = arith.constant 16 : i32
      %mul3A_611 = arith.muli %scan3A_609, %mul3A_610 : i32
      %swap3A_612 = arith.index_cast %mul3A_611 : i32 to index
      %swap3A_613 = tpu.vector_load %arg12[%swap3A_612] {strides = array<i32>} : memref<8192xf32, #tpu.memory_space<vmem>>, vector<16xf32>,
      tpu.vector_store %arg12[%swap3A_612], %broadcast_in_dim3A_69 {strides = array<i32>} : memref<8192xf32, #tpu.memory_space<vmem>>, vector<16xf32>,
      %mul3A_614 = arith.constant 16 : i32
      %mul3A_615 = arith.muli %scan3A_609, %mul3A_614 : i32
      %swap3A_616 = arith.index_cast %mul3A_615 : i32 to index
      %swap3A_617 = tpu.vector_load %arg13[%swap3A_616] {strides = array<i32>} : memref<8192xf32, #tpu.memory_space<vmem>>, vector<16xf32>,
      tpu.vector_store %arg13[%swap3A_616], %broadcast_in_dim3A_69 {strides = array<i32>} : memref<8192xf32, #tpu.memory_space<vmem>>, vector<16xf32>,
      %scan3A_618 = arith.constant 0 : i32
      %scan3A_619 = arith.constant 3 : i32
      %scan3A_620 = arith.addi %scan3A_586, %scan3A_619 : i32
      %mul3A_621 = arith.constant 16 : i32
      %mul3A_622 = arith.muli %scan3A_620, %mul3A_621 : i32
      %swap3A_623 = arith.index_cast %mul3A_622 : i32 to index
      %swap3A_624 = tpu.vector_load %arg12[%swap3A_623] {strides = array<i32>} : memref<8192xf32, #tpu.memory_space<vmem>>, vector<16xf32>,
      tpu.vector_store %arg12[%swap3A_623], %broadcast_in_dim3A_69 {strides = array<i32>} : memref<8192xf32, #tpu.memory_space<vmem>>, vector<16xf32>,
      %mul3A_625 = arith.constant 16 : i32
      %mul3A_626 = arith.muli %scan3A_620, %mul3A_625 : i32
      %swap3A_627 = arith.index_cast %mul3A_626 : i32 to index
      %swap3A_628 = tpu.vector_load %arg13[%swap3A_627] {strides = array<i32>} : memref<8192xf32, #tpu.memory_space<vmem>>, vector<16xf32>,
      tpu.vector_store %arg13[%swap3A_627], %broadcast_in_dim3A_69 {strides = array<i32>} : memref<8192xf32, #tpu.memory_space<vmem>>, vector<16xf32>,
      %scan3A_629 = arith.constant 0 : i32
      %scan3A_630 = arith.constant 4 : i32
      %scan3A_631 = arith.addi %scan3A_586, %scan3A_630 : i32
      %mul3A_632 = arith.constant 16 : i32
      %mul3A_633 = arith.muli %scan3A_631, %mul3A_632 : i32
      %swap3A_634 = arith.index_cast %mul3A_633 : i32 to index
      %swap3A_635 = tpu.vector_load %arg12[%swap3A_634] {strides = array<i32>} : memref<8192xf32, #tpu.memory_space<vmem>>, vector<16xf32>,
      tpu.vector_store %arg12[%swap3A_634], %broadcast_in_dim3A_69 {strides = array<i32>} : memref<8192xf32, #tpu.memory_space<vmem>>, vector<16xf32>,
      %mul3A_636 = arith.constant 16 : i32
      %mul3A_637 = arith.muli %scan3A_631, %mul3A_636 : i32
      %swap3A_638 = arith.index_cast %mul3A_637 : i32 to index
      %swap3A_639 = tpu.vector_load %arg13[%swap3A_638] {strides = array<i32>} : memref<8192xf32, #tpu.memory_space<vmem>>, vector<16xf32>,
      tpu.vector_store %arg13[%swap3A_638], %broadcast_in_dim3A_69 {strides = array<i32>} : memref<8192xf32, #tpu.memory_space<vmem>>, vector<16xf32>,
      %scan3A_640 = arith.constant 0 : i32
      %scan3A_641 = arith.constant 5 : i32
      %scan3A_642 = arith.addi %scan3A_586, %scan3A_641 : i32
      %mul3A_643 = arith.constant 16 : i32
      %mul3A_644 = arith.muli %scan3A_642, %mul3A_643 : i32
      %swap3A_645 = arith.index_cast %mul3A_644 : i32 to index
      %swap3A_646 = tpu.vector_load %arg12[%swap3A_645] {strides = array<i32>} : memref<8192xf32, #tpu.memory_space<vmem>>, vector<16xf32>,
      tpu.vector_store %arg12[%swap3A_645], %broadcast_in_dim3A_69 {strides = array<i32>} : memref<8192xf32, #tpu.memory_space<vmem>>, vector<16xf32>,
      %mul3A_647 = arith.constant 16 : i32
      %mul3A_648 = arith.muli %scan3A_642, %mul3A_647 : i32
      %swap3A_649 = arith.index_cast %mul3A_648 : i32 to index
      %swap3A_650 = tpu.vector_load %arg13[%swap3A_649] {strides = array<i32>} : memref<8192xf32, #tpu.memory_space<vmem>>, vector<16xf32>,
      tpu.vector_store %arg13[%swap3A_649], %broadcast_in_dim3A_69 {strides = array<i32>} : memref<8192xf32, #tpu.memory_space<vmem>>, vector<16xf32>,
      %scan3A_651 = arith.constant 0 : i32
      %scan3A_652 = arith.constant 6 : i32
      %scan3A_653 = arith.addi %scan3A_586, %scan3A_652 : i32
      %mul3A_654 = arith.constant 16 : i32
      %mul3A_655 = arith.muli %scan3A_653, %mul3A_654 : i32
      %swap3A_656 = arith.index_cast %mul3A_655 : i32 to index
      %swap3A_657 = tpu.vector_load %arg12[%swap3A_656] {strides = array<i32>} : memref<8192xf32, #tpu.memory_space<vmem>>, vector<16xf32>,
      tpu.vector_store %arg12[%swap3A_656], %broadcast_in_dim3A_69 {strides = array<i32>} : memref<8192xf32, #tpu.memory_space<vmem>>, vector<16xf32>,
      %mul3A_658 = arith.constant 16 : i32
      %mul3A_659 = arith.muli %scan3A_653, %mul3A_658 : i32
      %swap3A_660 = arith.index_cast %mul3A_659 : i32 to index
      %swap3A_661 = tpu.vector_load %arg13[%swap3A_660] {strides = array<i32>} : memref<8192xf32, #tpu.memory_space<vmem>>, vector<16xf32>,
      tpu.vector_store %arg13[%swap3A_660], %broadcast_in_dim3A_69 {strides = array<i32>} : memref<8192xf32, #tpu.memory_space<vmem>>, vector<16xf32>,
      %scan3A_662 = arith.constant 0 : i32
      %scan3A_663 = arith.constant 7 : i32
      %scan3A_664 = arith.addi %scan3A_586, %scan3A_663 : i32
      %mul3A_665 = arith.constant 16 : i32
      %mul3A_666 = arith.muli %scan3A_664, %mul3A_665 : i32
      %swap3A_667 = arith.index_cast %mul3A_666 : i32 to index
      %swap3A_668 = tpu.vector_load %arg12[%swap3A_667] {strides = array<i32>} : memref<8192xf32, #tpu.memory_space<vmem>>, vector<16xf32>,
      tpu.vector_store %arg12[%swap3A_667], %broadcast_in_dim3A_69 {strides = array<i32>} : memref<8192xf32, #tpu.memory_space<vmem>>, vector<16xf32>,
      %mul3A_669 = arith.constant 16 : i32
      %mul3A_670 = arith.muli %scan3A_664, %mul3A_669 : i32
      %swap3A_671 = arith.index_cast %mul3A_670 : i32 to index
      %swap3A_672 = tpu.vector_load %arg13[%swap3A_671] {strides = array<i32>} : memref<8192xf32, #tpu.memory_space<vmem>>, vector<16xf32>,
      tpu.vector_store %arg13[%swap3A_671], %broadcast_in_dim3A_69 {strides = array<i32>} : memref<8192xf32, #tpu.memory_space<vmem>>, vector<16xf32>,
      %scan3A_673 = arith.constant 0 : i32
      scf.yield %scan3A_673 : i32
    }
    %scan3A_77 = arith.constant 512 : i32
    %scan3A_78 = arith.constant 0 : i32
    %scan3A_79 = arith.constant 0 : i32
    %scan3A_80 = arith.constant 64 : i32
    %scan3A_81 = arith.addi %scan3A_79, %scan3A_80 : i32
    %scan3A_82 = arith.constant 8 : i32
    %scan3A_83 = scf.for %scan3A_586 = %scan3A_79 to %scan3A_81 step %scan3A_82 iter_args(%scan3A_587 = %scan3A_78) -> (i32)  : i32 {
      %mul3A_588 = arith.constant 16 : i32
      %mul3A_589 = arith.muli %scan3A_586, %mul3A_588 : i32
      %get3A = arith.index_cast %mul3A_589 : i32 to index
      %get3A_590 = tpu.vector_load %arg9[%get3A] {strides = array<i32>} : memref<1024xi32, #tpu.memory_space<vmem>>, vector<16xi32>,
      %mul3A_591 = arith.constant 16 : i32
      %mul3A_592 = arith.muli %scan3A_586, %mul3A_591 : i32
      %get3A_593 = arith.index_cast %mul3A_592 : i32 to index
      %get3A_594 = tpu.vector_load %arg10[%get3A_593] {strides = array<i32>} : memref<1024xi32, #tpu.memory_space<vmem>>, vector<16xi32>,
      %mul3A_595 = arith.constant 16 : i32
      %mul3A_596 = arith.muli %scan3A_586, %mul3A_595 : i32
      %get3A_597 = arith.index_cast %mul3A_596 : i32 to index
      %get3A_598 = tpu.vector_load %arg8[%get3A_597] {strides = array<i32>} : memref<1024xf32, #tpu.memory_space<vmem>>, vector<16xf32>,
      %mul3A_599 = arith.constant 32 : i32
      %mul3A_600 = vector.broadcast %mul3A_599 : i32 to vector<16xi32>
      %mul3A_601 = arith.muli %get3A_590, %mul3A_600 : vector<16xi32>
      %add3A_602 = arith.addi %get3A_594, %mul3A_601 : vector<16xi32>
      tpu.vector_store_idx %arg12[%add3A_602], %get3A_598 {add = true} : memref<8192xf32, #tpu.memory_space<vmem>>[vector<16xi32>], vector<16xf32>,
      tpu.vector_store_idx %arg13[%add3A_602], %broadcast_in_dim3A_71 {add = true} : memref<8192xf32, #tpu.memory_space<vmem>>[vector<16xi32>], vector<16xf32>,
      %scan3A_603 = arith.constant 0 : i32
      %scan3A_604 = arith.constant 1 : i32
      %scan3A_605 = arith.addi %scan3A_586, %scan3A_604 : i32
      %mul3A_606 = arith.constant 16 : i32
      %mul3A_607 = arith.muli %scan3A_605, %mul3A_606 : i32
      %get3A_608 = arith.index_cast %mul3A_607 : i32 to index
      %get3A_609 = tpu.vector_load %arg9[%get3A_608] {strides = array<i32>} : memref<1024xi32, #tpu.memory_space<vmem>>, vector<16xi32>,
      %mul3A_610 = arith.constant 16 : i32
      %mul3A_611 = arith.muli %scan3A_605, %mul3A_610 : i32
      %get3A_612 = arith.index_cast %mul3A_611 : i32 to index
      %get3A_613 = tpu.vector_load %arg10[%get3A_612] {strides = array<i32>} : memref<1024xi32, #tpu.memory_space<vmem>>, vector<16xi32>,
      %mul3A_614 = arith.constant 16 : i32
      %mul3A_615 = arith.muli %scan3A_605, %mul3A_614 : i32
      %get3A_616 = arith.index_cast %mul3A_615 : i32 to index
      %get3A_617 = tpu.vector_load %arg8[%get3A_616] {strides = array<i32>} : memref<1024xf32, #tpu.memory_space<vmem>>, vector<16xf32>,
      %mul3A_618 = arith.constant 32 : i32
      %mul3A_619 = vector.broadcast %mul3A_618 : i32 to vector<16xi32>
      %mul3A_620 = arith.muli %get3A_609, %mul3A_619 : vector<16xi32>
      %add3A_621 = arith.addi %get3A_613, %mul3A_620 : vector<16xi32>
      tpu.vector_store_idx %arg12[%add3A_621], %get3A_617 {add = true} : memref<8192xf32, #tpu.memory_space<vmem>>[vector<16xi32>], vector<16xf32>,
      tpu.vector_store_idx %arg13[%add3A_621], %broadcast_in_dim3A_71 {add = true} : memref<8192xf32, #tpu.memory_space<vmem>>[vector<16xi32>], vector<16xf32>,
      %scan3A_622 = arith.constant 0 : i32
      %scan3A_623 = arith.constant 2 : i32
      %scan3A_624 = arith.addi %scan3A_586, %scan3A_623 : i32
      %mul3A_625 = arith.constant 16 : i32
      %mul3A_626 = arith.muli %scan3A_624, %mul3A_625 : i32
      %get3A_627 = arith.index_cast %mul3A_626 : i32 to index
      %get3A_628 = tpu.vector_load %arg9[%get3A_627] {strides = array<i32>} : memref<1024xi32, #tpu.memory_space<vmem>>, vector<16xi32>,
      %mul3A_629 = arith.constant 16 : i32
      %mul3A_630 = arith.muli %scan3A_624, %mul3A_629 : i32
      %get3A_631 = arith.index_cast %mul3A_630 : i32 to index
      %get3A_632 = tpu.vector_load %arg10[%get3A_631] {strides = array<i32>} : memref<1024xi32, #tpu.memory_space<vmem>>, vector<16xi32>,
      %mul3A_633 = arith.constant 16 : i32
      %mul3A_634 = arith.muli %scan3A_624, %mul3A_633 : i32
      %get3A_635 = arith.index_cast %mul3A_634 : i32 to index
      %get3A_636 = tpu.vector_load %arg8[%get3A_635] {strides = array<i32>} : memref<1024xf32, #tpu.memory_space<vmem>>, vector<16xf32>,
      %mul3A_637 = arith.constant 32 : i32
      %mul3A_638 = vector.broadcast %mul3A_637 : i32 to vector<16xi32>
      %mul3A_639 = arith.muli %get3A_628, %mul3A_638 : vector<16xi32>
      %add3A_640 = arith.addi %get3A_632, %mul3A_639 : vector<16xi32>
      tpu.vector_store_idx %arg12[%add3A_640], %get3A_636 {add = true} : memref<8192xf32, #tpu.memory_space<vmem>>[vector<16xi32>], vector<16xf32>,
      tpu.vector_store_idx %arg13[%add3A_640], %broadcast_in_dim3A_71 {add = true} : memref<8192xf32, #tpu.memory_space<vmem>>[vector<16xi32>], vector<16xf32>,
      %scan3A_641 = arith.constant 0 : i32
      %scan3A_642 = arith.constant 3 : i32
      %scan3A_643 = arith.addi %scan3A_586, %scan3A_642 : i32
      %mul3A_644 = arith.constant 16 : i32
      %mul3A_645 = arith.muli %scan3A_643, %mul3A_644 : i32
      %get3A_646 = arith.index_cast %mul3A_645 : i32 to index
      %get3A_647 = tpu.vector_load %arg9[%get3A_646] {strides = array<i32>} : memref<1024xi32, #tpu.memory_space<vmem>>, vector<16xi32>,
      %mul3A_648 = arith.constant 16 : i32
      %mul3A_649 = arith.muli %scan3A_643, %mul3A_648 : i32
      %get3A_650 = arith.index_cast %mul3A_649 : i32 to index
      %get3A_651 = tpu.vector_load %arg10[%get3A_650] {strides = array<i32>} : memref<1024xi32, #tpu.memory_space<vmem>>, vector<16xi32>,
      %mul3A_652 = arith.constant 16 : i32
      %mul3A_653 = arith.muli %scan3A_643, %mul3A_652 : i32
      %get3A_654 = arith.index_cast %mul3A_653 : i32 to index
      %get3A_655 = tpu.vector_load %arg8[%get3A_654] {strides = array<i32>} : memref<1024xf32, #tpu.memory_space<vmem>>, vector<16xf32>,
      %mul3A_656 = arith.constant 32 : i32
      %mul3A_657 = vector.broadcast %mul3A_656 : i32 to vector<16xi32>
      %mul3A_658 = arith.muli %get3A_647, %mul3A_657 : vector<16xi32>
      %add3A_659 = arith.addi %get3A_651, %mul3A_658 : vector<16xi32>
      tpu.vector_store_idx %arg12[%add3A_659], %get3A_655 {add = true} : memref<8192xf32, #tpu.memory_space<vmem>>[vector<16xi32>], vector<16xf32>,
      tpu.vector_store_idx %arg13[%add3A_659], %broadcast_in_dim3A_71 {add = true} : memref<8192xf32, #tpu.memory_space<vmem>>[vector<16xi32>], vector<16xf32>,
      %scan3A_660 = arith.constant 0 : i32
      %scan3A_661 = arith.constant 4 : i32
      %scan3A_662 = arith.addi %scan3A_586, %scan3A_661 : i32
      %mul3A_663 = arith.constant 16 : i32
      %mul3A_664 = arith.muli %scan3A_662, %mul3A_663 : i32
      %get3A_665 = arith.index_cast %mul3A_664 : i32 to index
      %get3A_666 = tpu.vector_load %arg9[%get3A_665] {strides = array<i32>} : memref<1024xi32, #tpu.memory_space<vmem>>, vector<16xi32>,
      %mul3A_667 = arith.constant 16 : i32
      %mul3A_668 = arith.muli %scan3A_662, %mul3A_667 : i32
      %get3A_669 = arith.index_cast %mul3A_668 : i32 to index
      %get3A_670 = tpu.vector_load %arg10[%get3A_669] {strides = array<i32>} : memref<1024xi32, #tpu.memory_space<vmem>>, vector<16xi32>,
      %mul3A_671 = arith.constant 16 : i32
      %mul3A_672 = arith.muli %scan3A_662, %mul3A_671 : i32
      %get3A_673 = arith.index_cast %mul3A_672 : i32 to index
      %get3A_674 = tpu.vector_load %arg8[%get3A_673] {strides = array<i32>} : memref<1024xf32, #tpu.memory_space<vmem>>, vector<16xf32>,
      %mul3A_675 = arith.constant 32 : i32
      %mul3A_676 = vector.broadcast %mul3A_675 : i32 to vector<16xi32>
      %mul3A_677 = arith.muli %get3A_666, %mul3A_676 : vector<16xi32>
      %add3A_678 = arith.addi %get3A_670, %mul3A_677 : vector<16xi32>
      tpu.vector_store_idx %arg12[%add3A_678], %get3A_674 {add = true} : memref<8192xf32, #tpu.memory_space<vmem>>[vector<16xi32>], vector<16xf32>,
      tpu.vector_store_idx %arg13[%add3A_678], %broadcast_in_dim3A_71 {add = true} : memref<8192xf32, #tpu.memory_space<vmem>>[vector<16xi32>], vector<16xf32>,
      %scan3A_679 = arith.constant 0 : i32
      %scan3A_680 = arith.constant 5 : i32
      %scan3A_681 = arith.addi %scan3A_586, %scan3A_680 : i32
      %mul3A_682 = arith.constant 16 : i32
      %mul3A_683 = arith.muli %scan3A_681, %mul3A_682 : i32
      %get3A_684 = arith.index_cast %mul3A_683 : i32 to index
      %get3A_685 = tpu.vector_load %arg9[%get3A_684] {strides = array<i32>} : memref<1024xi32, #tpu.memory_space<vmem>>, vector<16xi32>,
      %mul3A_686 = arith.constant 16 : i32
      %mul3A_687 = arith.muli %scan3A_681, %mul3A_686 : i32
      %get3A_688 = arith.index_cast %mul3A_687 : i32 to index
      %get3A_689 = tpu.vector_load %arg10[%get3A_688] {strides = array<i32>} : memref<1024xi32, #tpu.memory_space<vmem>>, vector<16xi32>,
      %mul3A_690 = arith.constant 16 : i32
      %mul3A_691 = arith.muli %scan3A_681, %mul3A_690 : i32
      %get3A_692 = arith.index_cast %mul3A_691 : i32 to index
      %get3A_693 = tpu.vector_load %arg8[%get3A_692] {strides = array<i32>} : memref<1024xf32, #tpu.memory_space<vmem>>, vector<16xf32>,
      %mul3A_694 = arith.constant 32 : i32
      %mul3A_695 = vector.broadcast %mul3A_694 : i32 to vector<16xi32>
      %mul3A_696 = arith.muli %get3A_685, %mul3A_695 : vector<16xi32>
      %add3A_697 = arith.addi %get3A_689, %mul3A_696 : vector<16xi32>
      tpu.vector_store_idx %arg12[%add3A_697], %get3A_693 {add = true} : memref<8192xf32, #tpu.memory_space<vmem>>[vector<16xi32>], vector<16xf32>,
      tpu.vector_store_idx %arg13[%add3A_697], %broadcast_in_dim3A_71 {add = true} : memref<8192xf32, #tpu.memory_space<vmem>>[vector<16xi32>], vector<16xf32>,
      %scan3A_698 = arith.constant 0 : i32
      %scan3A_699 = arith.constant 6 : i32
      %scan3A_700 = arith.addi %scan3A_586, %scan3A_699 : i32
      %mul3A_701 = arith.constant 16 : i32
      %mul3A_702 = arith.muli %scan3A_700, %mul3A_701 : i32
      %get3A_703 = arith.index_cast %mul3A_702 : i32 to index
      %get3A_704 = tpu.vector_load %arg9[%get3A_703] {strides = array<i32>} : memref<1024xi32, #tpu.memory_space<vmem>>, vector<16xi32>,
      %mul3A_705 = arith.constant 16 : i32
      %mul3A_706 = arith.muli %scan3A_700, %mul3A_705 : i32
      %get3A_707 = arith.index_cast %mul3A_706 : i32 to index
      %get3A_708 = tpu.vector_load %arg10[%get3A_707] {strides = array<i32>} : memref<1024xi32, #tpu.memory_space<vmem>>, vector<16xi32>,
      %mul3A_709 = arith.constant 16 : i32
      %mul3A_710 = arith.muli %scan3A_700, %mul3A_709 : i32
      %get3A_711 = arith.index_cast %mul3A_710 : i32 to index
      %get3A_712 = tpu.vector_load %arg8[%get3A_711] {strides = array<i32>} : memref<1024xf32, #tpu.memory_space<vmem>>, vector<16xf32>,
      %mul3A_713 = arith.constant 32 : i32
      %mul3A_714 = vector.broadcast %mul3A_713 : i32 to vector<16xi32>
      %mul3A_715 = arith.muli %get3A_704, %mul3A_714 : vector<16xi32>
      %add3A_716 = arith.addi %get3A_708, %mul3A_715 : vector<16xi32>
      tpu.vector_store_idx %arg12[%add3A_716], %get3A_712 {add = true} : memref<8192xf32, #tpu.memory_space<vmem>>[vector<16xi32>], vector<16xf32>,
      tpu.vector_store_idx %arg13[%add3A_716], %broadcast_in_dim3A_71 {add = true} : memref<8192xf32, #tpu.memory_space<vmem>>[vector<16xi32>], vector<16xf32>,
      %scan3A_717 = arith.constant 0 : i32
      %scan3A_718 = arith.constant 7 : i32
      %scan3A_719 = arith.addi %scan3A_586, %scan3A_718 : i32
      %mul3A_720 = arith.constant 16 : i32
      %mul3A_721 = arith.muli %scan3A_719, %mul3A_720 : i32
      %get3A_722 = arith.index_cast %mul3A_721 : i32 to index
      %get3A_723 = tpu.vector_load %arg9[%get3A_722] {strides = array<i32>} : memref<1024xi32, #tpu.memory_space<vmem>>, vector<16xi32>,
      %mul3A_724 = arith.constant 16 : i32
      %mul3A_725 = arith.muli %scan3A_719, %mul3A_724 : i32
      %get3A_726 = arith.index_cast %mul3A_725 : i32 to index
      %get3A_727 = tpu.vector_load %arg10[%get3A_726] {strides = array<i32>} : memref<1024xi32, #tpu.memory_space<vmem>>, vector<16xi32>,
      %mul3A_728 = arith.constant 16 : i32
      %mul3A_729 = arith.muli %scan3A_719, %mul3A_728 : i32
      %get3A_730 = arith.index_cast %mul3A_729 : i32 to index
      %get3A_731 = tpu.vector_load %arg8[%get3A_730] {strides = array<i32>} : memref<1024xf32, #tpu.memory_space<vmem>>, vector<16xf32>,
      %mul3A_732 = arith.constant 32 : i32
      %mul3A_733 = vector.broadcast %mul3A_732 : i32 to vector<16xi32>
      %mul3A_734 = arith.muli %get3A_723, %mul3A_733 : vector<16xi32>
      %add3A_735 = arith.addi %get3A_727, %mul3A_734 : vector<16xi32>
      tpu.vector_store_idx %arg12[%add3A_735], %get3A_731 {add = true} : memref<8192xf32, #tpu.memory_space<vmem>>[vector<16xi32>], vector<16xf32>,
      tpu.vector_store_idx %arg13[%add3A_735], %broadcast_in_dim3A_71 {add = true} : memref<8192xf32, #tpu.memory_space<vmem>>[vector<16xi32>], vector<16xf32>,
      %scan3A_736 = arith.constant 0 : i32
      scf.yield %scan3A_736 : i32
    }
    %scan3A_84 = arith.constant 64 : i32
    %dma_start3A_85 = arith.constant 0 : i32
    %dma_start3A_86 = arith.constant 0 : i32
    %dma_start3A_87 = tpu.memref_slice %arg20[%select_n3A, %select_n3A_28, %dma_start3A_85, %dma_start3A_86] : memref<2x8x2x8192xf32, #tpu.memory_space<vmem_shared>> -> memref<1x1x1x8192xf32, #tpu.memory_space<vmem_shared>>
    %dma_start3A_88 = tpu.memref_squeeze %dma_start3A_87 : memref<1x1x1x8192xf32, #tpu.memory_space<vmem_shared>> -> memref<8192xf32, #tpu.memory_space<vmem_shared>>
    %dma_start3A_89 = arith.constant 0 : i32
    %dma_start3A_90 = tpu.memref_slice %arg20[%select_n3A, %select_n3A_28, %dma_start3A_85, %dma_start3A_89] : memref<2x8x2x8192xf32, #tpu.memory_space<vmem_shared>> -> memref<1x1x1x8192xf32, #tpu.memory_space<vmem_shared>>
    %dma_start3A_91 = tpu.memref_squeeze %dma_start3A_90 : memref<1x1x1x8192xf32, #tpu.memory_space<vmem_shared>> -> memref<8192xf32, #tpu.memory_space<vmem_shared>>
    tpu.enqueue_dma source(%arg12 : memref<8192xf32, #tpu.memory_space<vmem>>) target(%dma_start3A_91 : memref<8192xf32, #tpu.memory_space<vmem_shared>>) target_semaphore(%arg22 : memref<!tpu.dma_semaphore, #tpu.memory_space<semaphore_mem>>)
    %dma_start3A_92 = arith.constant 1 : i32
    %dma_start3A_93 = arith.constant 0 : i32
    %dma_start3A_94 = tpu.memref_slice %arg20[%select_n3A, %select_n3A_28, %dma_start3A_92, %dma_start3A_93] : memref<2x8x2x8192xf32, #tpu.memory_space<vmem_shared>> -> memref<1x1x1x8192xf32, #tpu.memory_space<vmem_shared>>
    %dma_start3A_95 = tpu.memref_squeeze %dma_start3A_94 : memref<1x1x1x8192xf32, #tpu.memory_space<vmem_shared>> -> memref<8192xf32, #tpu.memory_space<vmem_shared>>
    %dma_start3A_96 = arith.constant 0 : i32
    %dma_start3A_97 = tpu.memref_slice %arg20[%select_n3A, %select_n3A_28, %dma_start3A_92, %dma_start3A_96] : memref<2x8x2x8192xf32, #tpu.memory_space<vmem_shared>> -> memref<1x1x1x8192xf32, #tpu.memory_space<vmem_shared>>
    %dma_start3A_98 = tpu.memref_squeeze %dma_start3A_97 : memref<1x1x1x8192xf32, #tpu.memory_space<vmem_shared>> -> memref<8192xf32, #tpu.memory_space<vmem_shared>>
    tpu.enqueue_dma source(%arg13 : memref<8192xf32, #tpu.memory_space<vmem>>) target(%dma_start3A_98 : memref<8192xf32, #tpu.memory_space<vmem_shared>>) target_semaphore(%arg22 : memref<!tpu.dma_semaphore, #tpu.memory_space<semaphore_mem>>)
    %dma_wait3A_99 = arith.constant 0 : i32
    %dma_wait3A_100 = arith.constant 0 : i32
    %dma_wait3A_101 = tpu.memref_slice %arg20[%select_n3A, %select_n3A_28, %dma_wait3A_99, %dma_wait3A_100] : memref<2x8x2x8192xf32, #tpu.memory_space<vmem_shared>> -> memref<1x1x1x8192xf32, #tpu.memory_space<vmem_shared>>
    %dma_wait3A_102 = tpu.memref_squeeze %dma_wait3A_101 : memref<1x1x1x8192xf32, #tpu.memory_space<vmem_shared>> -> memref<8192xf32, #tpu.memory_space<vmem_shared>>
    %dma_wait3A_103 = arith.constant 0 : i32
    %dma_wait3A_104 = tpu.memref_slice %arg20[%select_n3A, %select_n3A_28, %dma_wait3A_99, %dma_wait3A_103] : memref<2x8x2x8192xf32, #tpu.memory_space<vmem_shared>> -> memref<1x1x1x8192xf32, #tpu.memory_space<vmem_shared>>
    %dma_wait3A_105 = tpu.memref_squeeze %dma_wait3A_104 : memref<1x1x1x8192xf32, #tpu.memory_space<vmem_shared>> -> memref<8192xf32, #tpu.memory_space<vmem_shared>>
    tpu.wait_dma2 semaphore(%arg22 : memref<!tpu.dma_semaphore, #tpu.memory_space<semaphore_mem>>) src(%arg12 : memref<8192xf32, #tpu.memory_space<vmem>>) dst(%dma_wait3A_105 : memref<8192xf32, #tpu.memory_space<vmem_shared>>)
    %dma_wait3A_106 = arith.constant 1 : i32
    %dma_wait3A_107 = arith.constant 0 : i32
    %dma_wait3A_108 = tpu.memref_slice %arg20[%select_n3A, %select_n3A_28, %dma_wait3A_106, %dma_wait3A_107] : memref<2x8x2x8192xf32, #tpu.memory_space<vmem_shared>> -> memref<1x1x1x8192xf32, #tpu.memory_space<vmem_shared>>
    %dma_wait3A_109 = tpu.memref_squeeze %dma_wait3A_108 : memref<1x1x1x8192xf32, #tpu.memory_space<vmem_shared>> -> memref<8192xf32, #tpu.memory_space<vmem_shared>>
    %dma_wait3A_110 = arith.constant 0 : i32
    %dma_wait3A_111 = tpu.memref_slice %arg20[%select_n3A, %select_n3A_28, %dma_wait3A_106, %dma_wait3A_110] : memref<2x8x2x8192xf32, #tpu.memory_space<vmem_shared>> -> memref<1x1x1x8192xf32, #tpu.memory_space<vmem_shared>>
    %dma_wait3A_112 = tpu.memref_squeeze %dma_wait3A_111 : memref<1x1x1x8192xf32, #tpu.memory_space<vmem_shared>> -> memref<8192xf32, #tpu.memory_space<vmem_shared>>
    tpu.wait_dma2 semaphore(%arg22 : memref<!tpu.dma_semaphore, #tpu.memory_space<semaphore_mem>>) src(%arg13 : memref<8192xf32, #tpu.memory_space<vmem>>) dst(%dma_wait3A_112 : memref<8192xf32, #tpu.memory_space<vmem_shared>>)
    %barrier3A = arith.constant 0 : index
    tpu.barrier barrier_id(%barrier3A)
    %mul3A_113 = arith.constant 1024 : i32
    %mul3A_114 = arith.muli %select_n3A_28, %mul3A_113 : i32
    %dma_start3A_115 = arith.constant 0 : i32
    %dma_start3A_116 = arith.constant 0 : i32
    %dma_start3A_117 = arith.constant 0 : i32
    %dma_start3A_118 = arith.constant 0 : i32
    %dma_start3A_119 = tpu.memref_slice %arg14[%dma_start3A_117, %dma_start3A_118] : memref<8x1024xf32, #tpu.memory_space<vmem>> -> memref<1x1024xf32, #tpu.memory_space<vmem>>
    %dma_start3A_120 = tpu.memref_squeeze %dma_start3A_119 : memref<1x1024xf32, #tpu.memory_space<vmem>> -> memref<1024xf32, #tpu.memory_space<vmem>>
    %dma_start3A_121 = tpu.memref_slice %arg20[%select_n3A, %dma_start3A_115, %dma_start3A_116, %mul3A_114] : memref<2x8x2x8192xf32, #tpu.memory_space<vmem_shared>> -> memref<1x1x1x1024xf32, #tpu.memory_space<vmem_shared>>
    %dma_start3A_122 = tpu.memref_squeeze %dma_start3A_121 : memref<1x1x1x1024xf32, #tpu.memory_space<vmem_shared>> -> memref<1024xf32, #tpu.memory_space<vmem_shared>>
    %dma_start3A_123 = arith.constant 0 : i32
    %dma_start3A_124 = tpu.memref_slice %arg14[%dma_start3A_117, %dma_start3A_123] : memref<8x1024xf32, #tpu.memory_space<vmem>> -> memref<1x1024xf32, #tpu.memory_space<vmem>>
    %dma_start3A_125 = tpu.memref_squeeze %dma_start3A_124 : memref<1x1024xf32, #tpu.memory_space<vmem>> -> memref<1024xf32, #tpu.memory_space<vmem>>
    %dma_start3A_126 = tpu.memref_slice %arg20[%select_n3A, %dma_start3A_115, %dma_start3A_116, %mul3A_114] : memref<2x8x2x8192xf32, #tpu.memory_space<vmem_shared>> -> memref<1x1x1x1024xf32, #tpu.memory_space<vmem_shared>>
    %dma_start3A_127 = tpu.memref_squeeze %dma_start3A_126 : memref<1x1x1x1024xf32, #tpu.memory_space<vmem_shared>> -> memref<1024xf32, #tpu.memory_space<vmem_shared>>
    tpu.enqueue_dma source(%dma_start3A_127 : memref<1024xf32, #tpu.memory_space<vmem_shared>>) target(%dma_start3A_125 : memref<1024xf32, #tpu.memory_space<vmem>>) target_semaphore(%arg22 : memref<!tpu.dma_semaphore, #tpu.memory_space<semaphore_mem>>)
    %mul3A_128 = arith.constant 1024 : i32
    %mul3A_129 = arith.muli %select_n3A_28, %mul3A_128 : i32
    %dma_start3A_130 = arith.constant 0 : i32
    %dma_start3A_131 = arith.constant 1 : i32
    %dma_start3A_132 = arith.constant 0 : i32
    %dma_start3A_133 = arith.constant 0 : i32
    %dma_start3A_134 = tpu.memref_slice %arg15[%dma_start3A_132, %dma_start3A_133] : memref<8x1024xf32, #tpu.memory_space<vmem>> -> memref<1x1024xf32, #tpu.memory_space<vmem>>
    %dma_start3A_135 = tpu.memref_squeeze %dma_start3A_134 : memref<1x1024xf32, #tpu.memory_space<vmem>> -> memref<1024xf32, #tpu.memory_space<vmem>>
    %dma_start3A_136 = tpu.memref_slice %arg20[%select_n3A, %dma_start3A_130, %dma_start3A_131, %mul3A_129] : memref<2x8x2x8192xf32, #tpu.memory_space<vmem_shared>> -> memref<1x1x1x1024xf32, #tpu.memory_space<vmem_shared>>
    %dma_start3A_137 = tpu.memref_squeeze %dma_start3A_136 : memref<1x1x1x1024xf32, #tpu.memory_space<vmem_shared>> -> memref<1024xf32, #tpu.memory_space<vmem_shared>>
    %dma_start3A_138 = arith.constant 0 : i32
    %dma_start3A_139 = tpu.memref_slice %arg15[%dma_start3A_132, %dma_start3A_138] : memref<8x1024xf32, #tpu.memory_space<vmem>> -> memref<1x1024xf32, #tpu.memory_space<vmem>>
    %dma_start3A_140 = tpu.memref_squeeze %dma_start3A_139 : memref<1x1024xf32, #tpu.memory_space<vmem>> -> memref<1024xf32, #tpu.memory_space<vmem>>
    %dma_start3A_141 = tpu.memref_slice %arg20[%select_n3A, %dma_start3A_130, %dma_start3A_131, %mul3A_129] : memref<2x8x2x8192xf32, #tpu.memory_space<vmem_shared>> -> memref<1x1x1x1024xf32, #tpu.memory_space<vmem_shared>>
    %dma_start3A_142 = tpu.memref_squeeze %dma_start3A_141 : memref<1x1x1x1024xf32, #tpu.memory_space<vmem_shared>> -> memref<1024xf32, #tpu.memory_space<vmem_shared>>
    tpu.enqueue_dma source(%dma_start3A_142 : memref<1024xf32, #tpu.memory_space<vmem_shared>>) target(%dma_start3A_140 : memref<1024xf32, #tpu.memory_space<vmem>>) target_semaphore(%arg22 : memref<!tpu.dma_semaphore, #tpu.memory_space<semaphore_mem>>)
    %mul3A_143 = arith.constant 1024 : i32
    %mul3A_144 = arith.muli %select_n3A_28, %mul3A_143 : i32
    %dma_start3A_145 = arith.constant 1 : i32
    %dma_start3A_146 = arith.constant 0 : i32
    %dma_start3A_147 = arith.constant 1 : i32
    %dma_start3A_148 = arith.constant 0 : i32
    %dma_start3A_149 = tpu.memref_slice %arg14[%dma_start3A_147, %dma_start3A_148] : memref<8x1024xf32, #tpu.memory_space<vmem>> -> memref<1x1024xf32, #tpu.memory_space<vmem>>
    %dma_start3A_150 = tpu.memref_squeeze %dma_start3A_149 : memref<1x1024xf32, #tpu.memory_space<vmem>> -> memref<1024xf32, #tpu.memory_space<vmem>>
    %dma_start3A_151 = tpu.memref_slice %arg20[%select_n3A, %dma_start3A_145, %dma_start3A_146, %mul3A_144] : memref<2x8x2x8192xf32, #tpu.memory_space<vmem_shared>> -> memref<1x1x1x1024xf32, #tpu.memory_space<vmem_shared>>
    %dma_start3A_152 = tpu.memref_squeeze %dma_start3A_151 : memref<1x1x1x1024xf32, #tpu.memory_space<vmem_shared>> -> memref<1024xf32, #tpu.memory_space<vmem_shared>>
    %dma_start3A_153 = arith.constant 0 : i32
    %dma_start3A_154 = tpu.memref_slice %arg14[%dma_start3A_147, %dma_start3A_153] : memref<8x1024xf32, #tpu.memory_space<vmem>> -> memref<1x1024xf32, #tpu.memory_space<vmem>>
    %dma_start3A_155 = tpu.memref_squeeze %dma_start3A_154 : memref<1x1024xf32, #tpu.memory_space<vmem>> -> memref<1024xf32, #tpu.memory_space<vmem>>
    %dma_start3A_156 = tpu.memref_slice %arg20[%select_n3A, %dma_start3A_145, %dma_start3A_146, %mul3A_144] : memref<2x8x2x8192xf32, #tpu.memory_space<vmem_shared>> -> memref<1x1x1x1024xf32, #tpu.memory_space<vmem_shared>>
    %dma_start3A_157 = tpu.memref_squeeze %dma_start3A_156 : memref<1x1x1x1024xf32, #tpu.memory_space<vmem_shared>> -> memref<1024xf32, #tpu.memory_space<vmem_shared>>
    tpu.enqueue_dma source(%dma_start3A_157 : memref<1024xf32, #tpu.memory_space<vmem_shared>>) target(%dma_start3A_155 : memref<1024xf32, #tpu.memory_space<vmem>>) target_semaphore(%arg22 : memref<!tpu.dma_semaphore, #tpu.memory_space<semaphore_mem>>)
    %mul3A_158 = arith.constant 1024 : i32
    %mul3A_159 = arith.muli %select_n3A_28, %mul3A_158 : i32
    %dma_start3A_160 = arith.constant 1 : i32
    %dma_start3A_161 = arith.constant 1 : i32
    %dma_start3A_162 = arith.constant 1 : i32
    %dma_start3A_163 = arith.constant 0 : i32
    %dma_start3A_164 = tpu.memref_slice %arg15[%dma_start3A_162, %dma_start3A_163] : memref<8x1024xf32, #tpu.memory_space<vmem>> -> memref<1x1024xf32, #tpu.memory_space<vmem>>
    %dma_start3A_165 = tpu.memref_squeeze %dma_start3A_164 : memref<1x1024xf32, #tpu.memory_space<vmem>> -> memref<1024xf32, #tpu.memory_space<vmem>>
    %dma_start3A_166 = tpu.memref_slice %arg20[%select_n3A, %dma_start3A_160, %dma_start3A_161, %mul3A_159] : memref<2x8x2x8192xf32, #tpu.memory_space<vmem_shared>> -> memref<1x1x1x1024xf32, #tpu.memory_space<vmem_shared>>
    %dma_start3A_167 = tpu.memref_squeeze %dma_start3A_166 : memref<1x1x1x1024xf32, #tpu.memory_space<vmem_shared>> -> memref<1024xf32, #tpu.memory_space<vmem_shared>>
    %dma_start3A_168 = arith.constant 0 : i32
    %dma_start3A_169 = tpu.memref_slice %arg15[%dma_start3A_162, %dma_start3A_168] : memref<8x1024xf32, #tpu.memory_space<vmem>> -> memref<1x1024xf32, #tpu.memory_space<vmem>>
    %dma_start3A_170 = tpu.memref_squeeze %dma_start3A_169 : memref<1x1024xf32, #tpu.memory_space<vmem>> -> memref<1024xf32, #tpu.memory_space<vmem>>
    %dma_start3A_171 = tpu.memref_slice %arg20[%select_n3A, %dma_start3A_160, %dma_start3A_161, %mul3A_159] : memref<2x8x2x8192xf32, #tpu.memory_space<vmem_shared>> -> memref<1x1x1x1024xf32, #tpu.memory_space<vmem_shared>>
    %dma_start3A_172 = tpu.memref_squeeze %dma_start3A_171 : memref<1x1x1x1024xf32, #tpu.memory_space<vmem_shared>> -> memref<1024xf32, #tpu.memory_space<vmem_shared>>
    tpu.enqueue_dma source(%dma_start3A_172 : memref<1024xf32, #tpu.memory_space<vmem_shared>>) target(%dma_start3A_170 : memref<1024xf32, #tpu.memory_space<vmem>>) target_semaphore(%arg22 : memref<!tpu.dma_semaphore, #tpu.memory_space<semaphore_mem>>)
    %mul3A_173 = arith.constant 1024 : i32
    %mul3A_174 = arith.muli %select_n3A_28, %mul3A_173 : i32
    %dma_start3A_175 = arith.constant 2 : i32
    %dma_start3A_176 = arith.constant 0 : i32
    %dma_start3A_177 = arith.constant 2 : i32
    %dma_start3A_178 = arith.constant 0 : i32
    %dma_start3A_179 = tpu.memref_slice %arg14[%dma_start3A_177, %dma_start3A_178] : memref<8x1024xf32, #tpu.memory_space<vmem>> -> memref<1x1024xf32, #tpu.memory_space<vmem>>
    %dma_start3A_180 = tpu.memref_squeeze %dma_start3A_179 : memref<1x1024xf32, #tpu.memory_space<vmem>> -> memref<1024xf32, #tpu.memory_space<vmem>>
    %dma_start3A_181 = tpu.memref_slice %arg20[%select_n3A, %dma_start3A_175, %dma_start3A_176, %mul3A_174] : memref<2x8x2x8192xf32, #tpu.memory_space<vmem_shared>> -> memref<1x1x1x1024xf32, #tpu.memory_space<vmem_shared>>
    %dma_start3A_182 = tpu.memref_squeeze %dma_start3A_181 : memref<1x1x1x1024xf32, #tpu.memory_space<vmem_shared>> -> memref<1024xf32, #tpu.memory_space<vmem_shared>>
    %dma_start3A_183 = arith.constant 0 : i32
    %dma_start3A_184 = tpu.memref_slice %arg14[%dma_start3A_177, %dma_start3A_183] : memref<8x1024xf32, #tpu.memory_space<vmem>> -> memref<1x1024xf32, #tpu.memory_space<vmem>>
    %dma_start3A_185 = tpu.memref_squeeze %dma_start3A_184 : memref<1x1024xf32, #tpu.memory_space<vmem>> -> memref<1024xf32, #tpu.memory_space<vmem>>
    %dma_start3A_186 = tpu.memref_slice %arg20[%select_n3A, %dma_start3A_175, %dma_start3A_176, %mul3A_174] : memref<2x8x2x8192xf32, #tpu.memory_space<vmem_shared>> -> memref<1x1x1x1024xf32, #tpu.memory_space<vmem_shared>>
    %dma_start3A_187 = tpu.memref_squeeze %dma_start3A_186 : memref<1x1x1x1024xf32, #tpu.memory_space<vmem_shared>> -> memref<1024xf32, #tpu.memory_space<vmem_shared>>
    tpu.enqueue_dma source(%dma_start3A_187 : memref<1024xf32, #tpu.memory_space<vmem_shared>>) target(%dma_start3A_185 : memref<1024xf32, #tpu.memory_space<vmem>>) target_semaphore(%arg22 : memref<!tpu.dma_semaphore, #tpu.memory_space<semaphore_mem>>)
    %mul3A_188 = arith.constant 1024 : i32
    %mul3A_189 = arith.muli %select_n3A_28, %mul3A_188 : i32
    %dma_start3A_190 = arith.constant 2 : i32
    %dma_start3A_191 = arith.constant 1 : i32
    %dma_start3A_192 = arith.constant 2 : i32
    %dma_start3A_193 = arith.constant 0 : i32
    %dma_start3A_194 = tpu.memref_slice %arg15[%dma_start3A_192, %dma_start3A_193] : memref<8x1024xf32, #tpu.memory_space<vmem>> -> memref<1x1024xf32, #tpu.memory_space<vmem>>
    %dma_start3A_195 = tpu.memref_squeeze %dma_start3A_194 : memref<1x1024xf32, #tpu.memory_space<vmem>> -> memref<1024xf32, #tpu.memory_space<vmem>>
    %dma_start3A_196 = tpu.memref_slice %arg20[%select_n3A, %dma_start3A_190, %dma_start3A_191, %mul3A_189] : memref<2x8x2x8192xf32, #tpu.memory_space<vmem_shared>> -> memref<1x1x1x1024xf32, #tpu.memory_space<vmem_shared>>
    %dma_start3A_197 = tpu.memref_squeeze %dma_start3A_196 : memref<1x1x1x1024xf32, #tpu.memory_space<vmem_shared>> -> memref<1024xf32, #tpu.memory_space<vmem_shared>>
    %dma_start3A_198 = arith.constant 0 : i32
    %dma_start3A_199 = tpu.memref_slice %arg15[%dma_start3A_192, %dma_start3A_198] : memref<8x1024xf32, #tpu.memory_space<vmem>> -> memref<1x1024xf32, #tpu.memory_space<vmem>>
    %dma_start3A_200 = tpu.memref_squeeze %dma_start3A_199 : memref<1x1024xf32, #tpu.memory_space<vmem>> -> memref<1024xf32, #tpu.memory_space<vmem>>
    %dma_start3A_201 = tpu.memref_slice %arg20[%select_n3A, %dma_start3A_190, %dma_start3A_191, %mul3A_189] : memref<2x8x2x8192xf32, #tpu.memory_space<vmem_shared>> -> memref<1x1x1x1024xf32, #tpu.memory_space<vmem_shared>>
    %dma_start3A_202 = tpu.memref_squeeze %dma_start3A_201 : memref<1x1x1x1024xf32, #tpu.memory_space<vmem_shared>> -> memref<1024xf32, #tpu.memory_space<vmem_shared>>
    tpu.enqueue_dma source(%dma_start3A_202 : memref<1024xf32, #tpu.memory_space<vmem_shared>>) target(%dma_start3A_200 : memref<1024xf32, #tpu.memory_space<vmem>>) target_semaphore(%arg22 : memref<!tpu.dma_semaphore, #tpu.memory_space<semaphore_mem>>)
    %mul3A_203 = arith.constant 1024 : i32
    %mul3A_204 = arith.muli %select_n3A_28, %mul3A_203 : i32
    %dma_start3A_205 = arith.constant 3 : i32
    %dma_start3A_206 = arith.constant 0 : i32
    %dma_start3A_207 = arith.constant 3 : i32
    %dma_start3A_208 = arith.constant 0 : i32
    %dma_start3A_209 = tpu.memref_slice %arg14[%dma_start3A_207, %dma_start3A_208] : memref<8x1024xf32, #tpu.memory_space<vmem>> -> memref<1x1024xf32, #tpu.memory_space<vmem>>
    %dma_start3A_210 = tpu.memref_squeeze %dma_start3A_209 : memref<1x1024xf32, #tpu.memory_space<vmem>> -> memref<1024xf32, #tpu.memory_space<vmem>>
    %dma_start3A_211 = tpu.memref_slice %arg20[%select_n3A, %dma_start3A_205, %dma_start3A_206, %mul3A_204] : memref<2x8x2x8192xf32, #tpu.memory_space<vmem_shared>> -> memref<1x1x1x1024xf32, #tpu.memory_space<vmem_shared>>
    %dma_start3A_212 = tpu.memref_squeeze %dma_start3A_211 : memref<1x1x1x1024xf32, #tpu.memory_space<vmem_shared>> -> memref<1024xf32, #tpu.memory_space<vmem_shared>>
    %dma_start3A_213 = arith.constant 0 : i32
    %dma_start3A_214 = tpu.memref_slice %arg14[%dma_start3A_207, %dma_start3A_213] : memref<8x1024xf32, #tpu.memory_space<vmem>> -> memref<1x1024xf32, #tpu.memory_space<vmem>>
    %dma_start3A_215 = tpu.memref_squeeze %dma_start3A_214 : memref<1x1024xf32, #tpu.memory_space<vmem>> -> memref<1024xf32, #tpu.memory_space<vmem>>
    %dma_start3A_216 = tpu.memref_slice %arg20[%select_n3A, %dma_start3A_205, %dma_start3A_206, %mul3A_204] : memref<2x8x2x8192xf32, #tpu.memory_space<vmem_shared>> -> memref<1x1x1x1024xf32, #tpu.memory_space<vmem_shared>>
    %dma_start3A_217 = tpu.memref_squeeze %dma_start3A_216 : memref<1x1x1x1024xf32, #tpu.memory_space<vmem_shared>> -> memref<1024xf32, #tpu.memory_space<vmem_shared>>
    tpu.enqueue_dma source(%dma_start3A_217 : memref<1024xf32, #tpu.memory_space<vmem_shared>>) target(%dma_start3A_215 : memref<1024xf32, #tpu.memory_space<vmem>>) target_semaphore(%arg22 : memref<!tpu.dma_semaphore, #tpu.memory_space<semaphore_mem>>)
    %mul3A_218 = arith.constant 1024 : i32
    %mul3A_219 = arith.muli %select_n3A_28, %mul3A_218 : i32
    %dma_start3A_220 = arith.constant 3 : i32
    %dma_start3A_221 = arith.constant 1 : i32
    %dma_start3A_222 = arith.constant 3 : i32
    %dma_start3A_223 = arith.constant 0 : i32
    %dma_start3A_224 = tpu.memref_slice %arg15[%dma_start3A_222, %dma_start3A_223] : memref<8x1024xf32, #tpu.memory_space<vmem>> -> memref<1x1024xf32, #tpu.memory_space<vmem>>
    %dma_start3A_225 = tpu.memref_squeeze %dma_start3A_224 : memref<1x1024xf32, #tpu.memory_space<vmem>> -> memref<1024xf32, #tpu.memory_space<vmem>>
    %dma_start3A_226 = tpu.memref_slice %arg20[%select_n3A, %dma_start3A_220, %dma_start3A_221, %mul3A_219] : memref<2x8x2x8192xf32, #tpu.memory_space<vmem_shared>> -> memref<1x1x1x1024xf32, #tpu.memory_space<vmem_shared>>
    %dma_start3A_227 = tpu.memref_squeeze %dma_start3A_226 : memref<1x1x1x1024xf32, #tpu.memory_space<vmem_shared>> -> memref<1024xf32, #tpu.memory_space<vmem_shared>>
    %dma_start3A_228 = arith.constant 0 : i32
    %dma_start3A_229 = tpu.memref_slice %arg15[%dma_start3A_222, %dma_start3A_228] : memref<8x1024xf32, #tpu.memory_space<vmem>> -> memref<1x1024xf32, #tpu.memory_space<vmem>>
    %dma_start3A_230 = tpu.memref_squeeze %dma_start3A_229 : memref<1x1024xf32, #tpu.memory_space<vmem>> -> memref<1024xf32, #tpu.memory_space<vmem>>
    %dma_start3A_231 = tpu.memref_slice %arg20[%select_n3A, %dma_start3A_220, %dma_start3A_221, %mul3A_219] : memref<2x8x2x8192xf32, #tpu.memory_space<vmem_shared>> -> memref<1x1x1x1024xf32, #tpu.memory_space<vmem_shared>>
    %dma_start3A_232 = tpu.memref_squeeze %dma_start3A_231 : memref<1x1x1x1024xf32, #tpu.memory_space<vmem_shared>> -> memref<1024xf32, #tpu.memory_space<vmem_shared>>
    tpu.enqueue_dma source(%dma_start3A_232 : memref<1024xf32, #tpu.memory_space<vmem_shared>>) target(%dma_start3A_230 : memref<1024xf32, #tpu.memory_space<vmem>>) target_semaphore(%arg22 : memref<!tpu.dma_semaphore, #tpu.memory_space<semaphore_mem>>)
    %mul3A_233 = arith.constant 1024 : i32
    %mul3A_234 = arith.muli %select_n3A_28, %mul3A_233 : i32
    %dma_start3A_235 = arith.constant 4 : i32
    %dma_start3A_236 = arith.constant 0 : i32
    %dma_start3A_237 = arith.constant 4 : i32
    %dma_start3A_238 = arith.constant 0 : i32
    %dma_start3A_239 = tpu.memref_slice %arg14[%dma_start3A_237, %dma_start3A_238] : memref<8x1024xf32, #tpu.memory_space<vmem>> -> memref<1x1024xf32, #tpu.memory_space<vmem>>
    %dma_start3A_240 = tpu.memref_squeeze %dma_start3A_239 : memref<1x1024xf32, #tpu.memory_space<vmem>> -> memref<1024xf32, #tpu.memory_space<vmem>>
    %dma_start3A_241 = tpu.memref_slice %arg20[%select_n3A, %dma_start3A_235, %dma_start3A_236, %mul3A_234] : memref<2x8x2x8192xf32, #tpu.memory_space<vmem_shared>> -> memref<1x1x1x1024xf32, #tpu.memory_space<vmem_shared>>
    %dma_start3A_242 = tpu.memref_squeeze %dma_start3A_241 : memref<1x1x1x1024xf32, #tpu.memory_space<vmem_shared>> -> memref<1024xf32, #tpu.memory_space<vmem_shared>>
    %dma_start3A_243 = arith.constant 0 : i32
    %dma_start3A_244 = tpu.memref_slice %arg14[%dma_start3A_237, %dma_start3A_243] : memref<8x1024xf32, #tpu.memory_space<vmem>> -> memref<1x1024xf32, #tpu.memory_space<vmem>>
    %dma_start3A_245 = tpu.memref_squeeze %dma_start3A_244 : memref<1x1024xf32, #tpu.memory_space<vmem>> -> memref<1024xf32, #tpu.memory_space<vmem>>
    %dma_start3A_246 = tpu.memref_slice %arg20[%select_n3A, %dma_start3A_235, %dma_start3A_236, %mul3A_234] : memref<2x8x2x8192xf32, #tpu.memory_space<vmem_shared>> -> memref<1x1x1x1024xf32, #tpu.memory_space<vmem_shared>>
    %dma_start3A_247 = tpu.memref_squeeze %dma_start3A_246 : memref<1x1x1x1024xf32, #tpu.memory_space<vmem_shared>> -> memref<1024xf32, #tpu.memory_space<vmem_shared>>
    tpu.enqueue_dma source(%dma_start3A_247 : memref<1024xf32, #tpu.memory_space<vmem_shared>>) target(%dma_start3A_245 : memref<1024xf32, #tpu.memory_space<vmem>>) target_semaphore(%arg22 : memref<!tpu.dma_semaphore, #tpu.memory_space<semaphore_mem>>)
    %mul3A_248 = arith.constant 1024 : i32
    %mul3A_249 = arith.muli %select_n3A_28, %mul3A_248 : i32
    %dma_start3A_250 = arith.constant 4 : i32
    %dma_start3A_251 = arith.constant 1 : i32
    %dma_start3A_252 = arith.constant 4 : i32
    %dma_start3A_253 = arith.constant 0 : i32
    %dma_start3A_254 = tpu.memref_slice %arg15[%dma_start3A_252, %dma_start3A_253] : memref<8x1024xf32, #tpu.memory_space<vmem>> -> memref<1x1024xf32, #tpu.memory_space<vmem>>
    %dma_start3A_255 = tpu.memref_squeeze %dma_start3A_254 : memref<1x1024xf32, #tpu.memory_space<vmem>> -> memref<1024xf32, #tpu.memory_space<vmem>>
    %dma_start3A_256 = tpu.memref_slice %arg20[%select_n3A, %dma_start3A_250, %dma_start3A_251, %mul3A_249] : memref<2x8x2x8192xf32, #tpu.memory_space<vmem_shared>> -> memref<1x1x1x1024xf32, #tpu.memory_space<vmem_shared>>
    %dma_start3A_257 = tpu.memref_squeeze %dma_start3A_256 : memref<1x1x1x1024xf32, #tpu.memory_space<vmem_shared>> -> memref<1024xf32, #tpu.memory_space<vmem_shared>>
    %dma_start3A_258 = arith.constant 0 : i32
    %dma_start3A_259 = tpu.memref_slice %arg15[%dma_start3A_252, %dma_start3A_258] : memref<8x1024xf32, #tpu.memory_space<vmem>> -> memref<1x1024xf32, #tpu.memory_space<vmem>>
    %dma_start3A_260 = tpu.memref_squeeze %dma_start3A_259 : memref<1x1024xf32, #tpu.memory_space<vmem>> -> memref<1024xf32, #tpu.memory_space<vmem>>
    %dma_start3A_261 = tpu.memref_slice %arg20[%select_n3A, %dma_start3A_250, %dma_start3A_251, %mul3A_249] : memref<2x8x2x8192xf32, #tpu.memory_space<vmem_shared>> -> memref<1x1x1x1024xf32, #tpu.memory_space<vmem_shared>>
    %dma_start3A_262 = tpu.memref_squeeze %dma_start3A_261 : memref<1x1x1x1024xf32, #tpu.memory_space<vmem_shared>> -> memref<1024xf32, #tpu.memory_space<vmem_shared>>
    tpu.enqueue_dma source(%dma_start3A_262 : memref<1024xf32, #tpu.memory_space<vmem_shared>>) target(%dma_start3A_260 : memref<1024xf32, #tpu.memory_space<vmem>>) target_semaphore(%arg22 : memref<!tpu.dma_semaphore, #tpu.memory_space<semaphore_mem>>)
    %mul3A_263 = arith.constant 1024 : i32
    %mul3A_264 = arith.muli %select_n3A_28, %mul3A_263 : i32
    %dma_start3A_265 = arith.constant 5 : i32
    %dma_start3A_266 = arith.constant 0 : i32
    %dma_start3A_267 = arith.constant 5 : i32
    %dma_start3A_268 = arith.constant 0 : i32
    %dma_start3A_269 = tpu.memref_slice %arg14[%dma_start3A_267, %dma_start3A_268] : memref<8x1024xf32, #tpu.memory_space<vmem>> -> memref<1x1024xf32, #tpu.memory_space<vmem>>
    %dma_start3A_270 = tpu.memref_squeeze %dma_start3A_269 : memref<1x1024xf32, #tpu.memory_space<vmem>> -> memref<1024xf32, #tpu.memory_space<vmem>>
    %dma_start3A_271 = tpu.memref_slice %arg20[%select_n3A, %dma_start3A_265, %dma_start3A_266, %mul3A_264] : memref<2x8x2x8192xf32, #tpu.memory_space<vmem_shared>> -> memref<1x1x1x1024xf32, #tpu.memory_space<vmem_shared>>
    %dma_start3A_272 = tpu.memref_squeeze %dma_start3A_271 : memref<1x1x1x1024xf32, #tpu.memory_space<vmem_shared>> -> memref<1024xf32, #tpu.memory_space<vmem_shared>>
    %dma_start3A_273 = arith.constant 0 : i32
    %dma_start3A_274 = tpu.memref_slice %arg14[%dma_start3A_267, %dma_start3A_273] : memref<8x1024xf32, #tpu.memory_space<vmem>> -> memref<1x1024xf32, #tpu.memory_space<vmem>>
    %dma_start3A_275 = tpu.memref_squeeze %dma_start3A_274 : memref<1x1024xf32, #tpu.memory_space<vmem>> -> memref<1024xf32, #tpu.memory_space<vmem>>
    %dma_start3A_276 = tpu.memref_slice %arg20[%select_n3A, %dma_start3A_265, %dma_start3A_266, %mul3A_264] : memref<2x8x2x8192xf32, #tpu.memory_space<vmem_shared>> -> memref<1x1x1x1024xf32, #tpu.memory_space<vmem_shared>>
    %dma_start3A_277 = tpu.memref_squeeze %dma_start3A_276 : memref<1x1x1x1024xf32, #tpu.memory_space<vmem_shared>> -> memref<1024xf32, #tpu.memory_space<vmem_shared>>
    tpu.enqueue_dma source(%dma_start3A_277 : memref<1024xf32, #tpu.memory_space<vmem_shared>>) target(%dma_start3A_275 : memref<1024xf32, #tpu.memory_space<vmem>>) target_semaphore(%arg22 : memref<!tpu.dma_semaphore, #tpu.memory_space<semaphore_mem>>)
    %mul3A_278 = arith.constant 1024 : i32
    %mul3A_279 = arith.muli %select_n3A_28, %mul3A_278 : i32
    %dma_start3A_280 = arith.constant 5 : i32
    %dma_start3A_281 = arith.constant 1 : i32
    %dma_start3A_282 = arith.constant 5 : i32
    %dma_start3A_283 = arith.constant 0 : i32
    %dma_start3A_284 = tpu.memref_slice %arg15[%dma_start3A_282, %dma_start3A_283] : memref<8x1024xf32, #tpu.memory_space<vmem>> -> memref<1x1024xf32, #tpu.memory_space<vmem>>
    %dma_start3A_285 = tpu.memref_squeeze %dma_start3A_284 : memref<1x1024xf32, #tpu.memory_space<vmem>> -> memref<1024xf32, #tpu.memory_space<vmem>>
    %dma_start3A_286 = tpu.memref_slice %arg20[%select_n3A, %dma_start3A_280, %dma_start3A_281, %mul3A_279] : memref<2x8x2x8192xf32, #tpu.memory_space<vmem_shared>> -> memref<1x1x1x1024xf32, #tpu.memory_space<vmem_shared>>
    %dma_start3A_287 = tpu.memref_squeeze %dma_start3A_286 : memref<1x1x1x1024xf32, #tpu.memory_space<vmem_shared>> -> memref<1024xf32, #tpu.memory_space<vmem_shared>>
    %dma_start3A_288 = arith.constant 0 : i32
    %dma_start3A_289 = tpu.memref_slice %arg15[%dma_start3A_282, %dma_start3A_288] : memref<8x1024xf32, #tpu.memory_space<vmem>> -> memref<1x1024xf32, #tpu.memory_space<vmem>>
    %dma_start3A_290 = tpu.memref_squeeze %dma_start3A_289 : memref<1x1024xf32, #tpu.memory_space<vmem>> -> memref<1024xf32, #tpu.memory_space<vmem>>
    %dma_start3A_291 = tpu.memref_slice %arg20[%select_n3A, %dma_start3A_280, %dma_start3A_281, %mul3A_279] : memref<2x8x2x8192xf32, #tpu.memory_space<vmem_shared>> -> memref<1x1x1x1024xf32, #tpu.memory_space<vmem_shared>>
    %dma_start3A_292 = tpu.memref_squeeze %dma_start3A_291 : memref<1x1x1x1024xf32, #tpu.memory_space<vmem_shared>> -> memref<1024xf32, #tpu.memory_space<vmem_shared>>
    tpu.enqueue_dma source(%dma_start3A_292 : memref<1024xf32, #tpu.memory_space<vmem_shared>>) target(%dma_start3A_290 : memref<1024xf32, #tpu.memory_space<vmem>>) target_semaphore(%arg22 : memref<!tpu.dma_semaphore, #tpu.memory_space<semaphore_mem>>)
    %mul3A_293 = arith.constant 1024 : i32
    %mul3A_294 = arith.muli %select_n3A_28, %mul3A_293 : i32
    %dma_start3A_295 = arith.constant 6 : i32
    %dma_start3A_296 = arith.constant 0 : i32
    %dma_start3A_297 = arith.constant 6 : i32
    %dma_start3A_298 = arith.constant 0 : i32
    %dma_start3A_299 = tpu.memref_slice %arg14[%dma_start3A_297, %dma_start3A_298] : memref<8x1024xf32, #tpu.memory_space<vmem>> -> memref<1x1024xf32, #tpu.memory_space<vmem>>
    %dma_start3A_300 = tpu.memref_squeeze %dma_start3A_299 : memref<1x1024xf32, #tpu.memory_space<vmem>> -> memref<1024xf32, #tpu.memory_space<vmem>>
    %dma_start3A_301 = tpu.memref_slice %arg20[%select_n3A, %dma_start3A_295, %dma_start3A_296, %mul3A_294] : memref<2x8x2x8192xf32, #tpu.memory_space<vmem_shared>> -> memref<1x1x1x1024xf32, #tpu.memory_space<vmem_shared>>
    %dma_start3A_302 = tpu.memref_squeeze %dma_start3A_301 : memref<1x1x1x1024xf32, #tpu.memory_space<vmem_shared>> -> memref<1024xf32, #tpu.memory_space<vmem_shared>>
    %dma_start3A_303 = arith.constant 0 : i32
    %dma_start3A_304 = tpu.memref_slice %arg14[%dma_start3A_297, %dma_start3A_303] : memref<8x1024xf32, #tpu.memory_space<vmem>> -> memref<1x1024xf32, #tpu.memory_space<vmem>>
    %dma_start3A_305 = tpu.memref_squeeze %dma_start3A_304 : memref<1x1024xf32, #tpu.memory_space<vmem>> -> memref<1024xf32, #tpu.memory_space<vmem>>
    %dma_start3A_306 = tpu.memref_slice %arg20[%select_n3A, %dma_start3A_295, %dma_start3A_296, %mul3A_294] : memref<2x8x2x8192xf32, #tpu.memory_space<vmem_shared>> -> memref<1x1x1x1024xf32, #tpu.memory_space<vmem_shared>>
    %dma_start3A_307 = tpu.memref_squeeze %dma_start3A_306 : memref<1x1x1x1024xf32, #tpu.memory_space<vmem_shared>> -> memref<1024xf32, #tpu.memory_space<vmem_shared>>
    tpu.enqueue_dma source(%dma_start3A_307 : memref<1024xf32, #tpu.memory_space<vmem_shared>>) target(%dma_start3A_305 : memref<1024xf32, #tpu.memory_space<vmem>>) target_semaphore(%arg22 : memref<!tpu.dma_semaphore, #tpu.memory_space<semaphore_mem>>)
    %mul3A_308 = arith.constant 1024 : i32
    %mul3A_309 = arith.muli %select_n3A_28, %mul3A_308 : i32
    %dma_start3A_310 = arith.constant 6 : i32
    %dma_start3A_311 = arith.constant 1 : i32
    %dma_start3A_312 = arith.constant 6 : i32
    %dma_start3A_313 = arith.constant 0 : i32
    %dma_start3A_314 = tpu.memref_slice %arg15[%dma_start3A_312, %dma_start3A_313] : memref<8x1024xf32, #tpu.memory_space<vmem>> -> memref<1x1024xf32, #tpu.memory_space<vmem>>
    %dma_start3A_315 = tpu.memref_squeeze %dma_start3A_314 : memref<1x1024xf32, #tpu.memory_space<vmem>> -> memref<1024xf32, #tpu.memory_space<vmem>>
    %dma_start3A_316 = tpu.memref_slice %arg20[%select_n3A, %dma_start3A_310, %dma_start3A_311, %mul3A_309] : memref<2x8x2x8192xf32, #tpu.memory_space<vmem_shared>> -> memref<1x1x1x1024xf32, #tpu.memory_space<vmem_shared>>
    %dma_start3A_317 = tpu.memref_squeeze %dma_start3A_316 : memref<1x1x1x1024xf32, #tpu.memory_space<vmem_shared>> -> memref<1024xf32, #tpu.memory_space<vmem_shared>>
    %dma_start3A_318 = arith.constant 0 : i32
    %dma_start3A_319 = tpu.memref_slice %arg15[%dma_start3A_312, %dma_start3A_318] : memref<8x1024xf32, #tpu.memory_space<vmem>> -> memref<1x1024xf32, #tpu.memory_space<vmem>>
    %dma_start3A_320 = tpu.memref_squeeze %dma_start3A_319 : memref<1x1024xf32, #tpu.memory_space<vmem>> -> memref<1024xf32, #tpu.memory_space<vmem>>
    %dma_start3A_321 = tpu.memref_slice %arg20[%select_n3A, %dma_start3A_310, %dma_start3A_311, %mul3A_309] : memref<2x8x2x8192xf32, #tpu.memory_space<vmem_shared>> -> memref<1x1x1x1024xf32, #tpu.memory_space<vmem_shared>>
    %dma_start3A_322 = tpu.memref_squeeze %dma_start3A_321 : memref<1x1x1x1024xf32, #tpu.memory_space<vmem_shared>> -> memref<1024xf32, #tpu.memory_space<vmem_shared>>
    tpu.enqueue_dma source(%dma_start3A_322 : memref<1024xf32, #tpu.memory_space<vmem_shared>>) target(%dma_start3A_320 : memref<1024xf32, #tpu.memory_space<vmem>>) target_semaphore(%arg22 : memref<!tpu.dma_semaphore, #tpu.memory_space<semaphore_mem>>)
    %mul3A_323 = arith.constant 1024 : i32
    %mul3A_324 = arith.muli %select_n3A_28, %mul3A_323 : i32
    %dma_start3A_325 = arith.constant 7 : i32
    %dma_start3A_326 = arith.constant 0 : i32
    %dma_start3A_327 = arith.constant 7 : i32
    %dma_start3A_328 = arith.constant 0 : i32
    %dma_start3A_329 = tpu.memref_slice %arg14[%dma_start3A_327, %dma_start3A_328] : memref<8x1024xf32, #tpu.memory_space<vmem>> -> memref<1x1024xf32, #tpu.memory_space<vmem>>
    %dma_start3A_330 = tpu.memref_squeeze %dma_start3A_329 : memref<1x1024xf32, #tpu.memory_space<vmem>> -> memref<1024xf32, #tpu.memory_space<vmem>>
    %dma_start3A_331 = tpu.memref_slice %arg20[%select_n3A, %dma_start3A_325, %dma_start3A_326, %mul3A_324] : memref<2x8x2x8192xf32, #tpu.memory_space<vmem_shared>> -> memref<1x1x1x1024xf32, #tpu.memory_space<vmem_shared>>
    %dma_start3A_332 = tpu.memref_squeeze %dma_start3A_331 : memref<1x1x1x1024xf32, #tpu.memory_space<vmem_shared>> -> memref<1024xf32, #tpu.memory_space<vmem_shared>>
    %dma_start3A_333 = arith.constant 0 : i32
    %dma_start3A_334 = tpu.memref_slice %arg14[%dma_start3A_327, %dma_start3A_333] : memref<8x1024xf32, #tpu.memory_space<vmem>> -> memref<1x1024xf32, #tpu.memory_space<vmem>>
    %dma_start3A_335 = tpu.memref_squeeze %dma_start3A_334 : memref<1x1024xf32, #tpu.memory_space<vmem>> -> memref<1024xf32, #tpu.memory_space<vmem>>
    %dma_start3A_336 = tpu.memref_slice %arg20[%select_n3A, %dma_start3A_325, %dma_start3A_326, %mul3A_324] : memref<2x8x2x8192xf32, #tpu.memory_space<vmem_shared>> -> memref<1x1x1x1024xf32, #tpu.memory_space<vmem_shared>>
    %dma_start3A_337 = tpu.memref_squeeze %dma_start3A_336 : memref<1x1x1x1024xf32, #tpu.memory_space<vmem_shared>> -> memref<1024xf32, #tpu.memory_space<vmem_shared>>
    tpu.enqueue_dma source(%dma_start3A_337 : memref<1024xf32, #tpu.memory_space<vmem_shared>>) target(%dma_start3A_335 : memref<1024xf32, #tpu.memory_space<vmem>>) target_semaphore(%arg22 : memref<!tpu.dma_semaphore, #tpu.memory_space<semaphore_mem>>)
    %mul3A_338 = arith.constant 1024 : i32
    %mul3A_339 = arith.muli %select_n3A_28, %mul3A_338 : i32
    %dma_start3A_340 = arith.constant 7 : i32
    %dma_start3A_341 = arith.constant 1 : i32
    %dma_start3A_342 = arith.constant 7 : i32
    %dma_start3A_343 = arith.constant 0 : i32
    %dma_start3A_344 = tpu.memref_slice %arg15[%dma_start3A_342, %dma_start3A_343] : memref<8x1024xf32, #tpu.memory_space<vmem>> -> memref<1x1024xf32, #tpu.memory_space<vmem>>
    %dma_start3A_345 = tpu.memref_squeeze %dma_start3A_344 : memref<1x1024xf32, #tpu.memory_space<vmem>> -> memref<1024xf32, #tpu.memory_space<vmem>>
    %dma_start3A_346 = tpu.memref_slice %arg20[%select_n3A, %dma_start3A_340, %dma_start3A_341, %mul3A_339] : memref<2x8x2x8192xf32, #tpu.memory_space<vmem_shared>> -> memref<1x1x1x1024xf32, #tpu.memory_space<vmem_shared>>
    %dma_start3A_347 = tpu.memref_squeeze %dma_start3A_346 : memref<1x1x1x1024xf32, #tpu.memory_space<vmem_shared>> -> memref<1024xf32, #tpu.memory_space<vmem_shared>>
    %dma_start3A_348 = arith.constant 0 : i32
    %dma_start3A_349 = tpu.memref_slice %arg15[%dma_start3A_342, %dma_start3A_348] : memref<8x1024xf32, #tpu.memory_space<vmem>> -> memref<1x1024xf32, #tpu.memory_space<vmem>>
    %dma_start3A_350 = tpu.memref_squeeze %dma_start3A_349 : memref<1x1024xf32, #tpu.memory_space<vmem>> -> memref<1024xf32, #tpu.memory_space<vmem>>
    %dma_start3A_351 = tpu.memref_slice %arg20[%select_n3A, %dma_start3A_340, %dma_start3A_341, %mul3A_339] : memref<2x8x2x8192xf32, #tpu.memory_space<vmem_shared>> -> memref<1x1x1x1024xf32, #tpu.memory_space<vmem_shared>>
    %dma_start3A_352 = tpu.memref_squeeze %dma_start3A_351 : memref<1x1x1x1024xf32, #tpu.memory_space<vmem_shared>> -> memref<1024xf32, #tpu.memory_space<vmem_shared>>
    tpu.enqueue_dma source(%dma_start3A_352 : memref<1024xf32, #tpu.memory_space<vmem_shared>>) target(%dma_start3A_350 : memref<1024xf32, #tpu.memory_space<vmem>>) target_semaphore(%arg22 : memref<!tpu.dma_semaphore, #tpu.memory_space<semaphore_mem>>)
    %dma_wait3A_353 = arith.constant 0 : i32
    %dma_wait3A_354 = arith.constant 0 : i32
    %dma_wait3A_355 = arith.constant 0 : i32
    %dma_wait3A_356 = arith.constant 0 : i32
    %dma_wait3A_357 = tpu.memref_slice %arg14[%dma_wait3A_355, %dma_wait3A_356] : memref<8x1024xf32, #tpu.memory_space<vmem>> -> memref<1x1024xf32, #tpu.memory_space<vmem>>
    %dma_wait3A_358 = tpu.memref_squeeze %dma_wait3A_357 : memref<1x1024xf32, #tpu.memory_space<vmem>> -> memref<1024xf32, #tpu.memory_space<vmem>>
    %dma_wait3A_359 = tpu.memref_slice %arg20[%select_n3A, %dma_wait3A_353, %dma_wait3A_354, %mul3A_114] : memref<2x8x2x8192xf32, #tpu.memory_space<vmem_shared>> -> memref<1x1x1x1024xf32, #tpu.memory_space<vmem_shared>>
    %dma_wait3A_360 = tpu.memref_squeeze %dma_wait3A_359 : memref<1x1x1x1024xf32, #tpu.memory_space<vmem_shared>> -> memref<1024xf32, #tpu.memory_space<vmem_shared>>
    %dma_wait3A_361 = arith.constant 0 : i32
    %dma_wait3A_362 = tpu.memref_slice %arg14[%dma_wait3A_355, %dma_wait3A_361] : memref<8x1024xf32, #tpu.memory_space<vmem>> -> memref<1x1024xf32, #tpu.memory_space<vmem>>
    %dma_wait3A_363 = tpu.memref_squeeze %dma_wait3A_362 : memref<1x1024xf32, #tpu.memory_space<vmem>> -> memref<1024xf32, #tpu.memory_space<vmem>>
    %dma_wait3A_364 = tpu.memref_slice %arg20[%select_n3A, %dma_wait3A_353, %dma_wait3A_354, %mul3A_114] : memref<2x8x2x8192xf32, #tpu.memory_space<vmem_shared>> -> memref<1x1x1x1024xf32, #tpu.memory_space<vmem_shared>>
    %dma_wait3A_365 = tpu.memref_squeeze %dma_wait3A_364 : memref<1x1x1x1024xf32, #tpu.memory_space<vmem_shared>> -> memref<1024xf32, #tpu.memory_space<vmem_shared>>
    tpu.wait_dma2 semaphore(%arg22 : memref<!tpu.dma_semaphore, #tpu.memory_space<semaphore_mem>>) src(%dma_wait3A_365 : memref<1024xf32, #tpu.memory_space<vmem_shared>>) dst(%dma_wait3A_363 : memref<1024xf32, #tpu.memory_space<vmem>>)
    %dma_wait3A_366 = arith.constant 0 : i32
    %dma_wait3A_367 = arith.constant 1 : i32
    %dma_wait3A_368 = arith.constant 0 : i32
    %dma_wait3A_369 = arith.constant 0 : i32
    %dma_wait3A_370 = tpu.memref_slice %arg15[%dma_wait3A_368, %dma_wait3A_369] : memref<8x1024xf32, #tpu.memory_space<vmem>> -> memref<1x1024xf32, #tpu.memory_space<vmem>>
    %dma_wait3A_371 = tpu.memref_squeeze %dma_wait3A_370 : memref<1x1024xf32, #tpu.memory_space<vmem>> -> memref<1024xf32, #tpu.memory_space<vmem>>
    %dma_wait3A_372 = tpu.memref_slice %arg20[%select_n3A, %dma_wait3A_366, %dma_wait3A_367, %mul3A_129] : memref<2x8x2x8192xf32, #tpu.memory_space<vmem_shared>> -> memref<1x1x1x1024xf32, #tpu.memory_space<vmem_shared>>
    %dma_wait3A_373 = tpu.memref_squeeze %dma_wait3A_372 : memref<1x1x1x1024xf32, #tpu.memory_space<vmem_shared>> -> memref<1024xf32, #tpu.memory_space<vmem_shared>>
    %dma_wait3A_374 = arith.constant 0 : i32
    %dma_wait3A_375 = tpu.memref_slice %arg15[%dma_wait3A_368, %dma_wait3A_374] : memref<8x1024xf32, #tpu.memory_space<vmem>> -> memref<1x1024xf32, #tpu.memory_space<vmem>>
    %dma_wait3A_376 = tpu.memref_squeeze %dma_wait3A_375 : memref<1x1024xf32, #tpu.memory_space<vmem>> -> memref<1024xf32, #tpu.memory_space<vmem>>
    %dma_wait3A_377 = tpu.memref_slice %arg20[%select_n3A, %dma_wait3A_366, %dma_wait3A_367, %mul3A_129] : memref<2x8x2x8192xf32, #tpu.memory_space<vmem_shared>> -> memref<1x1x1x1024xf32, #tpu.memory_space<vmem_shared>>
    %dma_wait3A_378 = tpu.memref_squeeze %dma_wait3A_377 : memref<1x1x1x1024xf32, #tpu.memory_space<vmem_shared>> -> memref<1024xf32, #tpu.memory_space<vmem_shared>>
    tpu.wait_dma2 semaphore(%arg22 : memref<!tpu.dma_semaphore, #tpu.memory_space<semaphore_mem>>) src(%dma_wait3A_378 : memref<1024xf32, #tpu.memory_space<vmem_shared>>) dst(%dma_wait3A_376 : memref<1024xf32, #tpu.memory_space<vmem>>)
    %dma_wait3A_379 = arith.constant 1 : i32
    %dma_wait3A_380 = arith.constant 0 : i32
    %dma_wait3A_381 = arith.constant 1 : i32
    %dma_wait3A_382 = arith.constant 0 : i32
    %dma_wait3A_383 = tpu.memref_slice %arg14[%dma_wait3A_381, %dma_wait3A_382] : memref<8x1024xf32, #tpu.memory_space<vmem>> -> memref<1x1024xf32, #tpu.memory_space<vmem>>
    %dma_wait3A_384 = tpu.memref_squeeze %dma_wait3A_383 : memref<1x1024xf32, #tpu.memory_space<vmem>> -> memref<1024xf32, #tpu.memory_space<vmem>>
    %dma_wait3A_385 = tpu.memref_slice %arg20[%select_n3A, %dma_wait3A_379, %dma_wait3A_380, %mul3A_144] : memref<2x8x2x8192xf32, #tpu.memory_space<vmem_shared>> -> memref<1x1x1x1024xf32, #tpu.memory_space<vmem_shared>>
    %dma_wait3A_386 = tpu.memref_squeeze %dma_wait3A_385 : memref<1x1x1x1024xf32, #tpu.memory_space<vmem_shared>> -> memref<1024xf32, #tpu.memory_space<vmem_shared>>
    %dma_wait3A_387 = arith.constant 0 : i32
    %dma_wait3A_388 = tpu.memref_slice %arg14[%dma_wait3A_381, %dma_wait3A_387] : memref<8x1024xf32, #tpu.memory_space<vmem>> -> memref<1x1024xf32, #tpu.memory_space<vmem>>
    %dma_wait3A_389 = tpu.memref_squeeze %dma_wait3A_388 : memref<1x1024xf32, #tpu.memory_space<vmem>> -> memref<1024xf32, #tpu.memory_space<vmem>>
    %dma_wait3A_390 = tpu.memref_slice %arg20[%select_n3A, %dma_wait3A_379, %dma_wait3A_380, %mul3A_144] : memref<2x8x2x8192xf32, #tpu.memory_space<vmem_shared>> -> memref<1x1x1x1024xf32, #tpu.memory_space<vmem_shared>>
    %dma_wait3A_391 = tpu.memref_squeeze %dma_wait3A_390 : memref<1x1x1x1024xf32, #tpu.memory_space<vmem_shared>> -> memref<1024xf32, #tpu.memory_space<vmem_shared>>
    tpu.wait_dma2 semaphore(%arg22 : memref<!tpu.dma_semaphore, #tpu.memory_space<semaphore_mem>>) src(%dma_wait3A_391 : memref<1024xf32, #tpu.memory_space<vmem_shared>>) dst(%dma_wait3A_389 : memref<1024xf32, #tpu.memory_space<vmem>>)
    %dma_wait3A_392 = arith.constant 1 : i32
    %dma_wait3A_393 = arith.constant 1 : i32
    %dma_wait3A_394 = arith.constant 1 : i32
    %dma_wait3A_395 = arith.constant 0 : i32
    %dma_wait3A_396 = tpu.memref_slice %arg15[%dma_wait3A_394, %dma_wait3A_395] : memref<8x1024xf32, #tpu.memory_space<vmem>> -> memref<1x1024xf32, #tpu.memory_space<vmem>>
    %dma_wait3A_397 = tpu.memref_squeeze %dma_wait3A_396 : memref<1x1024xf32, #tpu.memory_space<vmem>> -> memref<1024xf32, #tpu.memory_space<vmem>>
    %dma_wait3A_398 = tpu.memref_slice %arg20[%select_n3A, %dma_wait3A_392, %dma_wait3A_393, %mul3A_159] : memref<2x8x2x8192xf32, #tpu.memory_space<vmem_shared>> -> memref<1x1x1x1024xf32, #tpu.memory_space<vmem_shared>>
    %dma_wait3A_399 = tpu.memref_squeeze %dma_wait3A_398 : memref<1x1x1x1024xf32, #tpu.memory_space<vmem_shared>> -> memref<1024xf32, #tpu.memory_space<vmem_shared>>
    %dma_wait3A_400 = arith.constant 0 : i32
    %dma_wait3A_401 = tpu.memref_slice %arg15[%dma_wait3A_394, %dma_wait3A_400] : memref<8x1024xf32, #tpu.memory_space<vmem>> -> memref<1x1024xf32, #tpu.memory_space<vmem>>
    %dma_wait3A_402 = tpu.memref_squeeze %dma_wait3A_401 : memref<1x1024xf32, #tpu.memory_space<vmem>> -> memref<1024xf32, #tpu.memory_space<vmem>>
    %dma_wait3A_403 = tpu.memref_slice %arg20[%select_n3A, %dma_wait3A_392, %dma_wait3A_393, %mul3A_159] : memref<2x8x2x8192xf32, #tpu.memory_space<vmem_shared>> -> memref<1x1x1x1024xf32, #tpu.memory_space<vmem_shared>>
    %dma_wait3A_404 = tpu.memref_squeeze %dma_wait3A_403 : memref<1x1x1x1024xf32, #tpu.memory_space<vmem_shared>> -> memref<1024xf32, #tpu.memory_space<vmem_shared>>
    tpu.wait_dma2 semaphore(%arg22 : memref<!tpu.dma_semaphore, #tpu.memory_space<semaphore_mem>>) src(%dma_wait3A_404 : memref<1024xf32, #tpu.memory_space<vmem_shared>>) dst(%dma_wait3A_402 : memref<1024xf32, #tpu.memory_space<vmem>>)
    %dma_wait3A_405 = arith.constant 2 : i32
    %dma_wait3A_406 = arith.constant 0 : i32
    %dma_wait3A_407 = arith.constant 2 : i32
    %dma_wait3A_408 = arith.constant 0 : i32
    %dma_wait3A_409 = tpu.memref_slice %arg14[%dma_wait3A_407, %dma_wait3A_408] : memref<8x1024xf32, #tpu.memory_space<vmem>> -> memref<1x1024xf32, #tpu.memory_space<vmem>>
    %dma_wait3A_410 = tpu.memref_squeeze %dma_wait3A_409 : memref<1x1024xf32, #tpu.memory_space<vmem>> -> memref<1024xf32, #tpu.memory_space<vmem>>
    %dma_wait3A_411 = tpu.memref_slice %arg20[%select_n3A, %dma_wait3A_405, %dma_wait3A_406, %mul3A_174] : memref<2x8x2x8192xf32, #tpu.memory_space<vmem_shared>> -> memref<1x1x1x1024xf32, #tpu.memory_space<vmem_shared>>
    %dma_wait3A_412 = tpu.memref_squeeze %dma_wait3A_411 : memref<1x1x1x1024xf32, #tpu.memory_space<vmem_shared>> -> memref<1024xf32, #tpu.memory_space<vmem_shared>>
    %dma_wait3A_413 = arith.constant 0 : i32
    %dma_wait3A_414 = tpu.memref_slice %arg14[%dma_wait3A_407, %dma_wait3A_413] : memref<8x1024xf32, #tpu.memory_space<vmem>> -> memref<1x1024xf32, #tpu.memory_space<vmem>>
    %dma_wait3A_415 = tpu.memref_squeeze %dma_wait3A_414 : memref<1x1024xf32, #tpu.memory_space<vmem>> -> memref<1024xf32, #tpu.memory_space<vmem>>
    %dma_wait3A_416 = tpu.memref_slice %arg20[%select_n3A, %dma_wait3A_405, %dma_wait3A_406, %mul3A_174] : memref<2x8x2x8192xf32, #tpu.memory_space<vmem_shared>> -> memref<1x1x1x1024xf32, #tpu.memory_space<vmem_shared>>
    %dma_wait3A_417 = tpu.memref_squeeze %dma_wait3A_416 : memref<1x1x1x1024xf32, #tpu.memory_space<vmem_shared>> -> memref<1024xf32, #tpu.memory_space<vmem_shared>>
    tpu.wait_dma2 semaphore(%arg22 : memref<!tpu.dma_semaphore, #tpu.memory_space<semaphore_mem>>) src(%dma_wait3A_417 : memref<1024xf32, #tpu.memory_space<vmem_shared>>) dst(%dma_wait3A_415 : memref<1024xf32, #tpu.memory_space<vmem>>)
    %dma_wait3A_418 = arith.constant 2 : i32
    %dma_wait3A_419 = arith.constant 1 : i32
    %dma_wait3A_420 = arith.constant 2 : i32
    %dma_wait3A_421 = arith.constant 0 : i32
    %dma_wait3A_422 = tpu.memref_slice %arg15[%dma_wait3A_420, %dma_wait3A_421] : memref<8x1024xf32, #tpu.memory_space<vmem>> -> memref<1x1024xf32, #tpu.memory_space<vmem>>
    %dma_wait3A_423 = tpu.memref_squeeze %dma_wait3A_422 : memref<1x1024xf32, #tpu.memory_space<vmem>> -> memref<1024xf32, #tpu.memory_space<vmem>>
    %dma_wait3A_424 = tpu.memref_slice %arg20[%select_n3A, %dma_wait3A_418, %dma_wait3A_419, %mul3A_189] : memref<2x8x2x8192xf32, #tpu.memory_space<vmem_shared>> -> memref<1x1x1x1024xf32, #tpu.memory_space<vmem_shared>>
    %dma_wait3A_425 = tpu.memref_squeeze %dma_wait3A_424 : memref<1x1x1x1024xf32, #tpu.memory_space<vmem_shared>> -> memref<1024xf32, #tpu.memory_space<vmem_shared>>
    %dma_wait3A_426 = arith.constant 0 : i32
    %dma_wait3A_427 = tpu.memref_slice %arg15[%dma_wait3A_420, %dma_wait3A_426] : memref<8x1024xf32, #tpu.memory_space<vmem>> -> memref<1x1024xf32, #tpu.memory_space<vmem>>
    %dma_wait3A_428 = tpu.memref_squeeze %dma_wait3A_427 : memref<1x1024xf32, #tpu.memory_space<vmem>> -> memref<1024xf32, #tpu.memory_space<vmem>>
    %dma_wait3A_429 = tpu.memref_slice %arg20[%select_n3A, %dma_wait3A_418, %dma_wait3A_419, %mul3A_189] : memref<2x8x2x8192xf32, #tpu.memory_space<vmem_shared>> -> memref<1x1x1x1024xf32, #tpu.memory_space<vmem_shared>>
    %dma_wait3A_430 = tpu.memref_squeeze %dma_wait3A_429 : memref<1x1x1x1024xf32, #tpu.memory_space<vmem_shared>> -> memref<1024xf32, #tpu.memory_space<vmem_shared>>
    tpu.wait_dma2 semaphore(%arg22 : memref<!tpu.dma_semaphore, #tpu.memory_space<semaphore_mem>>) src(%dma_wait3A_430 : memref<1024xf32, #tpu.memory_space<vmem_shared>>) dst(%dma_wait3A_428 : memref<1024xf32, #tpu.memory_space<vmem>>)
    %dma_wait3A_431 = arith.constant 3 : i32
    %dma_wait3A_432 = arith.constant 0 : i32
    %dma_wait3A_433 = arith.constant 3 : i32
    %dma_wait3A_434 = arith.constant 0 : i32
    %dma_wait3A_435 = tpu.memref_slice %arg14[%dma_wait3A_433, %dma_wait3A_434] : memref<8x1024xf32, #tpu.memory_space<vmem>> -> memref<1x1024xf32, #tpu.memory_space<vmem>>
    %dma_wait3A_436 = tpu.memref_squeeze %dma_wait3A_435 : memref<1x1024xf32, #tpu.memory_space<vmem>> -> memref<1024xf32, #tpu.memory_space<vmem>>
    %dma_wait3A_437 = tpu.memref_slice %arg20[%select_n3A, %dma_wait3A_431, %dma_wait3A_432, %mul3A_204] : memref<2x8x2x8192xf32, #tpu.memory_space<vmem_shared>> -> memref<1x1x1x1024xf32, #tpu.memory_space<vmem_shared>>
    %dma_wait3A_438 = tpu.memref_squeeze %dma_wait3A_437 : memref<1x1x1x1024xf32, #tpu.memory_space<vmem_shared>> -> memref<1024xf32, #tpu.memory_space<vmem_shared>>
    %dma_wait3A_439 = arith.constant 0 : i32
    %dma_wait3A_440 = tpu.memref_slice %arg14[%dma_wait3A_433, %dma_wait3A_439] : memref<8x1024xf32, #tpu.memory_space<vmem>> -> memref<1x1024xf32, #tpu.memory_space<vmem>>
    %dma_wait3A_441 = tpu.memref_squeeze %dma_wait3A_440 : memref<1x1024xf32, #tpu.memory_space<vmem>> -> memref<1024xf32, #tpu.memory_space<vmem>>
    %dma_wait3A_442 = tpu.memref_slice %arg20[%select_n3A, %dma_wait3A_431, %dma_wait3A_432, %mul3A_204] : memref<2x8x2x8192xf32, #tpu.memory_space<vmem_shared>> -> memref<1x1x1x1024xf32, #tpu.memory_space<vmem_shared>>
    %dma_wait3A_443 = tpu.memref_squeeze %dma_wait3A_442 : memref<1x1x1x1024xf32, #tpu.memory_space<vmem_shared>> -> memref<1024xf32, #tpu.memory_space<vmem_shared>>
    tpu.wait_dma2 semaphore(%arg22 : memref<!tpu.dma_semaphore, #tpu.memory_space<semaphore_mem>>) src(%dma_wait3A_443 : memref<1024xf32, #tpu.memory_space<vmem_shared>>) dst(%dma_wait3A_441 : memref<1024xf32, #tpu.memory_space<vmem>>)
    %dma_wait3A_444 = arith.constant 3 : i32
    %dma_wait3A_445 = arith.constant 1 : i32
    %dma_wait3A_446 = arith.constant 3 : i32
    %dma_wait3A_447 = arith.constant 0 : i32
    %dma_wait3A_448 = tpu.memref_slice %arg15[%dma_wait3A_446, %dma_wait3A_447] : memref<8x1024xf32, #tpu.memory_space<vmem>> -> memref<1x1024xf32, #tpu.memory_space<vmem>>
    %dma_wait3A_449 = tpu.memref_squeeze %dma_wait3A_448 : memref<1x1024xf32, #tpu.memory_space<vmem>> -> memref<1024xf32, #tpu.memory_space<vmem>>
    %dma_wait3A_450 = tpu.memref_slice %arg20[%select_n3A, %dma_wait3A_444, %dma_wait3A_445, %mul3A_219] : memref<2x8x2x8192xf32, #tpu.memory_space<vmem_shared>> -> memref<1x1x1x1024xf32, #tpu.memory_space<vmem_shared>>
    %dma_wait3A_451 = tpu.memref_squeeze %dma_wait3A_450 : memref<1x1x1x1024xf32, #tpu.memory_space<vmem_shared>> -> memref<1024xf32, #tpu.memory_space<vmem_shared>>
    %dma_wait3A_452 = arith.constant 0 : i32
    %dma_wait3A_453 = tpu.memref_slice %arg15[%dma_wait3A_446, %dma_wait3A_452] : memref<8x1024xf32, #tpu.memory_space<vmem>> -> memref<1x1024xf32, #tpu.memory_space<vmem>>
    %dma_wait3A_454 = tpu.memref_squeeze %dma_wait3A_453 : memref<1x1024xf32, #tpu.memory_space<vmem>> -> memref<1024xf32, #tpu.memory_space<vmem>>
    %dma_wait3A_455 = tpu.memref_slice %arg20[%select_n3A, %dma_wait3A_444, %dma_wait3A_445, %mul3A_219] : memref<2x8x2x8192xf32, #tpu.memory_space<vmem_shared>> -> memref<1x1x1x1024xf32, #tpu.memory_space<vmem_shared>>
    %dma_wait3A_456 = tpu.memref_squeeze %dma_wait3A_455 : memref<1x1x1x1024xf32, #tpu.memory_space<vmem_shared>> -> memref<1024xf32, #tpu.memory_space<vmem_shared>>
    tpu.wait_dma2 semaphore(%arg22 : memref<!tpu.dma_semaphore, #tpu.memory_space<semaphore_mem>>) src(%dma_wait3A_456 : memref<1024xf32, #tpu.memory_space<vmem_shared>>) dst(%dma_wait3A_454 : memref<1024xf32, #tpu.memory_space<vmem>>)
    %dma_wait3A_457 = arith.constant 4 : i32
    %dma_wait3A_458 = arith.constant 0 : i32
    %dma_wait3A_459 = arith.constant 4 : i32
    %dma_wait3A_460 = arith.constant 0 : i32
    %dma_wait3A_461 = tpu.memref_slice %arg14[%dma_wait3A_459, %dma_wait3A_460] : memref<8x1024xf32, #tpu.memory_space<vmem>> -> memref<1x1024xf32, #tpu.memory_space<vmem>>
    %dma_wait3A_462 = tpu.memref_squeeze %dma_wait3A_461 : memref<1x1024xf32, #tpu.memory_space<vmem>> -> memref<1024xf32, #tpu.memory_space<vmem>>
    %dma_wait3A_463 = tpu.memref_slice %arg20[%select_n3A, %dma_wait3A_457, %dma_wait3A_458, %mul3A_234] : memref<2x8x2x8192xf32, #tpu.memory_space<vmem_shared>> -> memref<1x1x1x1024xf32, #tpu.memory_space<vmem_shared>>
    %dma_wait3A_464 = tpu.memref_squeeze %dma_wait3A_463 : memref<1x1x1x1024xf32, #tpu.memory_space<vmem_shared>> -> memref<1024xf32, #tpu.memory_space<vmem_shared>>
    %dma_wait3A_465 = arith.constant 0 : i32
    %dma_wait3A_466 = tpu.memref_slice %arg14[%dma_wait3A_459, %dma_wait3A_465] : memref<8x1024xf32, #tpu.memory_space<vmem>> -> memref<1x1024xf32, #tpu.memory_space<vmem>>
    %dma_wait3A_467 = tpu.memref_squeeze %dma_wait3A_466 : memref<1x1024xf32, #tpu.memory_space<vmem>> -> memref<1024xf32, #tpu.memory_space<vmem>>
    %dma_wait3A_468 = tpu.memref_slice %arg20[%select_n3A, %dma_wait3A_457, %dma_wait3A_458, %mul3A_234] : memref<2x8x2x8192xf32, #tpu.memory_space<vmem_shared>> -> memref<1x1x1x1024xf32, #tpu.memory_space<vmem_shared>>
    %dma_wait3A_469 = tpu.memref_squeeze %dma_wait3A_468 : memref<1x1x1x1024xf32, #tpu.memory_space<vmem_shared>> -> memref<1024xf32, #tpu.memory_space<vmem_shared>>
    tpu.wait_dma2 semaphore(%arg22 : memref<!tpu.dma_semaphore, #tpu.memory_space<semaphore_mem>>) src(%dma_wait3A_469 : memref<1024xf32, #tpu.memory_space<vmem_shared>>) dst(%dma_wait3A_467 : memref<1024xf32, #tpu.memory_space<vmem>>)
    %dma_wait3A_470 = arith.constant 4 : i32
    %dma_wait3A_471 = arith.constant 1 : i32
    %dma_wait3A_472 = arith.constant 4 : i32
    %dma_wait3A_473 = arith.constant 0 : i32
    %dma_wait3A_474 = tpu.memref_slice %arg15[%dma_wait3A_472, %dma_wait3A_473] : memref<8x1024xf32, #tpu.memory_space<vmem>> -> memref<1x1024xf32, #tpu.memory_space<vmem>>
    %dma_wait3A_475 = tpu.memref_squeeze %dma_wait3A_474 : memref<1x1024xf32, #tpu.memory_space<vmem>> -> memref<1024xf32, #tpu.memory_space<vmem>>
    %dma_wait3A_476 = tpu.memref_slice %arg20[%select_n3A, %dma_wait3A_470, %dma_wait3A_471, %mul3A_249] : memref<2x8x2x8192xf32, #tpu.memory_space<vmem_shared>> -> memref<1x1x1x1024xf32, #tpu.memory_space<vmem_shared>>
    %dma_wait3A_477 = tpu.memref_squeeze %dma_wait3A_476 : memref<1x1x1x1024xf32, #tpu.memory_space<vmem_shared>> -> memref<1024xf32, #tpu.memory_space<vmem_shared>>
    %dma_wait3A_478 = arith.constant 0 : i32
    %dma_wait3A_479 = tpu.memref_slice %arg15[%dma_wait3A_472, %dma_wait3A_478] : memref<8x1024xf32, #tpu.memory_space<vmem>> -> memref<1x1024xf32, #tpu.memory_space<vmem>>
    %dma_wait3A_480 = tpu.memref_squeeze %dma_wait3A_479 : memref<1x1024xf32, #tpu.memory_space<vmem>> -> memref<1024xf32, #tpu.memory_space<vmem>>
    %dma_wait3A_481 = tpu.memref_slice %arg20[%select_n3A, %dma_wait3A_470, %dma_wait3A_471, %mul3A_249] : memref<2x8x2x8192xf32, #tpu.memory_space<vmem_shared>> -> memref<1x1x1x1024xf32, #tpu.memory_space<vmem_shared>>
    %dma_wait3A_482 = tpu.memref_squeeze %dma_wait3A_481 : memref<1x1x1x1024xf32, #tpu.memory_space<vmem_shared>> -> memref<1024xf32, #tpu.memory_space<vmem_shared>>
    tpu.wait_dma2 semaphore(%arg22 : memref<!tpu.dma_semaphore, #tpu.memory_space<semaphore_mem>>) src(%dma_wait3A_482 : memref<1024xf32, #tpu.memory_space<vmem_shared>>) dst(%dma_wait3A_480 : memref<1024xf32, #tpu.memory_space<vmem>>)
    %dma_wait3A_483 = arith.constant 5 : i32
    %dma_wait3A_484 = arith.constant 0 : i32
    %dma_wait3A_485 = arith.constant 5 : i32
    %dma_wait3A_486 = arith.constant 0 : i32
    %dma_wait3A_487 = tpu.memref_slice %arg14[%dma_wait3A_485, %dma_wait3A_486] : memref<8x1024xf32, #tpu.memory_space<vmem>> -> memref<1x1024xf32, #tpu.memory_space<vmem>>
    %dma_wait3A_488 = tpu.memref_squeeze %dma_wait3A_487 : memref<1x1024xf32, #tpu.memory_space<vmem>> -> memref<1024xf32, #tpu.memory_space<vmem>>
    %dma_wait3A_489 = tpu.memref_slice %arg20[%select_n3A, %dma_wait3A_483, %dma_wait3A_484, %mul3A_264] : memref<2x8x2x8192xf32, #tpu.memory_space<vmem_shared>> -> memref<1x1x1x1024xf32, #tpu.memory_space<vmem_shared>>
    %dma_wait3A_490 = tpu.memref_squeeze %dma_wait3A_489 : memref<1x1x1x1024xf32, #tpu.memory_space<vmem_shared>> -> memref<1024xf32, #tpu.memory_space<vmem_shared>>
    %dma_wait3A_491 = arith.constant 0 : i32
    %dma_wait3A_492 = tpu.memref_slice %arg14[%dma_wait3A_485, %dma_wait3A_491] : memref<8x1024xf32, #tpu.memory_space<vmem>> -> memref<1x1024xf32, #tpu.memory_space<vmem>>
    %dma_wait3A_493 = tpu.memref_squeeze %dma_wait3A_492 : memref<1x1024xf32, #tpu.memory_space<vmem>> -> memref<1024xf32, #tpu.memory_space<vmem>>
    %dma_wait3A_494 = tpu.memref_slice %arg20[%select_n3A, %dma_wait3A_483, %dma_wait3A_484, %mul3A_264] : memref<2x8x2x8192xf32, #tpu.memory_space<vmem_shared>> -> memref<1x1x1x1024xf32, #tpu.memory_space<vmem_shared>>
    %dma_wait3A_495 = tpu.memref_squeeze %dma_wait3A_494 : memref<1x1x1x1024xf32, #tpu.memory_space<vmem_shared>> -> memref<1024xf32, #tpu.memory_space<vmem_shared>>
    tpu.wait_dma2 semaphore(%arg22 : memref<!tpu.dma_semaphore, #tpu.memory_space<semaphore_mem>>) src(%dma_wait3A_495 : memref<1024xf32, #tpu.memory_space<vmem_shared>>) dst(%dma_wait3A_493 : memref<1024xf32, #tpu.memory_space<vmem>>)
    %dma_wait3A_496 = arith.constant 5 : i32
    %dma_wait3A_497 = arith.constant 1 : i32
    %dma_wait3A_498 = arith.constant 5 : i32
    %dma_wait3A_499 = arith.constant 0 : i32
    %dma_wait3A_500 = tpu.memref_slice %arg15[%dma_wait3A_498, %dma_wait3A_499] : memref<8x1024xf32, #tpu.memory_space<vmem>> -> memref<1x1024xf32, #tpu.memory_space<vmem>>
    %dma_wait3A_501 = tpu.memref_squeeze %dma_wait3A_500 : memref<1x1024xf32, #tpu.memory_space<vmem>> -> memref<1024xf32, #tpu.memory_space<vmem>>
    %dma_wait3A_502 = tpu.memref_slice %arg20[%select_n3A, %dma_wait3A_496, %dma_wait3A_497, %mul3A_279] : memref<2x8x2x8192xf32, #tpu.memory_space<vmem_shared>> -> memref<1x1x1x1024xf32, #tpu.memory_space<vmem_shared>>
    %dma_wait3A_503 = tpu.memref_squeeze %dma_wait3A_502 : memref<1x1x1x1024xf32, #tpu.memory_space<vmem_shared>> -> memref<1024xf32, #tpu.memory_space<vmem_shared>>
    %dma_wait3A_504 = arith.constant 0 : i32
    %dma_wait3A_505 = tpu.memref_slice %arg15[%dma_wait3A_498, %dma_wait3A_504] : memref<8x1024xf32, #tpu.memory_space<vmem>> -> memref<1x1024xf32, #tpu.memory_space<vmem>>
    %dma_wait3A_506 = tpu.memref_squeeze %dma_wait3A_505 : memref<1x1024xf32, #tpu.memory_space<vmem>> -> memref<1024xf32, #tpu.memory_space<vmem>>
    %dma_wait3A_507 = tpu.memref_slice %arg20[%select_n3A, %dma_wait3A_496, %dma_wait3A_497, %mul3A_279] : memref<2x8x2x8192xf32, #tpu.memory_space<vmem_shared>> -> memref<1x1x1x1024xf32, #tpu.memory_space<vmem_shared>>
    %dma_wait3A_508 = tpu.memref_squeeze %dma_wait3A_507 : memref<1x1x1x1024xf32, #tpu.memory_space<vmem_shared>> -> memref<1024xf32, #tpu.memory_space<vmem_shared>>
    tpu.wait_dma2 semaphore(%arg22 : memref<!tpu.dma_semaphore, #tpu.memory_space<semaphore_mem>>) src(%dma_wait3A_508 : memref<1024xf32, #tpu.memory_space<vmem_shared>>) dst(%dma_wait3A_506 : memref<1024xf32, #tpu.memory_space<vmem>>)
    %dma_wait3A_509 = arith.constant 6 : i32
    %dma_wait3A_510 = arith.constant 0 : i32
    %dma_wait3A_511 = arith.constant 6 : i32
    %dma_wait3A_512 = arith.constant 0 : i32
    %dma_wait3A_513 = tpu.memref_slice %arg14[%dma_wait3A_511, %dma_wait3A_512] : memref<8x1024xf32, #tpu.memory_space<vmem>> -> memref<1x1024xf32, #tpu.memory_space<vmem>>
    %dma_wait3A_514 = tpu.memref_squeeze %dma_wait3A_513 : memref<1x1024xf32, #tpu.memory_space<vmem>> -> memref<1024xf32, #tpu.memory_space<vmem>>
    %dma_wait3A_515 = tpu.memref_slice %arg20[%select_n3A, %dma_wait3A_509, %dma_wait3A_510, %mul3A_294] : memref<2x8x2x8192xf32, #tpu.memory_space<vmem_shared>> -> memref<1x1x1x1024xf32, #tpu.memory_space<vmem_shared>>
    %dma_wait3A_516 = tpu.memref_squeeze %dma_wait3A_515 : memref<1x1x1x1024xf32, #tpu.memory_space<vmem_shared>> -> memref<1024xf32, #tpu.memory_space<vmem_shared>>
    %dma_wait3A_517 = arith.constant 0 : i32
    %dma_wait3A_518 = tpu.memref_slice %arg14[%dma_wait3A_511, %dma_wait3A_517] : memref<8x1024xf32, #tpu.memory_space<vmem>> -> memref<1x1024xf32, #tpu.memory_space<vmem>>
    %dma_wait3A_519 = tpu.memref_squeeze %dma_wait3A_518 : memref<1x1024xf32, #tpu.memory_space<vmem>> -> memref<1024xf32, #tpu.memory_space<vmem>>
    %dma_wait3A_520 = tpu.memref_slice %arg20[%select_n3A, %dma_wait3A_509, %dma_wait3A_510, %mul3A_294] : memref<2x8x2x8192xf32, #tpu.memory_space<vmem_shared>> -> memref<1x1x1x1024xf32, #tpu.memory_space<vmem_shared>>
    %dma_wait3A_521 = tpu.memref_squeeze %dma_wait3A_520 : memref<1x1x1x1024xf32, #tpu.memory_space<vmem_shared>> -> memref<1024xf32, #tpu.memory_space<vmem_shared>>
    tpu.wait_dma2 semaphore(%arg22 : memref<!tpu.dma_semaphore, #tpu.memory_space<semaphore_mem>>) src(%dma_wait3A_521 : memref<1024xf32, #tpu.memory_space<vmem_shared>>) dst(%dma_wait3A_519 : memref<1024xf32, #tpu.memory_space<vmem>>)
    %dma_wait3A_522 = arith.constant 6 : i32
    %dma_wait3A_523 = arith.constant 1 : i32
    %dma_wait3A_524 = arith.constant 6 : i32
    %dma_wait3A_525 = arith.constant 0 : i32
    %dma_wait3A_526 = tpu.memref_slice %arg15[%dma_wait3A_524, %dma_wait3A_525] : memref<8x1024xf32, #tpu.memory_space<vmem>> -> memref<1x1024xf32, #tpu.memory_space<vmem>>
    %dma_wait3A_527 = tpu.memref_squeeze %dma_wait3A_526 : memref<1x1024xf32, #tpu.memory_space<vmem>> -> memref<1024xf32, #tpu.memory_space<vmem>>
    %dma_wait3A_528 = tpu.memref_slice %arg20[%select_n3A, %dma_wait3A_522, %dma_wait3A_523, %mul3A_309] : memref<2x8x2x8192xf32, #tpu.memory_space<vmem_shared>> -> memref<1x1x1x1024xf32, #tpu.memory_space<vmem_shared>>
    %dma_wait3A_529 = tpu.memref_squeeze %dma_wait3A_528 : memref<1x1x1x1024xf32, #tpu.memory_space<vmem_shared>> -> memref<1024xf32, #tpu.memory_space<vmem_shared>>
    %dma_wait3A_530 = arith.constant 0 : i32
    %dma_wait3A_531 = tpu.memref_slice %arg15[%dma_wait3A_524, %dma_wait3A_530] : memref<8x1024xf32, #tpu.memory_space<vmem>> -> memref<1x1024xf32, #tpu.memory_space<vmem>>
    %dma_wait3A_532 = tpu.memref_squeeze %dma_wait3A_531 : memref<1x1024xf32, #tpu.memory_space<vmem>> -> memref<1024xf32, #tpu.memory_space<vmem>>
    %dma_wait3A_533 = tpu.memref_slice %arg20[%select_n3A, %dma_wait3A_522, %dma_wait3A_523, %mul3A_309] : memref<2x8x2x8192xf32, #tpu.memory_space<vmem_shared>> -> memref<1x1x1x1024xf32, #tpu.memory_space<vmem_shared>>
    %dma_wait3A_534 = tpu.memref_squeeze %dma_wait3A_533 : memref<1x1x1x1024xf32, #tpu.memory_space<vmem_shared>> -> memref<1024xf32, #tpu.memory_space<vmem_shared>>
    tpu.wait_dma2 semaphore(%arg22 : memref<!tpu.dma_semaphore, #tpu.memory_space<semaphore_mem>>) src(%dma_wait3A_534 : memref<1024xf32, #tpu.memory_space<vmem_shared>>) dst(%dma_wait3A_532 : memref<1024xf32, #tpu.memory_space<vmem>>)
    %dma_wait3A_535 = arith.constant 7 : i32
    %dma_wait3A_536 = arith.constant 0 : i32
    %dma_wait3A_537 = arith.constant 7 : i32
    %dma_wait3A_538 = arith.constant 0 : i32
    %dma_wait3A_539 = tpu.memref_slice %arg14[%dma_wait3A_537, %dma_wait3A_538] : memref<8x1024xf32, #tpu.memory_space<vmem>> -> memref<1x1024xf32, #tpu.memory_space<vmem>>
    %dma_wait3A_540 = tpu.memref_squeeze %dma_wait3A_539 : memref<1x1024xf32, #tpu.memory_space<vmem>> -> memref<1024xf32, #tpu.memory_space<vmem>>
    %dma_wait3A_541 = tpu.memref_slice %arg20[%select_n3A, %dma_wait3A_535, %dma_wait3A_536, %mul3A_324] : memref<2x8x2x8192xf32, #tpu.memory_space<vmem_shared>> -> memref<1x1x1x1024xf32, #tpu.memory_space<vmem_shared>>
    %dma_wait3A_542 = tpu.memref_squeeze %dma_wait3A_541 : memref<1x1x1x1024xf32, #tpu.memory_space<vmem_shared>> -> memref<1024xf32, #tpu.memory_space<vmem_shared>>
    %dma_wait3A_543 = arith.constant 0 : i32
    %dma_wait3A_544 = tpu.memref_slice %arg14[%dma_wait3A_537, %dma_wait3A_543] : memref<8x1024xf32, #tpu.memory_space<vmem>> -> memref<1x1024xf32, #tpu.memory_space<vmem>>
    %dma_wait3A_545 = tpu.memref_squeeze %dma_wait3A_544 : memref<1x1024xf32, #tpu.memory_space<vmem>> -> memref<1024xf32, #tpu.memory_space<vmem>>
    %dma_wait3A_546 = tpu.memref_slice %arg20[%select_n3A, %dma_wait3A_535, %dma_wait3A_536, %mul3A_324] : memref<2x8x2x8192xf32, #tpu.memory_space<vmem_shared>> -> memref<1x1x1x1024xf32, #tpu.memory_space<vmem_shared>>
    %dma_wait3A_547 = tpu.memref_squeeze %dma_wait3A_546 : memref<1x1x1x1024xf32, #tpu.memory_space<vmem_shared>> -> memref<1024xf32, #tpu.memory_space<vmem_shared>>
    tpu.wait_dma2 semaphore(%arg22 : memref<!tpu.dma_semaphore, #tpu.memory_space<semaphore_mem>>) src(%dma_wait3A_547 : memref<1024xf32, #tpu.memory_space<vmem_shared>>) dst(%dma_wait3A_545 : memref<1024xf32, #tpu.memory_space<vmem>>)
    %dma_wait3A_548 = arith.constant 7 : i32
    %dma_wait3A_549 = arith.constant 1 : i32
    %dma_wait3A_550 = arith.constant 7 : i32
    %dma_wait3A_551 = arith.constant 0 : i32
    %dma_wait3A_552 = tpu.memref_slice %arg15[%dma_wait3A_550, %dma_wait3A_551] : memref<8x1024xf32, #tpu.memory_space<vmem>> -> memref<1x1024xf32, #tpu.memory_space<vmem>>
    %dma_wait3A_553 = tpu.memref_squeeze %dma_wait3A_552 : memref<1x1024xf32, #tpu.memory_space<vmem>> -> memref<1024xf32, #tpu.memory_space<vmem>>
    %dma_wait3A_554 = tpu.memref_slice %arg20[%select_n3A, %dma_wait3A_548, %dma_wait3A_549, %mul3A_339] : memref<2x8x2x8192xf32, #tpu.memory_space<vmem_shared>> -> memref<1x1x1x1024xf32, #tpu.memory_space<vmem_shared>>
    %dma_wait3A_555 = tpu.memref_squeeze %dma_wait3A_554 : memref<1x1x1x1024xf32, #tpu.memory_space<vmem_shared>> -> memref<1024xf32, #tpu.memory_space<vmem_shared>>
    %dma_wait3A_556 = arith.constant 0 : i32
    %dma_wait3A_557 = tpu.memref_slice %arg15[%dma_wait3A_550, %dma_wait3A_556] : memref<8x1024xf32, #tpu.memory_space<vmem>> -> memref<1x1024xf32, #tpu.memory_space<vmem>>
    %dma_wait3A_558 = tpu.memref_squeeze %dma_wait3A_557 : memref<1x1024xf32, #tpu.memory_space<vmem>> -> memref<1024xf32, #tpu.memory_space<vmem>>
    %dma_wait3A_559 = tpu.memref_slice %arg20[%select_n3A, %dma_wait3A_548, %dma_wait3A_549, %mul3A_339] : memref<2x8x2x8192xf32, #tpu.memory_space<vmem_shared>> -> memref<1x1x1x1024xf32, #tpu.memory_space<vmem_shared>>
    %dma_wait3A_560 = tpu.memref_squeeze %dma_wait3A_559 : memref<1x1x1x1024xf32, #tpu.memory_space<vmem_shared>> -> memref<1024xf32, #tpu.memory_space<vmem_shared>>
    tpu.wait_dma2 semaphore(%arg22 : memref<!tpu.dma_semaphore, #tpu.memory_space<semaphore_mem>>) src(%dma_wait3A_560 : memref<1024xf32, #tpu.memory_space<vmem_shared>>) dst(%dma_wait3A_558 : memref<1024xf32, #tpu.memory_space<vmem>>)
    %scan3A_561 = arith.constant 0 : i32
    %scan3A_562 = arith.constant 32 : i32
    %scan3A_563 = arith.addi %scan3A_561, %scan3A_562 : i32
    %scan3A_564 = arith.constant 4 : i32
    %scan3A_565:4 = scf.for %scan3A_586 = %scan3A_561 to %scan3A_563 step %scan3A_564 iter_args(%scan3A_587 = %broadcast_in_dim3A_69, %scan3A_588 = %broadcast_in_dim3A_69, %scan3A_589 = %broadcast_in_dim3A_69, %scan3A_590 = %broadcast_in_dim3A_69) -> (vector<16xf32>, vector<16xf32>, vector<16xf32>, vector<16xf32>)  : i32 {
      %mul3A_591 = arith.constant 2 : i32
      %mul3A_592 = arith.muli %scan3A_586, %mul3A_591 : i32
      %mul3A_593 = arith.constant 16 : i32
      %mul3A_594 = arith.muli %mul3A_592, %mul3A_593 : i32
      %get3A = arith.constant 0 : i32
      %get3A_595 = arith.index_cast %get3A : i32 to index
      %get3A_596 = arith.index_cast %mul3A_594 : i32 to index
      %get3A_597 = tpu.vector_load %arg14[%get3A_595, %get3A_596] {strides = array<i32>} : memref<8x1024xf32, #tpu.memory_space<vmem>>, vector<16xf32>,
      %get3A_598 = arith.constant 0 : i32
      %get3A_599 = arith.index_cast %get3A_598 : i32 to index
      %get3A_600 = arith.index_cast %mul3A_594 : i32 to index
      %get3A_601 = tpu.vector_load %arg15[%get3A_599, %get3A_600] {strides = array<i32>} : memref<8x1024xf32, #tpu.memory_space<vmem>>, vector<16xf32>,
      %add3A_602 = arith.constant 16 : i32
      %add3A_603 = arith.addi %mul3A_594, %add3A_602 : i32
      %get3A_604 = arith.constant 0 : i32
      %get3A_605 = arith.index_cast %get3A_604 : i32 to index
      %get3A_606 = arith.index_cast %add3A_603 : i32 to index
      %get3A_607 = tpu.vector_load %arg14[%get3A_605, %get3A_606] {strides = array<i32>} : memref<8x1024xf32, #tpu.memory_space<vmem>>, vector<16xf32>,
      %add3A_608 = arith.constant 16 : i32
      %add3A_609 = arith.addi %mul3A_594, %add3A_608 : i32
      %get3A_610 = arith.constant 0 : i32
      %get3A_611 = arith.index_cast %get3A_610 : i32 to index
      %get3A_612 = arith.index_cast %add3A_609 : i32 to index
      %get3A_613 = tpu.vector_load %arg15[%get3A_611, %get3A_612] {strides = array<i32>} : memref<8x1024xf32, #tpu.memory_space<vmem>>, vector<16xf32>,
      %get3A_614 = arith.constant 1 : i32
      %get3A_615 = arith.index_cast %get3A_614 : i32 to index
      %get3A_616 = arith.index_cast %mul3A_594 : i32 to index
      %get3A_617 = tpu.vector_load %arg14[%get3A_615, %get3A_616] {strides = array<i32>} : memref<8x1024xf32, #tpu.memory_space<vmem>>, vector<16xf32>,
      %add3A_618 = arith.addf %get3A_597, %get3A_617 : vector<16xf32>
      %get3A_619 = arith.constant 1 : i32
      %get3A_620 = arith.index_cast %get3A_619 : i32 to index
      %get3A_621 = arith.index_cast %mul3A_594 : i32 to index
      %get3A_622 = tpu.vector_load %arg15[%get3A_620, %get3A_621] {strides = array<i32>} : memref<8x1024xf32, #tpu.memory_space<vmem>>, vector<16xf32>,
      %add3A_623 = arith.addf %get3A_601, %get3A_622 : vector<16xf32>
      %add3A_624 = arith.constant 16 : i32
      %add3A_625 = arith.addi %mul3A_594, %add3A_624 : i32
      %get3A_626 = arith.constant 1 : i32
      %get3A_627 = arith.index_cast %get3A_626 : i32 to index
      %get3A_628 = arith.index_cast %add3A_625 : i32 to index
      %get3A_629 = tpu.vector_load %arg14[%get3A_627, %get3A_628] {strides = array<i32>} : memref<8x1024xf32, #tpu.memory_space<vmem>>, vector<16xf32>,
      %add3A_630 = arith.addf %get3A_607, %get3A_629 : vector<16xf32>
      %add3A_631 = arith.constant 16 : i32
      %add3A_632 = arith.addi %mul3A_594, %add3A_631 : i32
      %get3A_633 = arith.constant 1 : i32
      %get3A_634 = arith.index_cast %get3A_633 : i32 to index
      %get3A_635 = arith.index_cast %add3A_632 : i32 to index
      %get3A_636 = tpu.vector_load %arg15[%get3A_634, %get3A_635] {strides = array<i32>} : memref<8x1024xf32, #tpu.memory_space<vmem>>, vector<16xf32>,
      %add3A_637 = arith.addf %get3A_613, %get3A_636 : vector<16xf32>
      %get3A_638 = arith.constant 2 : i32
      %get3A_639 = arith.index_cast %get3A_638 : i32 to index
      %get3A_640 = arith.index_cast %mul3A_594 : i32 to index
      %get3A_641 = tpu.vector_load %arg14[%get3A_639, %get3A_640] {strides = array<i32>} : memref<8x1024xf32, #tpu.memory_space<vmem>>, vector<16xf32>,
      %add3A_642 = arith.addf %add3A_618, %get3A_641 : vector<16xf32>
      %get3A_643 = arith.constant 2 : i32
      %get3A_644 = arith.index_cast %get3A_643 : i32 to index
      %get3A_645 = arith.index_cast %mul3A_594 : i32 to index
      %get3A_646 = tpu.vector_load %arg15[%get3A_644, %get3A_645] {strides = array<i32>} : memref<8x1024xf32, #tpu.memory_space<vmem>>, vector<16xf32>,
      %add3A_647 = arith.addf %add3A_623, %get3A_646 : vector<16xf32>
      %add3A_648 = arith.constant 16 : i32
      %add3A_649 = arith.addi %mul3A_594, %add3A_648 : i32
      %get3A_650 = arith.constant 2 : i32
      %get3A_651 = arith.index_cast %get3A_650 : i32 to index
      %get3A_652 = arith.index_cast %add3A_649 : i32 to index
      %get3A_653 = tpu.vector_load %arg14[%get3A_651, %get3A_652] {strides = array<i32>} : memref<8x1024xf32, #tpu.memory_space<vmem>>, vector<16xf32>,
      %add3A_654 = arith.addf %add3A_630, %get3A_653 : vector<16xf32>
      %add3A_655 = arith.constant 16 : i32
      %add3A_656 = arith.addi %mul3A_594, %add3A_655 : i32
      %get3A_657 = arith.constant 2 : i32
      %get3A_658 = arith.index_cast %get3A_657 : i32 to index
      %get3A_659 = arith.index_cast %add3A_656 : i32 to index
      %get3A_660 = tpu.vector_load %arg15[%get3A_658, %get3A_659] {strides = array<i32>} : memref<8x1024xf32, #tpu.memory_space<vmem>>, vector<16xf32>,
      %add3A_661 = arith.addf %add3A_637, %get3A_660 : vector<16xf32>
      %get3A_662 = arith.constant 3 : i32
      %get3A_663 = arith.index_cast %get3A_662 : i32 to index
      %get3A_664 = arith.index_cast %mul3A_594 : i32 to index
      %get3A_665 = tpu.vector_load %arg14[%get3A_663, %get3A_664] {strides = array<i32>} : memref<8x1024xf32, #tpu.memory_space<vmem>>, vector<16xf32>,
      %add3A_666 = arith.addf %add3A_642, %get3A_665 : vector<16xf32>
      %get3A_667 = arith.constant 3 : i32
      %get3A_668 = arith.index_cast %get3A_667 : i32 to index
      %get3A_669 = arith.index_cast %mul3A_594 : i32 to index
      %get3A_670 = tpu.vector_load %arg15[%get3A_668, %get3A_669] {strides = array<i32>} : memref<8x1024xf32, #tpu.memory_space<vmem>>, vector<16xf32>,
      %add3A_671 = arith.addf %add3A_647, %get3A_670 : vector<16xf32>
      %add3A_672 = arith.constant 16 : i32
      %add3A_673 = arith.addi %mul3A_594, %add3A_672 : i32
      %get3A_674 = arith.constant 3 : i32
      %get3A_675 = arith.index_cast %get3A_674 : i32 to index
      %get3A_676 = arith.index_cast %add3A_673 : i32 to index
      %get3A_677 = tpu.vector_load %arg14[%get3A_675, %get3A_676] {strides = array<i32>} : memref<8x1024xf32, #tpu.memory_space<vmem>>, vector<16xf32>,
      %add3A_678 = arith.addf %add3A_654, %get3A_677 : vector<16xf32>
      %add3A_679 = arith.constant 16 : i32
      %add3A_680 = arith.addi %mul3A_594, %add3A_679 : i32
      %get3A_681 = arith.constant 3 : i32
      %get3A_682 = arith.index_cast %get3A_681 : i32 to index
      %get3A_683 = arith.index_cast %add3A_680 : i32 to index
      %get3A_684 = tpu.vector_load %arg15[%get3A_682, %get3A_683] {strides = array<i32>} : memref<8x1024xf32, #tpu.memory_space<vmem>>, vector<16xf32>,
      %add3A_685 = arith.addf %add3A_661, %get3A_684 : vector<16xf32>
      %get3A_686 = arith.constant 4 : i32
      %get3A_687 = arith.index_cast %get3A_686 : i32 to index
      %get3A_688 = arith.index_cast %mul3A_594 : i32 to index
      %get3A_689 = tpu.vector_load %arg14[%get3A_687, %get3A_688] {strides = array<i32>} : memref<8x1024xf32, #tpu.memory_space<vmem>>, vector<16xf32>,
      %add3A_690 = arith.addf %add3A_666, %get3A_689 : vector<16xf32>
      %get3A_691 = arith.constant 4 : i32
      %get3A_692 = arith.index_cast %get3A_691 : i32 to index
      %get3A_693 = arith.index_cast %mul3A_594 : i32 to index
      %get3A_694 = tpu.vector_load %arg15[%get3A_692, %get3A_693] {strides = array<i32>} : memref<8x1024xf32, #tpu.memory_space<vmem>>, vector<16xf32>,
      %add3A_695 = arith.addf %add3A_671, %get3A_694 : vector<16xf32>
      %add3A_696 = arith.constant 16 : i32
      %add3A_697 = arith.addi %mul3A_594, %add3A_696 : i32
      %get3A_698 = arith.constant 4 : i32
      %get3A_699 = arith.index_cast %get3A_698 : i32 to index
      %get3A_700 = arith.index_cast %add3A_697 : i32 to index
      %get3A_701 = tpu.vector_load %arg14[%get3A_699, %get3A_700] {strides = array<i32>} : memref<8x1024xf32, #tpu.memory_space<vmem>>, vector<16xf32>,
      %add3A_702 = arith.addf %add3A_678, %get3A_701 : vector<16xf32>
      %add3A_703 = arith.constant 16 : i32
      %add3A_704 = arith.addi %mul3A_594, %add3A_703 : i32
      %get3A_705 = arith.constant 4 : i32
      %get3A_706 = arith.index_cast %get3A_705 : i32 to index
      %get3A_707 = arith.index_cast %add3A_704 : i32 to index
      %get3A_708 = tpu.vector_load %arg15[%get3A_706, %get3A_707] {strides = array<i32>} : memref<8x1024xf32, #tpu.memory_space<vmem>>, vector<16xf32>,
      %add3A_709 = arith.addf %add3A_685, %get3A_708 : vector<16xf32>
      %get3A_710 = arith.constant 5 : i32
      %get3A_711 = arith.index_cast %get3A_710 : i32 to index
      %get3A_712 = arith.index_cast %mul3A_594 : i32 to index
      %get3A_713 = tpu.vector_load %arg14[%get3A_711, %get3A_712] {strides = array<i32>} : memref<8x1024xf32, #tpu.memory_space<vmem>>, vector<16xf32>,
      %add3A_714 = arith.addf %add3A_690, %get3A_713 : vector<16xf32>
      %get3A_715 = arith.constant 5 : i32
      %get3A_716 = arith.index_cast %get3A_715 : i32 to index
      %get3A_717 = arith.index_cast %mul3A_594 : i32 to index
      %get3A_718 = tpu.vector_load %arg15[%get3A_716, %get3A_717] {strides = array<i32>} : memref<8x1024xf32, #tpu.memory_space<vmem>>, vector<16xf32>,
      %add3A_719 = arith.addf %add3A_695, %get3A_718 : vector<16xf32>
      %add3A_720 = arith.constant 16 : i32
      %add3A_721 = arith.addi %mul3A_594, %add3A_720 : i32
      %get3A_722 = arith.constant 5 : i32
      %get3A_723 = arith.index_cast %get3A_722 : i32 to index
      %get3A_724 = arith.index_cast %add3A_721 : i32 to index
      %get3A_725 = tpu.vector_load %arg14[%get3A_723, %get3A_724] {strides = array<i32>} : memref<8x1024xf32, #tpu.memory_space<vmem>>, vector<16xf32>,
      %add3A_726 = arith.addf %add3A_702, %get3A_725 : vector<16xf32>
      %add3A_727 = arith.constant 16 : i32
      %add3A_728 = arith.addi %mul3A_594, %add3A_727 : i32
      %get3A_729 = arith.constant 5 : i32
      %get3A_730 = arith.index_cast %get3A_729 : i32 to index
      %get3A_731 = arith.index_cast %add3A_728 : i32 to index
      %get3A_732 = tpu.vector_load %arg15[%get3A_730, %get3A_731] {strides = array<i32>} : memref<8x1024xf32, #tpu.memory_space<vmem>>, vector<16xf32>,
      %add3A_733 = arith.addf %add3A_709, %get3A_732 : vector<16xf32>
      %get3A_734 = arith.constant 6 : i32
      %get3A_735 = arith.index_cast %get3A_734 : i32 to index
      %get3A_736 = arith.index_cast %mul3A_594 : i32 to index
      %get3A_737 = tpu.vector_load %arg14[%get3A_735, %get3A_736] {strides = array<i32>} : memref<8x1024xf32, #tpu.memory_space<vmem>>, vector<16xf32>,
      %add3A_738 = arith.addf %add3A_714, %get3A_737 : vector<16xf32>
      %get3A_739 = arith.constant 6 : i32
      %get3A_740 = arith.index_cast %get3A_739 : i32 to index
      %get3A_741 = arith.index_cast %mul3A_594 : i32 to index
      %get3A_742 = tpu.vector_load %arg15[%get3A_740, %get3A_741] {strides = array<i32>} : memref<8x1024xf32, #tpu.memory_space<vmem>>, vector<16xf32>,
      %add3A_743 = arith.addf %add3A_719, %get3A_742 : vector<16xf32>
      %add3A_744 = arith.constant 16 : i32
      %add3A_745 = arith.addi %mul3A_594, %add3A_744 : i32
      %get3A_746 = arith.constant 6 : i32
      %get3A_747 = arith.index_cast %get3A_746 : i32 to index
      %get3A_748 = arith.index_cast %add3A_745 : i32 to index
      %get3A_749 = tpu.vector_load %arg14[%get3A_747, %get3A_748] {strides = array<i32>} : memref<8x1024xf32, #tpu.memory_space<vmem>>, vector<16xf32>,
      %add3A_750 = arith.addf %add3A_726, %get3A_749 : vector<16xf32>
      %add3A_751 = arith.constant 16 : i32
      %add3A_752 = arith.addi %mul3A_594, %add3A_751 : i32
      %get3A_753 = arith.constant 6 : i32
      %get3A_754 = arith.index_cast %get3A_753 : i32 to index
      %get3A_755 = arith.index_cast %add3A_752 : i32 to index
      %get3A_756 = tpu.vector_load %arg15[%get3A_754, %get3A_755] {strides = array<i32>} : memref<8x1024xf32, #tpu.memory_space<vmem>>, vector<16xf32>,
      %add3A_757 = arith.addf %add3A_733, %get3A_756 : vector<16xf32>
      %get3A_758 = arith.constant 7 : i32
      %get3A_759 = arith.index_cast %get3A_758 : i32 to index
      %get3A_760 = arith.index_cast %mul3A_594 : i32 to index
      %get3A_761 = tpu.vector_load %arg14[%get3A_759, %get3A_760] {strides = array<i32>} : memref<8x1024xf32, #tpu.memory_space<vmem>>, vector<16xf32>,
      %add3A_762 = arith.addf %add3A_738, %get3A_761 : vector<16xf32>
      %get3A_763 = arith.constant 7 : i32
      %get3A_764 = arith.index_cast %get3A_763 : i32 to index
      %get3A_765 = arith.index_cast %mul3A_594 : i32 to index
      %get3A_766 = tpu.vector_load %arg15[%get3A_764, %get3A_765] {strides = array<i32>} : memref<8x1024xf32, #tpu.memory_space<vmem>>, vector<16xf32>,
      %add3A_767 = arith.addf %add3A_743, %get3A_766 : vector<16xf32>
      %add3A_768 = arith.constant 16 : i32
      %add3A_769 = arith.addi %mul3A_594, %add3A_768 : i32
      %get3A_770 = arith.constant 7 : i32
      %get3A_771 = arith.index_cast %get3A_770 : i32 to index
      %get3A_772 = arith.index_cast %add3A_769 : i32 to index
      %get3A_773 = tpu.vector_load %arg14[%get3A_771, %get3A_772] {strides = array<i32>} : memref<8x1024xf32, #tpu.memory_space<vmem>>, vector<16xf32>,
      %add3A_774 = arith.addf %add3A_750, %get3A_773 : vector<16xf32>
      %add3A_775 = arith.constant 16 : i32
      %add3A_776 = arith.addi %mul3A_594, %add3A_775 : i32
      %get3A_777 = arith.constant 7 : i32
      %get3A_778 = arith.index_cast %get3A_777 : i32 to index
      %get3A_779 = arith.index_cast %add3A_776 : i32 to index
      %get3A_780 = tpu.vector_load %arg15[%get3A_778, %get3A_779] {strides = array<i32>} : memref<8x1024xf32, #tpu.memory_space<vmem>>, vector<16xf32>,
      %add3A_781 = arith.addf %add3A_757, %get3A_780 : vector<16xf32>
      %get3A_782 = arith.index_cast %mul3A_594 : i32 to index
      %get3A_783 = tpu.vector_load %arg11[%get3A_782] {strides = array<i32>} : memref<1024xf32, #tpu.memory_space<vmem>>, vector<16xf32>,
      %add3A_784 = arith.constant 16 : i32
      %add3A_785 = arith.addi %mul3A_594, %add3A_784 : i32
      %get3A_786 = arith.index_cast %add3A_785 : i32 to index
      %get3A_787 = tpu.vector_load %arg11[%get3A_786] {strides = array<i32>} : memref<1024xf32, #tpu.memory_space<vmem>>, vector<16xf32>,
      %max3A = arith.constant 1.000000e+00 : f32
      %max3A_788 = vector.broadcast %max3A : f32 to vector<16xf32>
      %max3A_789 = arith.maximumf %add3A_767, %max3A_788 : vector<16xf32>
      %div3A_790 = arith.divf %add3A_762, %max3A_789 : vector<16xf32>
      %mul3A_791 = arith.mulf %get3A_783, %div3A_790 : vector<16xf32>
      %add3A_792 = arith.addf %scan3A_587, %mul3A_791 : vector<16xf32>
      %add3A_793 = arith.addf %scan3A_589, %get3A_783 : vector<16xf32>
      %max3A_794 = arith.constant 1.000000e+00 : f32
      %max3A_795 = vector.broadcast %max3A_794 : f32 to vector<16xf32>
      %max3A_796 = arith.maximumf %add3A_781, %max3A_795 : vector<16xf32>
      %div3A_797 = arith.divf %add3A_774, %max3A_796 : vector<16xf32>
      %mul3A_798 = arith.mulf %get3A_787, %div3A_797 : vector<16xf32>
      %add3A_799 = arith.addf %scan3A_588, %mul3A_798 : vector<16xf32>
      %add3A_800 = arith.addf %scan3A_590, %get3A_787 : vector<16xf32>
      %scan3A_801 = arith.constant 1 : i32
      %scan3A_802 = arith.addi %scan3A_586, %scan3A_801 : i32
      %mul3A_803 = arith.constant 2 : i32
      %mul3A_804 = arith.muli %scan3A_802, %mul3A_803 : i32
      %mul3A_805 = arith.constant 16 : i32
      %mul3A_806 = arith.muli %mul3A_804, %mul3A_805 : i32
      %get3A_807 = arith.constant 0 : i32
      %get3A_808 = arith.index_cast %get3A_807 : i32 to index
      %get3A_809 = arith.index_cast %mul3A_806 : i32 to index
      %get3A_810 = tpu.vector_load %arg14[%get3A_808, %get3A_809] {strides = array<i32>} : memref<8x1024xf32, #tpu.memory_space<vmem>>, vector<16xf32>,
      %get3A_811 = arith.constant 0 : i32
      %get3A_812 = arith.index_cast %get3A_811 : i32 to index
      %get3A_813 = arith.index_cast %mul3A_806 : i32 to index
      %get3A_814 = tpu.vector_load %arg15[%get3A_812, %get3A_813] {strides = array<i32>} : memref<8x1024xf32, #tpu.memory_space<vmem>>, vector<16xf32>,
      %add3A_815 = arith.constant 16 : i32
      %add3A_816 = arith.addi %mul3A_806, %add3A_815 : i32
      %get3A_817 = arith.constant 0 : i32
      %get3A_818 = arith.index_cast %get3A_817 : i32 to index
      %get3A_819 = arith.index_cast %add3A_816 : i32 to index
      %get3A_820 = tpu.vector_load %arg14[%get3A_818, %get3A_819] {strides = array<i32>} : memref<8x1024xf32, #tpu.memory_space<vmem>>, vector<16xf32>,
      %add3A_821 = arith.constant 16 : i32
      %add3A_822 = arith.addi %mul3A_806, %add3A_821 : i32
      %get3A_823 = arith.constant 0 : i32
      %get3A_824 = arith.index_cast %get3A_823 : i32 to index
      %get3A_825 = arith.index_cast %add3A_822 : i32 to index
      %get3A_826 = tpu.vector_load %arg15[%get3A_824, %get3A_825] {strides = array<i32>} : memref<8x1024xf32, #tpu.memory_space<vmem>>, vector<16xf32>,
      %get3A_827 = arith.constant 1 : i32
      %get3A_828 = arith.index_cast %get3A_827 : i32 to index
      %get3A_829 = arith.index_cast %mul3A_806 : i32 to index
      %get3A_830 = tpu.vector_load %arg14[%get3A_828, %get3A_829] {strides = array<i32>} : memref<8x1024xf32, #tpu.memory_space<vmem>>, vector<16xf32>,
      %add3A_831 = arith.addf %get3A_810, %get3A_830 : vector<16xf32>
      %get3A_832 = arith.constant 1 : i32
      %get3A_833 = arith.index_cast %get3A_832 : i32 to index
      %get3A_834 = arith.index_cast %mul3A_806 : i32 to index
      %get3A_835 = tpu.vector_load %arg15[%get3A_833, %get3A_834] {strides = array<i32>} : memref<8x1024xf32, #tpu.memory_space<vmem>>, vector<16xf32>,
      %add3A_836 = arith.addf %get3A_814, %get3A_835 : vector<16xf32>
      %add3A_837 = arith.constant 16 : i32
      %add3A_838 = arith.addi %mul3A_806, %add3A_837 : i32
      %get3A_839 = arith.constant 1 : i32
      %get3A_840 = arith.index_cast %get3A_839 : i32 to index
      %get3A_841 = arith.index_cast %add3A_838 : i32 to index
      %get3A_842 = tpu.vector_load %arg14[%get3A_840, %get3A_841] {strides = array<i32>} : memref<8x1024xf32, #tpu.memory_space<vmem>>, vector<16xf32>,
      %add3A_843 = arith.addf %get3A_820, %get3A_842 : vector<16xf32>
      %add3A_844 = arith.constant 16 : i32
      %add3A_845 = arith.addi %mul3A_806, %add3A_844 : i32
      %get3A_846 = arith.constant 1 : i32
      %get3A_847 = arith.index_cast %get3A_846 : i32 to index
      %get3A_848 = arith.index_cast %add3A_845 : i32 to index
      %get3A_849 = tpu.vector_load %arg15[%get3A_847, %get3A_848] {strides = array<i32>} : memref<8x1024xf32, #tpu.memory_space<vmem>>, vector<16xf32>,
      %add3A_850 = arith.addf %get3A_826, %get3A_849 : vector<16xf32>
      %get3A_851 = arith.constant 2 : i32
      %get3A_852 = arith.index_cast %get3A_851 : i32 to index
      %get3A_853 = arith.index_cast %mul3A_806 : i32 to index
      %get3A_854 = tpu.vector_load %arg14[%get3A_852, %get3A_853] {strides = array<i32>} : memref<8x1024xf32, #tpu.memory_space<vmem>>, vector<16xf32>,
      %add3A_855 = arith.addf %add3A_831, %get3A_854 : vector<16xf32>
      %get3A_856 = arith.constant 2 : i32
      %get3A_857 = arith.index_cast %get3A_856 : i32 to index
      %get3A_858 = arith.index_cast %mul3A_806 : i32 to index
      %get3A_859 = tpu.vector_load %arg15[%get3A_857, %get3A_858] {strides = array<i32>} : memref<8x1024xf32, #tpu.memory_space<vmem>>, vector<16xf32>,
      %add3A_860 = arith.addf %add3A_836, %get3A_859 : vector<16xf32>
      %add3A_861 = arith.constant 16 : i32
      %add3A_862 = arith.addi %mul3A_806, %add3A_861 : i32
      %get3A_863 = arith.constant 2 : i32
      %get3A_864 = arith.index_cast %get3A_863 : i32 to index
      %get3A_865 = arith.index_cast %add3A_862 : i32 to index
      %get3A_866 = tpu.vector_load %arg14[%get3A_864, %get3A_865] {strides = array<i32>} : memref<8x1024xf32, #tpu.memory_space<vmem>>, vector<16xf32>,
      %add3A_867 = arith.addf %add3A_843, %get3A_866 : vector<16xf32>
      %add3A_868 = arith.constant 16 : i32
      %add3A_869 = arith.addi %mul3A_806, %add3A_868 : i32
      %get3A_870 = arith.constant 2 : i32
      %get3A_871 = arith.index_cast %get3A_870 : i32 to index
      %get3A_872 = arith.index_cast %add3A_869 : i32 to index
      %get3A_873 = tpu.vector_load %arg15[%get3A_871, %get3A_872] {strides = array<i32>} : memref<8x1024xf32, #tpu.memory_space<vmem>>, vector<16xf32>,
      %add3A_874 = arith.addf %add3A_850, %get3A_873 : vector<16xf32>
      %get3A_875 = arith.constant 3 : i32
      %get3A_876 = arith.index_cast %get3A_875 : i32 to index
      %get3A_877 = arith.index_cast %mul3A_806 : i32 to index
      %get3A_878 = tpu.vector_load %arg14[%get3A_876, %get3A_877] {strides = array<i32>} : memref<8x1024xf32, #tpu.memory_space<vmem>>, vector<16xf32>,
      %add3A_879 = arith.addf %add3A_855, %get3A_878 : vector<16xf32>
      %get3A_880 = arith.constant 3 : i32
      %get3A_881 = arith.index_cast %get3A_880 : i32 to index
      %get3A_882 = arith.index_cast %mul3A_806 : i32 to index
      %get3A_883 = tpu.vector_load %arg15[%get3A_881, %get3A_882] {strides = array<i32>} : memref<8x1024xf32, #tpu.memory_space<vmem>>, vector<16xf32>,
      %add3A_884 = arith.addf %add3A_860, %get3A_883 : vector<16xf32>
      %add3A_885 = arith.constant 16 : i32
      %add3A_886 = arith.addi %mul3A_806, %add3A_885 : i32
      %get3A_887 = arith.constant 3 : i32
      %get3A_888 = arith.index_cast %get3A_887 : i32 to index
      %get3A_889 = arith.index_cast %add3A_886 : i32 to index
      %get3A_890 = tpu.vector_load %arg14[%get3A_888, %get3A_889] {strides = array<i32>} : memref<8x1024xf32, #tpu.memory_space<vmem>>, vector<16xf32>,
      %add3A_891 = arith.addf %add3A_867, %get3A_890 : vector<16xf32>
      %add3A_892 = arith.constant 16 : i32
      %add3A_893 = arith.addi %mul3A_806, %add3A_892 : i32
      %get3A_894 = arith.constant 3 : i32
      %get3A_895 = arith.index_cast %get3A_894 : i32 to index
      %get3A_896 = arith.index_cast %add3A_893 : i32 to index
      %get3A_897 = tpu.vector_load %arg15[%get3A_895, %get3A_896] {strides = array<i32>} : memref<8x1024xf32, #tpu.memory_space<vmem>>, vector<16xf32>,
      %add3A_898 = arith.addf %add3A_874, %get3A_897 : vector<16xf32>
      %get3A_899 = arith.constant 4 : i32
      %get3A_900 = arith.index_cast %get3A_899 : i32 to index
      %get3A_901 = arith.index_cast %mul3A_806 : i32 to index
      %get3A_902 = tpu.vector_load %arg14[%get3A_900, %get3A_901] {strides = array<i32>} : memref<8x1024xf32, #tpu.memory_space<vmem>>, vector<16xf32>,
      %add3A_903 = arith.addf %add3A_879, %get3A_902 : vector<16xf32>
      %get3A_904 = arith.constant 4 : i32
      %get3A_905 = arith.index_cast %get3A_904 : i32 to index
      %get3A_906 = arith.index_cast %mul3A_806 : i32 to index
      %get3A_907 = tpu.vector_load %arg15[%get3A_905, %get3A_906] {strides = array<i32>} : memref<8x1024xf32, #tpu.memory_space<vmem>>, vector<16xf32>,
      %add3A_908 = arith.addf %add3A_884, %get3A_907 : vector<16xf32>
      %add3A_909 = arith.constant 16 : i32
      %add3A_910 = arith.addi %mul3A_806, %add3A_909 : i32
      %get3A_911 = arith.constant 4 : i32
      %get3A_912 = arith.index_cast %get3A_911 : i32 to index
      %get3A_913 = arith.index_cast %add3A_910 : i32 to index
      %get3A_914 = tpu.vector_load %arg14[%get3A_912, %get3A_913] {strides = array<i32>} : memref<8x1024xf32, #tpu.memory_space<vmem>>, vector<16xf32>,
      %add3A_915 = arith.addf %add3A_891, %get3A_914 : vector<16xf32>
      %add3A_916 = arith.constant 16 : i32
      %add3A_917 = arith.addi %mul3A_806, %add3A_916 : i32
      %get3A_918 = arith.constant 4 : i32
      %get3A_919 = arith.index_cast %get3A_918 : i32 to index
      %get3A_920 = arith.index_cast %add3A_917 : i32 to index
      %get3A_921 = tpu.vector_load %arg15[%get3A_919, %get3A_920] {strides = array<i32>} : memref<8x1024xf32, #tpu.memory_space<vmem>>, vector<16xf32>,
      %add3A_922 = arith.addf %add3A_898, %get3A_921 : vector<16xf32>
      %get3A_923 = arith.constant 5 : i32
      %get3A_924 = arith.index_cast %get3A_923 : i32 to index
      %get3A_925 = arith.index_cast %mul3A_806 : i32 to index
      %get3A_926 = tpu.vector_load %arg14[%get3A_924, %get3A_925] {strides = array<i32>} : memref<8x1024xf32, #tpu.memory_space<vmem>>, vector<16xf32>,
      %add3A_927 = arith.addf %add3A_903, %get3A_926 : vector<16xf32>
      %get3A_928 = arith.constant 5 : i32
      %get3A_929 = arith.index_cast %get3A_928 : i32 to index
      %get3A_930 = arith.index_cast %mul3A_806 : i32 to index
      %get3A_931 = tpu.vector_load %arg15[%get3A_929, %get3A_930] {strides = array<i32>} : memref<8x1024xf32, #tpu.memory_space<vmem>>, vector<16xf32>,
      %add3A_932 = arith.addf %add3A_908, %get3A_931 : vector<16xf32>
      %add3A_933 = arith.constant 16 : i32
      %add3A_934 = arith.addi %mul3A_806, %add3A_933 : i32
      %get3A_935 = arith.constant 5 : i32
      %get3A_936 = arith.index_cast %get3A_935 : i32 to index
      %get3A_937 = arith.index_cast %add3A_934 : i32 to index
      %get3A_938 = tpu.vector_load %arg14[%get3A_936, %get3A_937] {strides = array<i32>} : memref<8x1024xf32, #tpu.memory_space<vmem>>, vector<16xf32>,
      %add3A_939 = arith.addf %add3A_915, %get3A_938 : vector<16xf32>
      %add3A_940 = arith.constant 16 : i32
      %add3A_941 = arith.addi %mul3A_806, %add3A_940 : i32
      %get3A_942 = arith.constant 5 : i32
      %get3A_943 = arith.index_cast %get3A_942 : i32 to index
      %get3A_944 = arith.index_cast %add3A_941 : i32 to index
      %get3A_945 = tpu.vector_load %arg15[%get3A_943, %get3A_944] {strides = array<i32>} : memref<8x1024xf32, #tpu.memory_space<vmem>>, vector<16xf32>,
      %add3A_946 = arith.addf %add3A_922, %get3A_945 : vector<16xf32>
      %get3A_947 = arith.constant 6 : i32
      %get3A_948 = arith.index_cast %get3A_947 : i32 to index
      %get3A_949 = arith.index_cast %mul3A_806 : i32 to index
      %get3A_950 = tpu.vector_load %arg14[%get3A_948, %get3A_949] {strides = array<i32>} : memref<8x1024xf32, #tpu.memory_space<vmem>>, vector<16xf32>,
      %add3A_951 = arith.addf %add3A_927, %get3A_950 : vector<16xf32>
      %get3A_952 = arith.constant 6 : i32
      %get3A_953 = arith.index_cast %get3A_952 : i32 to index
      %get3A_954 = arith.index_cast %mul3A_806 : i32 to index
      %get3A_955 = tpu.vector_load %arg15[%get3A_953, %get3A_954] {strides = array<i32>} : memref<8x1024xf32, #tpu.memory_space<vmem>>, vector<16xf32>,
      %add3A_956 = arith.addf %add3A_932, %get3A_955 : vector<16xf32>
      %add3A_957 = arith.constant 16 : i32
      %add3A_958 = arith.addi %mul3A_806, %add3A_957 : i32
      %get3A_959 = arith.constant 6 : i32
      %get3A_960 = arith.index_cast %get3A_959 : i32 to index
      %get3A_961 = arith.index_cast %add3A_958 : i32 to index
      %get3A_962 = tpu.vector_load %arg14[%get3A_960, %get3A_961] {strides = array<i32>} : memref<8x1024xf32, #tpu.memory_space<vmem>>, vector<16xf32>,
      %add3A_963 = arith.addf %add3A_939, %get3A_962 : vector<16xf32>
      %add3A_964 = arith.constant 16 : i32
      %add3A_965 = arith.addi %mul3A_806, %add3A_964 : i32
      %get3A_966 = arith.constant 6 : i32
      %get3A_967 = arith.index_cast %get3A_966 : i32 to index
      %get3A_968 = arith.index_cast %add3A_965 : i32 to index
      %get3A_969 = tpu.vector_load %arg15[%get3A_967, %get3A_968] {strides = array<i32>} : memref<8x1024xf32, #tpu.memory_space<vmem>>, vector<16xf32>,
      %add3A_970 = arith.addf %add3A_946, %get3A_969 : vector<16xf32>
      %get3A_971 = arith.constant 7 : i32
      %get3A_972 = arith.index_cast %get3A_971 : i32 to index
      %get3A_973 = arith.index_cast %mul3A_806 : i32 to index
      %get3A_974 = tpu.vector_load %arg14[%get3A_972, %get3A_973] {strides = array<i32>} : memref<8x1024xf32, #tpu.memory_space<vmem>>, vector<16xf32>,
      %add3A_975 = arith.addf %add3A_951, %get3A_974 : vector<16xf32>
      %get3A_976 = arith.constant 7 : i32
      %get3A_977 = arith.index_cast %get3A_976 : i32 to index
      %get3A_978 = arith.index_cast %mul3A_806 : i32 to index
      %get3A_979 = tpu.vector_load %arg15[%get3A_977, %get3A_978] {strides = array<i32>} : memref<8x1024xf32, #tpu.memory_space<vmem>>, vector<16xf32>,
      %add3A_980 = arith.addf %add3A_956, %get3A_979 : vector<16xf32>
      %add3A_981 = arith.constant 16 : i32
      %add3A_982 = arith.addi %mul3A_806, %add3A_981 : i32
      %get3A_983 = arith.constant 7 : i32
      %get3A_984 = arith.index_cast %get3A_983 : i32 to index
      %get3A_985 = arith.index_cast %add3A_982 : i32 to index
      %get3A_986 = tpu.vector_load %arg14[%get3A_984, %get3A_985] {strides = array<i32>} : memref<8x1024xf32, #tpu.memory_space<vmem>>, vector<16xf32>,
      %add3A_987 = arith.addf %add3A_963, %get3A_986 : vector<16xf32>
      %add3A_988 = arith.constant 16 : i32
      %add3A_989 = arith.addi %mul3A_806, %add3A_988 : i32
      %get3A_990 = arith.constant 7 : i32
      %get3A_991 = arith.index_cast %get3A_990 : i32 to index
      %get3A_992 = arith.index_cast %add3A_989 : i32 to index
      %get3A_993 = tpu.vector_load %arg15[%get3A_991, %get3A_992] {strides = array<i32>} : memref<8x1024xf32, #tpu.memory_space<vmem>>, vector<16xf32>,
      %add3A_994 = arith.addf %add3A_970, %get3A_993 : vector<16xf32>
      %get3A_995 = arith.index_cast %mul3A_806 : i32 to index
      %get3A_996 = tpu.vector_load %arg11[%get3A_995] {strides = array<i32>} : memref<1024xf32, #tpu.memory_space<vmem>>, vector<16xf32>,
      %add3A_997 = arith.constant 16 : i32
      %add3A_998 = arith.addi %mul3A_806, %add3A_997 : i32
      %get3A_999 = arith.index_cast %add3A_998 : i32 to index
      %get3A_1000 = tpu.vector_load %arg11[%get3A_999] {strides = array<i32>} : memref<1024xf32, #tpu.memory_space<vmem>>, vector<16xf32>,
      %max3A_1001 = arith.constant 1.000000e+00 : f32
      %max3A_1002 = vector.broadcast %max3A_1001 : f32 to vector<16xf32>
      %max3A_1003 = arith.maximumf %add3A_980, %max3A_1002 : vector<16xf32>
      %div3A_1004 = arith.divf %add3A_975, %max3A_1003 : vector<16xf32>
      %mul3A_1005 = arith.mulf %get3A_996, %div3A_1004 : vector<16xf32>
      %add3A_1006 = arith.addf %add3A_792, %mul3A_1005 : vector<16xf32>
      %add3A_1007 = arith.addf %add3A_793, %get3A_996 : vector<16xf32>
      %max3A_1008 = arith.constant 1.000000e+00 : f32
      %max3A_1009 = vector.broadcast %max3A_1008 : f32 to vector<16xf32>
      %max3A_1010 = arith.maximumf %add3A_994, %max3A_1009 : vector<16xf32>
      %div3A_1011 = arith.divf %add3A_987, %max3A_1010 : vector<16xf32>
      %mul3A_1012 = arith.mulf %get3A_1000, %div3A_1011 : vector<16xf32>
      %add3A_1013 = arith.addf %add3A_799, %mul3A_1012 : vector<16xf32>
      %add3A_1014 = arith.addf %add3A_800, %get3A_1000 : vector<16xf32>
      %scan3A_1015 = arith.constant 2 : i32
      %scan3A_1016 = arith.addi %scan3A_586, %scan3A_1015 : i32
      %mul3A_1017 = arith.constant 2 : i32
      %mul3A_1018 = arith.muli %scan3A_1016, %mul3A_1017 : i32
      %mul3A_1019 = arith.constant 16 : i32
      %mul3A_1020 = arith.muli %mul3A_1018, %mul3A_1019 : i32
      %get3A_1021 = arith.constant 0 : i32
      %get3A_1022 = arith.index_cast %get3A_1021 : i32 to index
      %get3A_1023 = arith.index_cast %mul3A_1020 : i32 to index
      %get3A_1024 = tpu.vector_load %arg14[%get3A_1022, %get3A_1023] {strides = array<i32>} : memref<8x1024xf32, #tpu.memory_space<vmem>>, vector<16xf32>,
      %get3A_1025 = arith.constant 0 : i32
      %get3A_1026 = arith.index_cast %get3A_1025 : i32 to index
      %get3A_1027 = arith.index_cast %mul3A_1020 : i32 to index
      %get3A_1028 = tpu.vector_load %arg15[%get3A_1026, %get3A_1027] {strides = array<i32>} : memref<8x1024xf32, #tpu.memory_space<vmem>>, vector<16xf32>,
      %add3A_1029 = arith.constant 16 : i32
      %add3A_1030 = arith.addi %mul3A_1020, %add3A_1029 : i32
      %get3A_1031 = arith.constant 0 : i32
      %get3A_1032 = arith.index_cast %get3A_1031 : i32 to index
      %get3A_1033 = arith.index_cast %add3A_1030 : i32 to index
      %get3A_1034 = tpu.vector_load %arg14[%get3A_1032, %get3A_1033] {strides = array<i32>} : memref<8x1024xf32, #tpu.memory_space<vmem>>, vector<16xf32>,
      %add3A_1035 = arith.constant 16 : i32
      %add3A_1036 = arith.addi %mul3A_1020, %add3A_1035 : i32
      %get3A_1037 = arith.constant 0 : i32
      %get3A_1038 = arith.index_cast %get3A_1037 : i32 to index
      %get3A_1039 = arith.index_cast %add3A_1036 : i32 to index
      %get3A_1040 = tpu.vector_load %arg15[%get3A_1038, %get3A_1039] {strides = array<i32>} : memref<8x1024xf32, #tpu.memory_space<vmem>>, vector<16xf32>,
      %get3A_1041 = arith.constant 1 : i32
      %get3A_1042 = arith.index_cast %get3A_1041 : i32 to index
      %get3A_1043 = arith.index_cast %mul3A_1020 : i32 to index
      %get3A_1044 = tpu.vector_load %arg14[%get3A_1042, %get3A_1043] {strides = array<i32>} : memref<8x1024xf32, #tpu.memory_space<vmem>>, vector<16xf32>,
      %add3A_1045 = arith.addf %get3A_1024, %get3A_1044 : vector<16xf32>
      %get3A_1046 = arith.constant 1 : i32
      %get3A_1047 = arith.index_cast %get3A_1046 : i32 to index
      %get3A_1048 = arith.index_cast %mul3A_1020 : i32 to index
      %get3A_1049 = tpu.vector_load %arg15[%get3A_1047, %get3A_1048] {strides = array<i32>} : memref<8x1024xf32, #tpu.memory_space<vmem>>, vector<16xf32>,
      %add3A_1050 = arith.addf %get3A_1028, %get3A_1049 : vector<16xf32>
      %add3A_1051 = arith.constant 16 : i32
      %add3A_1052 = arith.addi %mul3A_1020, %add3A_1051 : i32
      %get3A_1053 = arith.constant 1 : i32
      %get3A_1054 = arith.index_cast %get3A_1053 : i32 to index
      %get3A_1055 = arith.index_cast %add3A_1052 : i32 to index
      %get3A_1056 = tpu.vector_load %arg14[%get3A_1054, %get3A_1055] {strides = array<i32>} : memref<8x1024xf32, #tpu.memory_space<vmem>>, vector<16xf32>,
      %add3A_1057 = arith.addf %get3A_1034, %get3A_1056 : vector<16xf32>
      %add3A_1058 = arith.constant 16 : i32
      %add3A_1059 = arith.addi %mul3A_1020, %add3A_1058 : i32
      %get3A_1060 = arith.constant 1 : i32
      %get3A_1061 = arith.index_cast %get3A_1060 : i32 to index
      %get3A_1062 = arith.index_cast %add3A_1059 : i32 to index
      %get3A_1063 = tpu.vector_load %arg15[%get3A_1061, %get3A_1062] {strides = array<i32>} : memref<8x1024xf32, #tpu.memory_space<vmem>>, vector<16xf32>,
      %add3A_1064 = arith.addf %get3A_1040, %get3A_1063 : vector<16xf32>
      %get3A_1065 = arith.constant 2 : i32
      %get3A_1066 = arith.index_cast %get3A_1065 : i32 to index
      %get3A_1067 = arith.index_cast %mul3A_1020 : i32 to index
      %get3A_1068 = tpu.vector_load %arg14[%get3A_1066, %get3A_1067] {strides = array<i32>} : memref<8x1024xf32, #tpu.memory_space<vmem>>, vector<16xf32>,
      %add3A_1069 = arith.addf %add3A_1045, %get3A_1068 : vector<16xf32>
      %get3A_1070 = arith.constant 2 : i32
      %get3A_1071 = arith.index_cast %get3A_1070 : i32 to index
      %get3A_1072 = arith.index_cast %mul3A_1020 : i32 to index
      %get3A_1073 = tpu.vector_load %arg15[%get3A_1071, %get3A_1072] {strides = array<i32>} : memref<8x1024xf32, #tpu.memory_space<vmem>>, vector<16xf32>,
      %add3A_1074 = arith.addf %add3A_1050, %get3A_1073 : vector<16xf32>
      %add3A_1075 = arith.constant 16 : i32
      %add3A_1076 = arith.addi %mul3A_1020, %add3A_1075 : i32
      %get3A_1077 = arith.constant 2 : i32
      %get3A_1078 = arith.index_cast %get3A_1077 : i32 to index
      %get3A_1079 = arith.index_cast %add3A_1076 : i32 to index
      %get3A_1080 = tpu.vector_load %arg14[%get3A_1078, %get3A_1079] {strides = array<i32>} : memref<8x1024xf32, #tpu.memory_space<vmem>>, vector<16xf32>,
      %add3A_1081 = arith.addf %add3A_1057, %get3A_1080 : vector<16xf32>
      %add3A_1082 = arith.constant 16 : i32
      %add3A_1083 = arith.addi %mul3A_1020, %add3A_1082 : i32
      %get3A_1084 = arith.constant 2 : i32
      %get3A_1085 = arith.index_cast %get3A_1084 : i32 to index
      %get3A_1086 = arith.index_cast %add3A_1083 : i32 to index
      %get3A_1087 = tpu.vector_load %arg15[%get3A_1085, %get3A_1086] {strides = array<i32>} : memref<8x1024xf32, #tpu.memory_space<vmem>>, vector<16xf32>,
      %add3A_1088 = arith.addf %add3A_1064, %get3A_1087 : vector<16xf32>
      %get3A_1089 = arith.constant 3 : i32
      %get3A_1090 = arith.index_cast %get3A_1089 : i32 to index
      %get3A_1091 = arith.index_cast %mul3A_1020 : i32 to index
      %get3A_1092 = tpu.vector_load %arg14[%get3A_1090, %get3A_1091] {strides = array<i32>} : memref<8x1024xf32, #tpu.memory_space<vmem>>, vector<16xf32>,
      %add3A_1093 = arith.addf %add3A_1069, %get3A_1092 : vector<16xf32>
      %get3A_1094 = arith.constant 3 : i32
      %get3A_1095 = arith.index_cast %get3A_1094 : i32 to index
      %get3A_1096 = arith.index_cast %mul3A_1020 : i32 to index
      %get3A_1097 = tpu.vector_load %arg15[%get3A_1095, %get3A_1096] {strides = array<i32>} : memref<8x1024xf32, #tpu.memory_space<vmem>>, vector<16xf32>,
      %add3A_1098 = arith.addf %add3A_1074, %get3A_1097 : vector<16xf32>
      %add3A_1099 = arith.constant 16 : i32
      %add3A_1100 = arith.addi %mul3A_1020, %add3A_1099 : i32
      %get3A_1101 = arith.constant 3 : i32
      %get3A_1102 = arith.index_cast %get3A_1101 : i32 to index
      %get3A_1103 = arith.index_cast %add3A_1100 : i32 to index
      %get3A_1104 = tpu.vector_load %arg14[%get3A_1102, %get3A_1103] {strides = array<i32>} : memref<8x1024xf32, #tpu.memory_space<vmem>>, vector<16xf32>,
      %add3A_1105 = arith.addf %add3A_1081, %get3A_1104 : vector<16xf32>
      %add3A_1106 = arith.constant 16 : i32
      %add3A_1107 = arith.addi %mul3A_1020, %add3A_1106 : i32
      %get3A_1108 = arith.constant 3 : i32
      %get3A_1109 = arith.index_cast %get3A_1108 : i32 to index
      %get3A_1110 = arith.index_cast %add3A_1107 : i32 to index
      %get3A_1111 = tpu.vector_load %arg15[%get3A_1109, %get3A_1110] {strides = array<i32>} : memref<8x1024xf32, #tpu.memory_space<vmem>>, vector<16xf32>,
      %add3A_1112 = arith.addf %add3A_1088, %get3A_1111 : vector<16xf32>
      %get3A_1113 = arith.constant 4 : i32
      %get3A_1114 = arith.index_cast %get3A_1113 : i32 to index
      %get3A_1115 = arith.index_cast %mul3A_1020 : i32 to index
      %get3A_1116 = tpu.vector_load %arg14[%get3A_1114, %get3A_1115] {strides = array<i32>} : memref<8x1024xf32, #tpu.memory_space<vmem>>, vector<16xf32>,
      %add3A_1117 = arith.addf %add3A_1093, %get3A_1116 : vector<16xf32>
      %get3A_1118 = arith.constant 4 : i32
      %get3A_1119 = arith.index_cast %get3A_1118 : i32 to index
      %get3A_1120 = arith.index_cast %mul3A_1020 : i32 to index
      %get3A_1121 = tpu.vector_load %arg15[%get3A_1119, %get3A_1120] {strides = array<i32>} : memref<8x1024xf32, #tpu.memory_space<vmem>>, vector<16xf32>,
      %add3A_1122 = arith.addf %add3A_1098, %get3A_1121 : vector<16xf32>
      %add3A_1123 = arith.constant 16 : i32
      %add3A_1124 = arith.addi %mul3A_1020, %add3A_1123 : i32
      %get3A_1125 = arith.constant 4 : i32
      %get3A_1126 = arith.index_cast %get3A_1125 : i32 to index
      %get3A_1127 = arith.index_cast %add3A_1124 : i32 to index
      %get3A_1128 = tpu.vector_load %arg14[%get3A_1126, %get3A_1127] {strides = array<i32>} : memref<8x1024xf32, #tpu.memory_space<vmem>>, vector<16xf32>,
      %add3A_1129 = arith.addf %add3A_1105, %get3A_1128 : vector<16xf32>
      %add3A_1130 = arith.constant 16 : i32
      %add3A_1131 = arith.addi %mul3A_1020, %add3A_1130 : i32
      %get3A_1132 = arith.constant 4 : i32
      %get3A_1133 = arith.index_cast %get3A_1132 : i32 to index
      %get3A_1134 = arith.index_cast %add3A_1131 : i32 to index
      %get3A_1135 = tpu.vector_load %arg15[%get3A_1133, %get3A_1134] {strides = array<i32>} : memref<8x1024xf32, #tpu.memory_space<vmem>>, vector<16xf32>,
      %add3A_1136 = arith.addf %add3A_1112, %get3A_1135 : vector<16xf32>
      %get3A_1137 = arith.constant 5 : i32
      %get3A_1138 = arith.index_cast %get3A_1137 : i32 to index
      %get3A_1139 = arith.index_cast %mul3A_1020 : i32 to index
      %get3A_1140 = tpu.vector_load %arg14[%get3A_1138, %get3A_1139] {strides = array<i32>} : memref<8x1024xf32, #tpu.memory_space<vmem>>, vector<16xf32>,
      %add3A_1141 = arith.addf %add3A_1117, %get3A_1140 : vector<16xf32>
      %get3A_1142 = arith.constant 5 : i32
      %get3A_1143 = arith.index_cast %get3A_1142 : i32 to index
      %get3A_1144 = arith.index_cast %mul3A_1020 : i32 to index
      %get3A_1145 = tpu.vector_load %arg15[%get3A_1143, %get3A_1144] {strides = array<i32>} : memref<8x1024xf32, #tpu.memory_space<vmem>>, vector<16xf32>,
      %add3A_1146 = arith.addf %add3A_1122, %get3A_1145 : vector<16xf32>
      %add3A_1147 = arith.constant 16 : i32
      %add3A_1148 = arith.addi %mul3A_1020, %add3A_1147 : i32
      %get3A_1149 = arith.constant 5 : i32
      %get3A_1150 = arith.index_cast %get3A_1149 : i32 to index
      %get3A_1151 = arith.index_cast %add3A_1148 : i32 to index
      %get3A_1152 = tpu.vector_load %arg14[%get3A_1150, %get3A_1151] {strides = array<i32>} : memref<8x1024xf32, #tpu.memory_space<vmem>>, vector<16xf32>,
      %add3A_1153 = arith.addf %add3A_1129, %get3A_1152 : vector<16xf32>
      %add3A_1154 = arith.constant 16 : i32
      %add3A_1155 = arith.addi %mul3A_1020, %add3A_1154 : i32
      %get3A_1156 = arith.constant 5 : i32
      %get3A_1157 = arith.index_cast %get3A_1156 : i32 to index
      %get3A_1158 = arith.index_cast %add3A_1155 : i32 to index
      %get3A_1159 = tpu.vector_load %arg15[%get3A_1157, %get3A_1158] {strides = array<i32>} : memref<8x1024xf32, #tpu.memory_space<vmem>>, vector<16xf32>,
      %add3A_1160 = arith.addf %add3A_1136, %get3A_1159 : vector<16xf32>
      %get3A_1161 = arith.constant 6 : i32
      %get3A_1162 = arith.index_cast %get3A_1161 : i32 to index
      %get3A_1163 = arith.index_cast %mul3A_1020 : i32 to index
      %get3A_1164 = tpu.vector_load %arg14[%get3A_1162, %get3A_1163] {strides = array<i32>} : memref<8x1024xf32, #tpu.memory_space<vmem>>, vector<16xf32>,
      %add3A_1165 = arith.addf %add3A_1141, %get3A_1164 : vector<16xf32>
      %get3A_1166 = arith.constant 6 : i32
      %get3A_1167 = arith.index_cast %get3A_1166 : i32 to index
      %get3A_1168 = arith.index_cast %mul3A_1020 : i32 to index
      %get3A_1169 = tpu.vector_load %arg15[%get3A_1167, %get3A_1168] {strides = array<i32>} : memref<8x1024xf32, #tpu.memory_space<vmem>>, vector<16xf32>,
      %add3A_1170 = arith.addf %add3A_1146, %get3A_1169 : vector<16xf32>
      %add3A_1171 = arith.constant 16 : i32
      %add3A_1172 = arith.addi %mul3A_1020, %add3A_1171 : i32
      %get3A_1173 = arith.constant 6 : i32
      %get3A_1174 = arith.index_cast %get3A_1173 : i32 to index
      %get3A_1175 = arith.index_cast %add3A_1172 : i32 to index
      %get3A_1176 = tpu.vector_load %arg14[%get3A_1174, %get3A_1175] {strides = array<i32>} : memref<8x1024xf32, #tpu.memory_space<vmem>>, vector<16xf32>,
      %add3A_1177 = arith.addf %add3A_1153, %get3A_1176 : vector<16xf32>
      %add3A_1178 = arith.constant 16 : i32
      %add3A_1179 = arith.addi %mul3A_1020, %add3A_1178 : i32
      %get3A_1180 = arith.constant 6 : i32
      %get3A_1181 = arith.index_cast %get3A_1180 : i32 to index
      %get3A_1182 = arith.index_cast %add3A_1179 : i32 to index
      %get3A_1183 = tpu.vector_load %arg15[%get3A_1181, %get3A_1182] {strides = array<i32>} : memref<8x1024xf32, #tpu.memory_space<vmem>>, vector<16xf32>,
      %add3A_1184 = arith.addf %add3A_1160, %get3A_1183 : vector<16xf32>
      %get3A_1185 = arith.constant 7 : i32
      %get3A_1186 = arith.index_cast %get3A_1185 : i32 to index
      %get3A_1187 = arith.index_cast %mul3A_1020 : i32 to index
      %get3A_1188 = tpu.vector_load %arg14[%get3A_1186, %get3A_1187] {strides = array<i32>} : memref<8x1024xf32, #tpu.memory_space<vmem>>, vector<16xf32>,
      %add3A_1189 = arith.addf %add3A_1165, %get3A_1188 : vector<16xf32>
      %get3A_1190 = arith.constant 7 : i32
      %get3A_1191 = arith.index_cast %get3A_1190 : i32 to index
      %get3A_1192 = arith.index_cast %mul3A_1020 : i32 to index
      %get3A_1193 = tpu.vector_load %arg15[%get3A_1191, %get3A_1192] {strides = array<i32>} : memref<8x1024xf32, #tpu.memory_space<vmem>>, vector<16xf32>,
      %add3A_1194 = arith.addf %add3A_1170, %get3A_1193 : vector<16xf32>
      %add3A_1195 = arith.constant 16 : i32
      %add3A_1196 = arith.addi %mul3A_1020, %add3A_1195 : i32
      %get3A_1197 = arith.constant 7 : i32
      %get3A_1198 = arith.index_cast %get3A_1197 : i32 to index
      %get3A_1199 = arith.index_cast %add3A_1196 : i32 to index
      %get3A_1200 = tpu.vector_load %arg14[%get3A_1198, %get3A_1199] {strides = array<i32>} : memref<8x1024xf32, #tpu.memory_space<vmem>>, vector<16xf32>,
      %add3A_1201 = arith.addf %add3A_1177, %get3A_1200 : vector<16xf32>
      %add3A_1202 = arith.constant 16 : i32
      %add3A_1203 = arith.addi %mul3A_1020, %add3A_1202 : i32
      %get3A_1204 = arith.constant 7 : i32
      %get3A_1205 = arith.index_cast %get3A_1204 : i32 to index
      %get3A_1206 = arith.index_cast %add3A_1203 : i32 to index
      %get3A_1207 = tpu.vector_load %arg15[%get3A_1205, %get3A_1206] {strides = array<i32>} : memref<8x1024xf32, #tpu.memory_space<vmem>>, vector<16xf32>,
      %add3A_1208 = arith.addf %add3A_1184, %get3A_1207 : vector<16xf32>
      %get3A_1209 = arith.index_cast %mul3A_1020 : i32 to index
      %get3A_1210 = tpu.vector_load %arg11[%get3A_1209] {strides = array<i32>} : memref<1024xf32, #tpu.memory_space<vmem>>, vector<16xf32>,
      %add3A_1211 = arith.constant 16 : i32
      %add3A_1212 = arith.addi %mul3A_1020, %add3A_1211 : i32
      %get3A_1213 = arith.index_cast %add3A_1212 : i32 to index
      %get3A_1214 = tpu.vector_load %arg11[%get3A_1213] {strides = array<i32>} : memref<1024xf32, #tpu.memory_space<vmem>>, vector<16xf32>,
      %max3A_1215 = arith.constant 1.000000e+00 : f32
      %max3A_1216 = vector.broadcast %max3A_1215 : f32 to vector<16xf32>
      %max3A_1217 = arith.maximumf %add3A_1194, %max3A_1216 : vector<16xf32>
      %div3A_1218 = arith.divf %add3A_1189, %max3A_1217 : vector<16xf32>
      %mul3A_1219 = arith.mulf %get3A_1210, %div3A_1218 : vector<16xf32>
      %add3A_1220 = arith.addf %add3A_1006, %mul3A_1219 : vector<16xf32>
      %add3A_1221 = arith.addf %add3A_1007, %get3A_1210 : vector<16xf32>
      %max3A_1222 = arith.constant 1.000000e+00 : f32
      %max3A_1223 = vector.broadcast %max3A_1222 : f32 to vector<16xf32>
      %max3A_1224 = arith.maximumf %add3A_1208, %max3A_1223 : vector<16xf32>
      %div3A_1225 = arith.divf %add3A_1201, %max3A_1224 : vector<16xf32>
      %mul3A_1226 = arith.mulf %get3A_1214, %div3A_1225 : vector<16xf32>
      %add3A_1227 = arith.addf %add3A_1013, %mul3A_1226 : vector<16xf32>
      %add3A_1228 = arith.addf %add3A_1014, %get3A_1214 : vector<16xf32>
      %scan3A_1229 = arith.constant 3 : i32
      %scan3A_1230 = arith.addi %scan3A_586, %scan3A_1229 : i32
      %mul3A_1231 = arith.constant 2 : i32
      %mul3A_1232 = arith.muli %scan3A_1230, %mul3A_1231 : i32
      %mul3A_1233 = arith.constant 16 : i32
      %mul3A_1234 = arith.muli %mul3A_1232, %mul3A_1233 : i32
      %get3A_1235 = arith.constant 0 : i32
      %get3A_1236 = arith.index_cast %get3A_1235 : i32 to index
      %get3A_1237 = arith.index_cast %mul3A_1234 : i32 to index
      %get3A_1238 = tpu.vector_load %arg14[%get3A_1236, %get3A_1237] {strides = array<i32>} : memref<8x1024xf32, #tpu.memory_space<vmem>>, vector<16xf32>,
      %get3A_1239 = arith.constant 0 : i32
      %get3A_1240 = arith.index_cast %get3A_1239 : i32 to index
      %get3A_1241 = arith.index_cast %mul3A_1234 : i32 to index
      %get3A_1242 = tpu.vector_load %arg15[%get3A_1240, %get3A_1241] {strides = array<i32>} : memref<8x1024xf32, #tpu.memory_space<vmem>>, vector<16xf32>,
      %add3A_1243 = arith.constant 16 : i32
      %add3A_1244 = arith.addi %mul3A_1234, %add3A_1243 : i32
      %get3A_1245 = arith.constant 0 : i32
      %get3A_1246 = arith.index_cast %get3A_1245 : i32 to index
      %get3A_1247 = arith.index_cast %add3A_1244 : i32 to index
      %get3A_1248 = tpu.vector_load %arg14[%get3A_1246, %get3A_1247] {strides = array<i32>} : memref<8x1024xf32, #tpu.memory_space<vmem>>, vector<16xf32>,
      %add3A_1249 = arith.constant 16 : i32
      %add3A_1250 = arith.addi %mul3A_1234, %add3A_1249 : i32
      %get3A_1251 = arith.constant 0 : i32
      %get3A_1252 = arith.index_cast %get3A_1251 : i32 to index
      %get3A_1253 = arith.index_cast %add3A_1250 : i32 to index
      %get3A_1254 = tpu.vector_load %arg15[%get3A_1252, %get3A_1253] {strides = array<i32>} : memref<8x1024xf32, #tpu.memory_space<vmem>>, vector<16xf32>,
      %get3A_1255 = arith.constant 1 : i32
      %get3A_1256 = arith.index_cast %get3A_1255 : i32 to index
      %get3A_1257 = arith.index_cast %mul3A_1234 : i32 to index
      %get3A_1258 = tpu.vector_load %arg14[%get3A_1256, %get3A_1257] {strides = array<i32>} : memref<8x1024xf32, #tpu.memory_space<vmem>>, vector<16xf32>,
      %add3A_1259 = arith.addf %get3A_1238, %get3A_1258 : vector<16xf32>
      %get3A_1260 = arith.constant 1 : i32
      %get3A_1261 = arith.index_cast %get3A_1260 : i32 to index
      %get3A_1262 = arith.index_cast %mul3A_1234 : i32 to index
      %get3A_1263 = tpu.vector_load %arg15[%get3A_1261, %get3A_1262] {strides = array<i32>} : memref<8x1024xf32, #tpu.memory_space<vmem>>, vector<16xf32>,
      %add3A_1264 = arith.addf %get3A_1242, %get3A_1263 : vector<16xf32>
      %add3A_1265 = arith.constant 16 : i32
      %add3A_1266 = arith.addi %mul3A_1234, %add3A_1265 : i32
      %get3A_1267 = arith.constant 1 : i32
      %get3A_1268 = arith.index_cast %get3A_1267 : i32 to index
      %get3A_1269 = arith.index_cast %add3A_1266 : i32 to index
      %get3A_1270 = tpu.vector_load %arg14[%get3A_1268, %get3A_1269] {strides = array<i32>} : memref<8x1024xf32, #tpu.memory_space<vmem>>, vector<16xf32>,
      %add3A_1271 = arith.addf %get3A_1248, %get3A_1270 : vector<16xf32>
      %add3A_1272 = arith.constant 16 : i32
      %add3A_1273 = arith.addi %mul3A_1234, %add3A_1272 : i32
      %get3A_1274 = arith.constant 1 : i32
      %get3A_1275 = arith.index_cast %get3A_1274 : i32 to index
      %get3A_1276 = arith.index_cast %add3A_1273 : i32 to index
      %get3A_1277 = tpu.vector_load %arg15[%get3A_1275, %get3A_1276] {strides = array<i32>} : memref<8x1024xf32, #tpu.memory_space<vmem>>, vector<16xf32>,
      %add3A_1278 = arith.addf %get3A_1254, %get3A_1277 : vector<16xf32>
      %get3A_1279 = arith.constant 2 : i32
      %get3A_1280 = arith.index_cast %get3A_1279 : i32 to index
      %get3A_1281 = arith.index_cast %mul3A_1234 : i32 to index
      %get3A_1282 = tpu.vector_load %arg14[%get3A_1280, %get3A_1281] {strides = array<i32>} : memref<8x1024xf32, #tpu.memory_space<vmem>>, vector<16xf32>,
      %add3A_1283 = arith.addf %add3A_1259, %get3A_1282 : vector<16xf32>
      %get3A_1284 = arith.constant 2 : i32
      %get3A_1285 = arith.index_cast %get3A_1284 : i32 to index
      %get3A_1286 = arith.index_cast %mul3A_1234 : i32 to index
      %get3A_1287 = tpu.vector_load %arg15[%get3A_1285, %get3A_1286] {strides = array<i32>} : memref<8x1024xf32, #tpu.memory_space<vmem>>, vector<16xf32>,
      %add3A_1288 = arith.addf %add3A_1264, %get3A_1287 : vector<16xf32>
      %add3A_1289 = arith.constant 16 : i32
      %add3A_1290 = arith.addi %mul3A_1234, %add3A_1289 : i32
      %get3A_1291 = arith.constant 2 : i32
      %get3A_1292 = arith.index_cast %get3A_1291 : i32 to index
      %get3A_1293 = arith.index_cast %add3A_1290 : i32 to index
      %get3A_1294 = tpu.vector_load %arg14[%get3A_1292, %get3A_1293] {strides = array<i32>} : memref<8x1024xf32, #tpu.memory_space<vmem>>, vector<16xf32>,
      %add3A_1295 = arith.addf %add3A_1271, %get3A_1294 : vector<16xf32>
      %add3A_1296 = arith.constant 16 : i32
      %add3A_1297 = arith.addi %mul3A_1234, %add3A_1296 : i32
      %get3A_1298 = arith.constant 2 : i32
      %get3A_1299 = arith.index_cast %get3A_1298 : i32 to index
      %get3A_1300 = arith.index_cast %add3A_1297 : i32 to index
      %get3A_1301 = tpu.vector_load %arg15[%get3A_1299, %get3A_1300] {strides = array<i32>} : memref<8x1024xf32, #tpu.memory_space<vmem>>, vector<16xf32>,
      %add3A_1302 = arith.addf %add3A_1278, %get3A_1301 : vector<16xf32>
      %get3A_1303 = arith.constant 3 : i32
      %get3A_1304 = arith.index_cast %get3A_1303 : i32 to index
      %get3A_1305 = arith.index_cast %mul3A_1234 : i32 to index
      %get3A_1306 = tpu.vector_load %arg14[%get3A_1304, %get3A_1305] {strides = array<i32>} : memref<8x1024xf32, #tpu.memory_space<vmem>>, vector<16xf32>,
      %add3A_1307 = arith.addf %add3A_1283, %get3A_1306 : vector<16xf32>
      %get3A_1308 = arith.constant 3 : i32
      %get3A_1309 = arith.index_cast %get3A_1308 : i32 to index
      %get3A_1310 = arith.index_cast %mul3A_1234 : i32 to index
      %get3A_1311 = tpu.vector_load %arg15[%get3A_1309, %get3A_1310] {strides = array<i32>} : memref<8x1024xf32, #tpu.memory_space<vmem>>, vector<16xf32>,
      %add3A_1312 = arith.addf %add3A_1288, %get3A_1311 : vector<16xf32>
      %add3A_1313 = arith.constant 16 : i32
      %add3A_1314 = arith.addi %mul3A_1234, %add3A_1313 : i32
      %get3A_1315 = arith.constant 3 : i32
      %get3A_1316 = arith.index_cast %get3A_1315 : i32 to index
      %get3A_1317 = arith.index_cast %add3A_1314 : i32 to index
      %get3A_1318 = tpu.vector_load %arg14[%get3A_1316, %get3A_1317] {strides = array<i32>} : memref<8x1024xf32, #tpu.memory_space<vmem>>, vector<16xf32>,
      %add3A_1319 = arith.addf %add3A_1295, %get3A_1318 : vector<16xf32>
      %add3A_1320 = arith.constant 16 : i32
      %add3A_1321 = arith.addi %mul3A_1234, %add3A_1320 : i32
      %get3A_1322 = arith.constant 3 : i32
      %get3A_1323 = arith.index_cast %get3A_1322 : i32 to index
      %get3A_1324 = arith.index_cast %add3A_1321 : i32 to index
      %get3A_1325 = tpu.vector_load %arg15[%get3A_1323, %get3A_1324] {strides = array<i32>} : memref<8x1024xf32, #tpu.memory_space<vmem>>, vector<16xf32>,
      %add3A_1326 = arith.addf %add3A_1302, %get3A_1325 : vector<16xf32>
      %get3A_1327 = arith.constant 4 : i32
      %get3A_1328 = arith.index_cast %get3A_1327 : i32 to index
      %get3A_1329 = arith.index_cast %mul3A_1234 : i32 to index
      %get3A_1330 = tpu.vector_load %arg14[%get3A_1328, %get3A_1329] {strides = array<i32>} : memref<8x1024xf32, #tpu.memory_space<vmem>>, vector<16xf32>,
      %add3A_1331 = arith.addf %add3A_1307, %get3A_1330 : vector<16xf32>
      %get3A_1332 = arith.constant 4 : i32
      %get3A_1333 = arith.index_cast %get3A_1332 : i32 to index
      %get3A_1334 = arith.index_cast %mul3A_1234 : i32 to index
      %get3A_1335 = tpu.vector_load %arg15[%get3A_1333, %get3A_1334] {strides = array<i32>} : memref<8x1024xf32, #tpu.memory_space<vmem>>, vector<16xf32>,
      %add3A_1336 = arith.addf %add3A_1312, %get3A_1335 : vector<16xf32>
      %add3A_1337 = arith.constant 16 : i32
      %add3A_1338 = arith.addi %mul3A_1234, %add3A_1337 : i32
      %get3A_1339 = arith.constant 4 : i32
      %get3A_1340 = arith.index_cast %get3A_1339 : i32 to index
      %get3A_1341 = arith.index_cast %add3A_1338 : i32 to index
      %get3A_1342 = tpu.vector_load %arg14[%get3A_1340, %get3A_1341] {strides = array<i32>} : memref<8x1024xf32, #tpu.memory_space<vmem>>, vector<16xf32>,
      %add3A_1343 = arith.addf %add3A_1319, %get3A_1342 : vector<16xf32>
      %add3A_1344 = arith.constant 16 : i32
      %add3A_1345 = arith.addi %mul3A_1234, %add3A_1344 : i32
      %get3A_1346 = arith.constant 4 : i32
      %get3A_1347 = arith.index_cast %get3A_1346 : i32 to index
      %get3A_1348 = arith.index_cast %add3A_1345 : i32 to index
      %get3A_1349 = tpu.vector_load %arg15[%get3A_1347, %get3A_1348] {strides = array<i32>} : memref<8x1024xf32, #tpu.memory_space<vmem>>, vector<16xf32>,
      %add3A_1350 = arith.addf %add3A_1326, %get3A_1349 : vector<16xf32>
      %get3A_1351 = arith.constant 5 : i32
      %get3A_1352 = arith.index_cast %get3A_1351 : i32 to index
      %get3A_1353 = arith.index_cast %mul3A_1234 : i32 to index
      %get3A_1354 = tpu.vector_load %arg14[%get3A_1352, %get3A_1353] {strides = array<i32>} : memref<8x1024xf32, #tpu.memory_space<vmem>>, vector<16xf32>,
      %add3A_1355 = arith.addf %add3A_1331, %get3A_1354 : vector<16xf32>
      %get3A_1356 = arith.constant 5 : i32
      %get3A_1357 = arith.index_cast %get3A_1356 : i32 to index
      %get3A_1358 = arith.index_cast %mul3A_1234 : i32 to index
      %get3A_1359 = tpu.vector_load %arg15[%get3A_1357, %get3A_1358] {strides = array<i32>} : memref<8x1024xf32, #tpu.memory_space<vmem>>, vector<16xf32>,
      %add3A_1360 = arith.addf %add3A_1336, %get3A_1359 : vector<16xf32>
      %add3A_1361 = arith.constant 16 : i32
      %add3A_1362 = arith.addi %mul3A_1234, %add3A_1361 : i32
      %get3A_1363 = arith.constant 5 : i32
      %get3A_1364 = arith.index_cast %get3A_1363 : i32 to index
      %get3A_1365 = arith.index_cast %add3A_1362 : i32 to index
      %get3A_1366 = tpu.vector_load %arg14[%get3A_1364, %get3A_1365] {strides = array<i32>} : memref<8x1024xf32, #tpu.memory_space<vmem>>, vector<16xf32>,
      %add3A_1367 = arith.addf %add3A_1343, %get3A_1366 : vector<16xf32>
      %add3A_1368 = arith.constant 16 : i32
      %add3A_1369 = arith.addi %mul3A_1234, %add3A_1368 : i32
      %get3A_1370 = arith.constant 5 : i32
      %get3A_1371 = arith.index_cast %get3A_1370 : i32 to index
      %get3A_1372 = arith.index_cast %add3A_1369 : i32 to index
      %get3A_1373 = tpu.vector_load %arg15[%get3A_1371, %get3A_1372] {strides = array<i32>} : memref<8x1024xf32, #tpu.memory_space<vmem>>, vector<16xf32>,
      %add3A_1374 = arith.addf %add3A_1350, %get3A_1373 : vector<16xf32>
      %get3A_1375 = arith.constant 6 : i32
      %get3A_1376 = arith.index_cast %get3A_1375 : i32 to index
      %get3A_1377 = arith.index_cast %mul3A_1234 : i32 to index
      %get3A_1378 = tpu.vector_load %arg14[%get3A_1376, %get3A_1377] {strides = array<i32>} : memref<8x1024xf32, #tpu.memory_space<vmem>>, vector<16xf32>,
      %add3A_1379 = arith.addf %add3A_1355, %get3A_1378 : vector<16xf32>
      %get3A_1380 = arith.constant 6 : i32
      %get3A_1381 = arith.index_cast %get3A_1380 : i32 to index
      %get3A_1382 = arith.index_cast %mul3A_1234 : i32 to index
      %get3A_1383 = tpu.vector_load %arg15[%get3A_1381, %get3A_1382] {strides = array<i32>} : memref<8x1024xf32, #tpu.memory_space<vmem>>, vector<16xf32>,
      %add3A_1384 = arith.addf %add3A_1360, %get3A_1383 : vector<16xf32>
      %add3A_1385 = arith.constant 16 : i32
      %add3A_1386 = arith.addi %mul3A_1234, %add3A_1385 : i32
      %get3A_1387 = arith.constant 6 : i32
      %get3A_1388 = arith.index_cast %get3A_1387 : i32 to index
      %get3A_1389 = arith.index_cast %add3A_1386 : i32 to index
      %get3A_1390 = tpu.vector_load %arg14[%get3A_1388, %get3A_1389] {strides = array<i32>} : memref<8x1024xf32, #tpu.memory_space<vmem>>, vector<16xf32>,
      %add3A_1391 = arith.addf %add3A_1367, %get3A_1390 : vector<16xf32>
      %add3A_1392 = arith.constant 16 : i32
      %add3A_1393 = arith.addi %mul3A_1234, %add3A_1392 : i32
      %get3A_1394 = arith.constant 6 : i32
      %get3A_1395 = arith.index_cast %get3A_1394 : i32 to index
      %get3A_1396 = arith.index_cast %add3A_1393 : i32 to index
      %get3A_1397 = tpu.vector_load %arg15[%get3A_1395, %get3A_1396] {strides = array<i32>} : memref<8x1024xf32, #tpu.memory_space<vmem>>, vector<16xf32>,
      %add3A_1398 = arith.addf %add3A_1374, %get3A_1397 : vector<16xf32>
      %get3A_1399 = arith.constant 7 : i32
      %get3A_1400 = arith.index_cast %get3A_1399 : i32 to index
      %get3A_1401 = arith.index_cast %mul3A_1234 : i32 to index
      %get3A_1402 = tpu.vector_load %arg14[%get3A_1400, %get3A_1401] {strides = array<i32>} : memref<8x1024xf32, #tpu.memory_space<vmem>>, vector<16xf32>,
      %add3A_1403 = arith.addf %add3A_1379, %get3A_1402 : vector<16xf32>
      %get3A_1404 = arith.constant 7 : i32
      %get3A_1405 = arith.index_cast %get3A_1404 : i32 to index
      %get3A_1406 = arith.index_cast %mul3A_1234 : i32 to index
      %get3A_1407 = tpu.vector_load %arg15[%get3A_1405, %get3A_1406] {strides = array<i32>} : memref<8x1024xf32, #tpu.memory_space<vmem>>, vector<16xf32>,
      %add3A_1408 = arith.addf %add3A_1384, %get3A_1407 : vector<16xf32>
      %add3A_1409 = arith.constant 16 : i32
      %add3A_1410 = arith.addi %mul3A_1234, %add3A_1409 : i32
      %get3A_1411 = arith.constant 7 : i32
      %get3A_1412 = arith.index_cast %get3A_1411 : i32 to index
      %get3A_1413 = arith.index_cast %add3A_1410 : i32 to index
      %get3A_1414 = tpu.vector_load %arg14[%get3A_1412, %get3A_1413] {strides = array<i32>} : memref<8x1024xf32, #tpu.memory_space<vmem>>, vector<16xf32>,
      %add3A_1415 = arith.addf %add3A_1391, %get3A_1414 : vector<16xf32>
      %add3A_1416 = arith.constant 16 : i32
      %add3A_1417 = arith.addi %mul3A_1234, %add3A_1416 : i32
      %get3A_1418 = arith.constant 7 : i32
      %get3A_1419 = arith.index_cast %get3A_1418 : i32 to index
      %get3A_1420 = arith.index_cast %add3A_1417 : i32 to index
      %get3A_1421 = tpu.vector_load %arg15[%get3A_1419, %get3A_1420] {strides = array<i32>} : memref<8x1024xf32, #tpu.memory_space<vmem>>, vector<16xf32>,
      %add3A_1422 = arith.addf %add3A_1398, %get3A_1421 : vector<16xf32>
      %get3A_1423 = arith.index_cast %mul3A_1234 : i32 to index
      %get3A_1424 = tpu.vector_load %arg11[%get3A_1423] {strides = array<i32>} : memref<1024xf32, #tpu.memory_space<vmem>>, vector<16xf32>,
      %add3A_1425 = arith.constant 16 : i32
      %add3A_1426 = arith.addi %mul3A_1234, %add3A_1425 : i32
      %get3A_1427 = arith.index_cast %add3A_1426 : i32 to index
      %get3A_1428 = tpu.vector_load %arg11[%get3A_1427] {strides = array<i32>} : memref<1024xf32, #tpu.memory_space<vmem>>, vector<16xf32>,
      %max3A_1429 = arith.constant 1.000000e+00 : f32
      %max3A_1430 = vector.broadcast %max3A_1429 : f32 to vector<16xf32>
      %max3A_1431 = arith.maximumf %add3A_1408, %max3A_1430 : vector<16xf32>
      %div3A_1432 = arith.divf %add3A_1403, %max3A_1431 : vector<16xf32>
      %mul3A_1433 = arith.mulf %get3A_1424, %div3A_1432 : vector<16xf32>
      %add3A_1434 = arith.addf %add3A_1220, %mul3A_1433 : vector<16xf32>
      %add3A_1435 = arith.addf %add3A_1221, %get3A_1424 : vector<16xf32>
      %max3A_1436 = arith.constant 1.000000e+00 : f32
      %max3A_1437 = vector.broadcast %max3A_1436 : f32 to vector<16xf32>
      %max3A_1438 = arith.maximumf %add3A_1422, %max3A_1437 : vector<16xf32>
      %div3A_1439 = arith.divf %add3A_1415, %max3A_1438 : vector<16xf32>
      %mul3A_1440 = arith.mulf %get3A_1428, %div3A_1439 : vector<16xf32>
      %add3A_1441 = arith.addf %add3A_1227, %mul3A_1440 : vector<16xf32>
      %add3A_1442 = arith.addf %add3A_1228, %get3A_1428 : vector<16xf32>
      scf.yield %add3A_1434, %add3A_1441, %add3A_1435, %add3A_1442 : vector<16xf32>, vector<16xf32>, vector<16xf32>, vector<16xf32>
    }
    %scan3A_566 = arith.constant 32 : i32
    %swap3A = arith.constant 0 : index
    %swap3A_567 = tpu.vector_load %arg17[%swap3A] {strides = array<i32>} : memref<128xf32, #tpu.memory_space<vmem>>, vector<16xf32>,
    tpu.vector_store %arg17[%swap3A], %scan3A_565#0 {strides = array<i32>} : memref<128xf32, #tpu.memory_space<vmem>>, vector<16xf32>,
    %swap3A_568 = arith.constant 16 : index
    %swap3A_569 = tpu.vector_load %arg17[%swap3A_568] {strides = array<i32>} : memref<128xf32, #tpu.memory_space<vmem>>, vector<16xf32>,
    tpu.vector_store %arg17[%swap3A_568], %scan3A_565#1 {strides = array<i32>} : memref<128xf32, #tpu.memory_space<vmem>>, vector<16xf32>,
    %swap3A_570 = arith.constant 32 : index
    %swap3A_571 = tpu.vector_load %arg17[%swap3A_570] {strides = array<i32>} : memref<128xf32, #tpu.memory_space<vmem>>, vector<16xf32>,
    tpu.vector_store %arg17[%swap3A_570], %scan3A_565#2 {strides = array<i32>} : memref<128xf32, #tpu.memory_space<vmem>>, vector<16xf32>,
    %swap3A_572 = arith.constant 48 : index
    %swap3A_573 = tpu.vector_load %arg17[%swap3A_572] {strides = array<i32>} : memref<128xf32, #tpu.memory_space<vmem>>, vector<16xf32>,
    tpu.vector_store %arg17[%swap3A_572], %scan3A_565#3 {strides = array<i32>} : memref<128xf32, #tpu.memory_space<vmem>>, vector<16xf32>,
    %swap3A_574 = arith.constant 64 : index
    %swap3A_575 = tpu.vector_load %arg17[%swap3A_574] {strides = array<i32>} : memref<128xf32, #tpu.memory_space<vmem>>, vector<16xf32>,
    tpu.vector_store %arg17[%swap3A_574], %broadcast_in_dim3A_69 {strides = array<i32>} : memref<128xf32, #tpu.memory_space<vmem>>, vector<16xf32>,
    %swap3A_576 = arith.constant 80 : index
    %swap3A_577 = tpu.vector_load %arg17[%swap3A_576] {strides = array<i32>} : memref<128xf32, #tpu.memory_space<vmem>>, vector<16xf32>,
    tpu.vector_store %arg17[%swap3A_576], %broadcast_in_dim3A_69 {strides = array<i32>} : memref<128xf32, #tpu.memory_space<vmem>>, vector<16xf32>,
    %swap3A_578 = arith.constant 96 : index
    %swap3A_579 = tpu.vector_load %arg17[%swap3A_578] {strides = array<i32>} : memref<128xf32, #tpu.memory_space<vmem>>, vector<16xf32>,
    tpu.vector_store %arg17[%swap3A_578], %broadcast_in_dim3A_69 {strides = array<i32>} : memref<128xf32, #tpu.memory_space<vmem>>, vector<16xf32>,
    %swap3A_580 = arith.constant 112 : index
    %swap3A_581 = tpu.vector_load %arg17[%swap3A_580] {strides = array<i32>} : memref<128xf32, #tpu.memory_space<vmem>>, vector<16xf32>,
    tpu.vector_store %arg17[%swap3A_580], %broadcast_in_dim3A_69 {strides = array<i32>} : memref<128xf32, #tpu.memory_space<vmem>>, vector<16xf32>,
    "tpu.region"() ({
      %run_scoped3A = tpu.sem_alloc : memref<!tpu.dma_semaphore, #tpu.memory_space<semaphore_mem>>
      %dma_start3A_586 = arith.constant 0 : i32
      %dma_start3A_587 = tpu.memref_slice %arg21[%select_n3A, %select_n3A_28, %dma_start3A_586] : memref<2x8x128xf32, #tpu.memory_space<vmem_shared>> -> memref<1x1x128xf32, #tpu.memory_space<vmem_shared>>
      %dma_start3A_588 = tpu.memref_squeeze %dma_start3A_587 : memref<1x1x128xf32, #tpu.memory_space<vmem_shared>> -> memref<128xf32, #tpu.memory_space<vmem_shared>>
      %dma_start3A_589 = arith.constant 0 : i32
      %dma_start3A_590 = tpu.memref_slice %arg21[%select_n3A, %select_n3A_28, %dma_start3A_589] : memref<2x8x128xf32, #tpu.memory_space<vmem_shared>> -> memref<1x1x128xf32, #tpu.memory_space<vmem_shared>>
      %dma_start3A_591 = tpu.memref_squeeze %dma_start3A_590 : memref<1x1x128xf32, #tpu.memory_space<vmem_shared>> -> memref<128xf32, #tpu.memory_space<vmem_shared>>
      tpu.enqueue_dma source(%arg17 : memref<128xf32, #tpu.memory_space<vmem>>) target(%dma_start3A_591 : memref<128xf32, #tpu.memory_space<vmem_shared>>) target_semaphore(%run_scoped3A : memref<!tpu.dma_semaphore, #tpu.memory_space<semaphore_mem>>)
      %dma_wait3A_592 = arith.constant 0 : i32
      %dma_wait3A_593 = tpu.memref_slice %arg21[%select_n3A, %select_n3A_28, %dma_wait3A_592] : memref<2x8x128xf32, #tpu.memory_space<vmem_shared>> -> memref<1x1x128xf32, #tpu.memory_space<vmem_shared>>
      %dma_wait3A_594 = tpu.memref_squeeze %dma_wait3A_593 : memref<1x1x128xf32, #tpu.memory_space<vmem_shared>> -> memref<128xf32, #tpu.memory_space<vmem_shared>>
      %dma_wait3A_595 = arith.constant 0 : i32
      %dma_wait3A_596 = tpu.memref_slice %arg21[%select_n3A, %select_n3A_28, %dma_wait3A_595] : memref<2x8x128xf32, #tpu.memory_space<vmem_shared>> -> memref<1x1x128xf32, #tpu.memory_space<vmem_shared>>
      %dma_wait3A_597 = tpu.memref_squeeze %dma_wait3A_596 : memref<1x1x128xf32, #tpu.memory_space<vmem_shared>> -> memref<128xf32, #tpu.memory_space<vmem_shared>>
      tpu.wait_dma2 semaphore(%run_scoped3A : memref<!tpu.dma_semaphore, #tpu.memory_space<semaphore_mem>>) src(%arg17 : memref<128xf32, #tpu.memory_space<vmem>>) dst(%dma_wait3A_597 : memref<128xf32, #tpu.memory_space<vmem_shared>>)
      tpu.yield
    }) : () -> ()
    %barrier3A_582 = arith.constant 0 : index
    tpu.barrier barrier_id(%barrier3A_582)
    %eq3A_583 = arith.constant 0 : i32
    %eq3A_584 = arith.cmpi eq, %select_n3A_28, %eq3A_583 : i32
    %convert_element_type3A = arith.extui %eq3A_584 : i1 to i32
    %cond3A = arith.constant 0 : i32
    %cond3A_585 = arith.cmpi ne, %convert_element_type3A, %cond3A : i32
    scf.if %cond3A_585 {
      "tpu.region"() ({
        %run_scoped3A = tpu.sem_alloc : memref<!tpu.dma_semaphore, #tpu.memory_space<semaphore_mem>>
        %dma_start3A_781 = arith.constant 0 : i32
        %dma_start3A_782 = arith.constant 0 : i32
        %dma_start3A_783 = tpu.memref_slice %arg21[%select_n3A, %dma_start3A_781, %dma_start3A_782] : memref<2x8x128xf32, #tpu.memory_space<vmem_shared>> -> memref<1x8x128xf32, #tpu.memory_space<vmem_shared>>
        %dma_start3A_784 = tpu.memref_squeeze %dma_start3A_783 : memref<1x8x128xf32, #tpu.memory_space<vmem_shared>> -> memref<8x128xf32, #tpu.memory_space<vmem_shared>>
        %dma_start3A_785 = arith.constant 0 : i32
        %dma_start3A_786 = arith.constant 0 : i32
        %dma_start3A_787 = tpu.memref_slice %arg21[%select_n3A, %dma_start3A_785, %dma_start3A_786] : memref<2x8x128xf32, #tpu.memory_space<vmem_shared>> -> memref<1x8x128xf32, #tpu.memory_space<vmem_shared>>
        %dma_start3A_788 = tpu.memref_squeeze %dma_start3A_787 : memref<1x8x128xf32, #tpu.memory_space<vmem_shared>> -> memref<8x128xf32, #tpu.memory_space<vmem_shared>>
        tpu.enqueue_dma source(%dma_start3A_788 : memref<8x128xf32, #tpu.memory_space<vmem_shared>>) target(%arg16 : memref<8x128xf32, #tpu.memory_space<vmem>>) target_semaphore(%run_scoped3A : memref<!tpu.dma_semaphore, #tpu.memory_space<semaphore_mem>>)
        %dma_wait3A_789 = arith.constant 0 : i32
        %dma_wait3A_790 = arith.constant 0 : i32
        %dma_wait3A_791 = tpu.memref_slice %arg21[%select_n3A, %dma_wait3A_789, %dma_wait3A_790] : memref<2x8x128xf32, #tpu.memory_space<vmem_shared>> -> memref<1x8x128xf32, #tpu.memory_space<vmem_shared>>
        %dma_wait3A_792 = tpu.memref_squeeze %dma_wait3A_791 : memref<1x8x128xf32, #tpu.memory_space<vmem_shared>> -> memref<8x128xf32, #tpu.memory_space<vmem_shared>>
        %dma_wait3A_793 = arith.constant 0 : i32
        %dma_wait3A_794 = arith.constant 0 : i32
        %dma_wait3A_795 = tpu.memref_slice %arg21[%select_n3A, %dma_wait3A_793, %dma_wait3A_794] : memref<2x8x128xf32, #tpu.memory_space<vmem_shared>> -> memref<1x8x128xf32, #tpu.memory_space<vmem_shared>>
        %dma_wait3A_796 = tpu.memref_squeeze %dma_wait3A_795 : memref<1x8x128xf32, #tpu.memory_space<vmem_shared>> -> memref<8x128xf32, #tpu.memory_space<vmem_shared>>
        tpu.wait_dma2 semaphore(%run_scoped3A : memref<!tpu.dma_semaphore, #tpu.memory_space<semaphore_mem>>) src(%dma_wait3A_796 : memref<8x128xf32, #tpu.memory_space<vmem_shared>>) dst(%arg16 : memref<8x128xf32, #tpu.memory_space<vmem>>)
        tpu.yield
      }) : () -> ()
      %get3A = arith.constant 0 : i32
      %get3A_586 = arith.index_cast %get3A : i32 to index
      %get3A_587 = arith.constant 0 : index
      %get3A_588 = tpu.vector_load %arg16[%get3A_586, %get3A_587] {strides = array<i32>} : memref<8x128xf32, #tpu.memory_space<vmem>>, vector<16xf32>,
      %get3A_589 = arith.constant 0 : i32
      %get3A_590 = arith.index_cast %get3A_589 : i32 to index
      %get3A_591 = arith.constant 16 : index
      %get3A_592 = tpu.vector_load %arg16[%get3A_590, %get3A_591] {strides = array<i32>} : memref<8x128xf32, #tpu.memory_space<vmem>>, vector<16xf32>,
      %get3A_593 = arith.constant 0 : i32
      %get3A_594 = arith.index_cast %get3A_593 : i32 to index
      %get3A_595 = arith.constant 32 : index
      %get3A_596 = tpu.vector_load %arg16[%get3A_594, %get3A_595] {strides = array<i32>} : memref<8x128xf32, #tpu.memory_space<vmem>>, vector<16xf32>,
      %get3A_597 = arith.constant 0 : i32
      %get3A_598 = arith.index_cast %get3A_597 : i32 to index
      %get3A_599 = arith.constant 48 : index
      %get3A_600 = tpu.vector_load %arg16[%get3A_598, %get3A_599] {strides = array<i32>} : memref<8x128xf32, #tpu.memory_space<vmem>>, vector<16xf32>,
      %get3A_601 = arith.constant 1 : i32
      %get3A_602 = arith.index_cast %get3A_601 : i32 to index
      %get3A_603 = arith.constant 0 : index
      %get3A_604 = tpu.vector_load %arg16[%get3A_602, %get3A_603] {strides = array<i32>} : memref<8x128xf32, #tpu.memory_space<vmem>>, vector<16xf32>,
      %add3A_605 = arith.addf %get3A_588, %get3A_604 : vector<16xf32>
      %get3A_606 = arith.constant 1 : i32
      %get3A_607 = arith.index_cast %get3A_606 : i32 to index
      %get3A_608 = arith.constant 16 : index
      %get3A_609 = tpu.vector_load %arg16[%get3A_607, %get3A_608] {strides = array<i32>} : memref<8x128xf32, #tpu.memory_space<vmem>>, vector<16xf32>,
      %add3A_610 = arith.addf %get3A_592, %get3A_609 : vector<16xf32>
      %get3A_611 = arith.constant 1 : i32
      %get3A_612 = arith.index_cast %get3A_611 : i32 to index
      %get3A_613 = arith.constant 32 : index
      %get3A_614 = tpu.vector_load %arg16[%get3A_612, %get3A_613] {strides = array<i32>} : memref<8x128xf32, #tpu.memory_space<vmem>>, vector<16xf32>,
      %add3A_615 = arith.addf %get3A_596, %get3A_614 : vector<16xf32>
      %get3A_616 = arith.constant 1 : i32
      %get3A_617 = arith.index_cast %get3A_616 : i32 to index
      %get3A_618 = arith.constant 48 : index
      %get3A_619 = tpu.vector_load %arg16[%get3A_617, %get3A_618] {strides = array<i32>} : memref<8x128xf32, #tpu.memory_space<vmem>>, vector<16xf32>,
      %add3A_620 = arith.addf %get3A_600, %get3A_619 : vector<16xf32>
      %get3A_621 = arith.constant 2 : i32
      %get3A_622 = arith.index_cast %get3A_621 : i32 to index
      %get3A_623 = arith.constant 0 : index
      %get3A_624 = tpu.vector_load %arg16[%get3A_622, %get3A_623] {strides = array<i32>} : memref<8x128xf32, #tpu.memory_space<vmem>>, vector<16xf32>,
      %add3A_625 = arith.addf %add3A_605, %get3A_624 : vector<16xf32>
      %get3A_626 = arith.constant 2 : i32
      %get3A_627 = arith.index_cast %get3A_626 : i32 to index
      %get3A_628 = arith.constant 16 : index
      %get3A_629 = tpu.vector_load %arg16[%get3A_627, %get3A_628] {strides = array<i32>} : memref<8x128xf32, #tpu.memory_space<vmem>>, vector<16xf32>,
      %add3A_630 = arith.addf %add3A_610, %get3A_629 : vector<16xf32>
      %get3A_631 = arith.constant 2 : i32
      %get3A_632 = arith.index_cast %get3A_631 : i32 to index
      %get3A_633 = arith.constant 32 : index
      %get3A_634 = tpu.vector_load %arg16[%get3A_632, %get3A_633] {strides = array<i32>} : memref<8x128xf32, #tpu.memory_space<vmem>>, vector<16xf32>,
      %add3A_635 = arith.addf %add3A_615, %get3A_634 : vector<16xf32>
      %get3A_636 = arith.constant 2 : i32
      %get3A_637 = arith.index_cast %get3A_636 : i32 to index
      %get3A_638 = arith.constant 48 : index
      %get3A_639 = tpu.vector_load %arg16[%get3A_637, %get3A_638] {strides = array<i32>} : memref<8x128xf32, #tpu.memory_space<vmem>>, vector<16xf32>,
      %add3A_640 = arith.addf %add3A_620, %get3A_639 : vector<16xf32>
      %get3A_641 = arith.constant 3 : i32
      %get3A_642 = arith.index_cast %get3A_641 : i32 to index
      %get3A_643 = arith.constant 0 : index
      %get3A_644 = tpu.vector_load %arg16[%get3A_642, %get3A_643] {strides = array<i32>} : memref<8x128xf32, #tpu.memory_space<vmem>>, vector<16xf32>,
      %add3A_645 = arith.addf %add3A_625, %get3A_644 : vector<16xf32>
      %get3A_646 = arith.constant 3 : i32
      %get3A_647 = arith.index_cast %get3A_646 : i32 to index
      %get3A_648 = arith.constant 16 : index
      %get3A_649 = tpu.vector_load %arg16[%get3A_647, %get3A_648] {strides = array<i32>} : memref<8x128xf32, #tpu.memory_space<vmem>>, vector<16xf32>,
      %add3A_650 = arith.addf %add3A_630, %get3A_649 : vector<16xf32>
      %get3A_651 = arith.constant 3 : i32
      %get3A_652 = arith.index_cast %get3A_651 : i32 to index
      %get3A_653 = arith.constant 32 : index
      %get3A_654 = tpu.vector_load %arg16[%get3A_652, %get3A_653] {strides = array<i32>} : memref<8x128xf32, #tpu.memory_space<vmem>>, vector<16xf32>,
      %add3A_655 = arith.addf %add3A_635, %get3A_654 : vector<16xf32>
      %get3A_656 = arith.constant 3 : i32
      %get3A_657 = arith.index_cast %get3A_656 : i32 to index
      %get3A_658 = arith.constant 48 : index
      %get3A_659 = tpu.vector_load %arg16[%get3A_657, %get3A_658] {strides = array<i32>} : memref<8x128xf32, #tpu.memory_space<vmem>>, vector<16xf32>,
      %add3A_660 = arith.addf %add3A_640, %get3A_659 : vector<16xf32>
      %get3A_661 = arith.constant 4 : i32
      %get3A_662 = arith.index_cast %get3A_661 : i32 to index
      %get3A_663 = arith.constant 0 : index
      %get3A_664 = tpu.vector_load %arg16[%get3A_662, %get3A_663] {strides = array<i32>} : memref<8x128xf32, #tpu.memory_space<vmem>>, vector<16xf32>,
      %add3A_665 = arith.addf %add3A_645, %get3A_664 : vector<16xf32>
      %get3A_666 = arith.constant 4 : i32
      %get3A_667 = arith.index_cast %get3A_666 : i32 to index
      %get3A_668 = arith.constant 16 : index
      %get3A_669 = tpu.vector_load %arg16[%get3A_667, %get3A_668] {strides = array<i32>} : memref<8x128xf32, #tpu.memory_space<vmem>>, vector<16xf32>,
      %add3A_670 = arith.addf %add3A_650, %get3A_669 : vector<16xf32>
      %get3A_671 = arith.constant 4 : i32
      %get3A_672 = arith.index_cast %get3A_671 : i32 to index
      %get3A_673 = arith.constant 32 : index
      %get3A_674 = tpu.vector_load %arg16[%get3A_672, %get3A_673] {strides = array<i32>} : memref<8x128xf32, #tpu.memory_space<vmem>>, vector<16xf32>,
      %add3A_675 = arith.addf %add3A_655, %get3A_674 : vector<16xf32>
      %get3A_676 = arith.constant 4 : i32
      %get3A_677 = arith.index_cast %get3A_676 : i32 to index
      %get3A_678 = arith.constant 48 : index
      %get3A_679 = tpu.vector_load %arg16[%get3A_677, %get3A_678] {strides = array<i32>} : memref<8x128xf32, #tpu.memory_space<vmem>>, vector<16xf32>,
      %add3A_680 = arith.addf %add3A_660, %get3A_679 : vector<16xf32>
      %get3A_681 = arith.constant 5 : i32
      %get3A_682 = arith.index_cast %get3A_681 : i32 to index
      %get3A_683 = arith.constant 0 : index
      %get3A_684 = tpu.vector_load %arg16[%get3A_682, %get3A_683] {strides = array<i32>} : memref<8x128xf32, #tpu.memory_space<vmem>>, vector<16xf32>,
      %add3A_685 = arith.addf %add3A_665, %get3A_684 : vector<16xf32>
      %get3A_686 = arith.constant 5 : i32
      %get3A_687 = arith.index_cast %get3A_686 : i32 to index
      %get3A_688 = arith.constant 16 : index
      %get3A_689 = tpu.vector_load %arg16[%get3A_687, %get3A_688] {strides = array<i32>} : memref<8x128xf32, #tpu.memory_space<vmem>>, vector<16xf32>,
      %add3A_690 = arith.addf %add3A_670, %get3A_689 : vector<16xf32>
      %get3A_691 = arith.constant 5 : i32
      %get3A_692 = arith.index_cast %get3A_691 : i32 to index
      %get3A_693 = arith.constant 32 : index
      %get3A_694 = tpu.vector_load %arg16[%get3A_692, %get3A_693] {strides = array<i32>} : memref<8x128xf32, #tpu.memory_space<vmem>>, vector<16xf32>,
      %add3A_695 = arith.addf %add3A_675, %get3A_694 : vector<16xf32>
      %get3A_696 = arith.constant 5 : i32
      %get3A_697 = arith.index_cast %get3A_696 : i32 to index
      %get3A_698 = arith.constant 48 : index
      %get3A_699 = tpu.vector_load %arg16[%get3A_697, %get3A_698] {strides = array<i32>} : memref<8x128xf32, #tpu.memory_space<vmem>>, vector<16xf32>,
      %add3A_700 = arith.addf %add3A_680, %get3A_699 : vector<16xf32>
      %get3A_701 = arith.constant 6 : i32
      %get3A_702 = arith.index_cast %get3A_701 : i32 to index
      %get3A_703 = arith.constant 0 : index
      %get3A_704 = tpu.vector_load %arg16[%get3A_702, %get3A_703] {strides = array<i32>} : memref<8x128xf32, #tpu.memory_space<vmem>>, vector<16xf32>,
      %add3A_705 = arith.addf %add3A_685, %get3A_704 : vector<16xf32>
      %get3A_706 = arith.constant 6 : i32
      %get3A_707 = arith.index_cast %get3A_706 : i32 to index
      %get3A_708 = arith.constant 16 : index
      %get3A_709 = tpu.vector_load %arg16[%get3A_707, %get3A_708] {strides = array<i32>} : memref<8x128xf32, #tpu.memory_space<vmem>>, vector<16xf32>,
      %add3A_710 = arith.addf %add3A_690, %get3A_709 : vector<16xf32>
      %get3A_711 = arith.constant 6 : i32
      %get3A_712 = arith.index_cast %get3A_711 : i32 to index
      %get3A_713 = arith.constant 32 : index
      %get3A_714 = tpu.vector_load %arg16[%get3A_712, %get3A_713] {strides = array<i32>} : memref<8x128xf32, #tpu.memory_space<vmem>>, vector<16xf32>,
      %add3A_715 = arith.addf %add3A_695, %get3A_714 : vector<16xf32>
      %get3A_716 = arith.constant 6 : i32
      %get3A_717 = arith.index_cast %get3A_716 : i32 to index
      %get3A_718 = arith.constant 48 : index
      %get3A_719 = tpu.vector_load %arg16[%get3A_717, %get3A_718] {strides = array<i32>} : memref<8x128xf32, #tpu.memory_space<vmem>>, vector<16xf32>,
      %add3A_720 = arith.addf %add3A_700, %get3A_719 : vector<16xf32>
      %get3A_721 = arith.constant 7 : i32
      %get3A_722 = arith.index_cast %get3A_721 : i32 to index
      %get3A_723 = arith.constant 0 : index
      %get3A_724 = tpu.vector_load %arg16[%get3A_722, %get3A_723] {strides = array<i32>} : memref<8x128xf32, #tpu.memory_space<vmem>>, vector<16xf32>,
      %add3A_725 = arith.addf %add3A_705, %get3A_724 : vector<16xf32>
      %get3A_726 = arith.constant 7 : i32
      %get3A_727 = arith.index_cast %get3A_726 : i32 to index
      %get3A_728 = arith.constant 16 : index
      %get3A_729 = tpu.vector_load %arg16[%get3A_727, %get3A_728] {strides = array<i32>} : memref<8x128xf32, #tpu.memory_space<vmem>>, vector<16xf32>,
      %add3A_730 = arith.addf %add3A_710, %get3A_729 : vector<16xf32>
      %get3A_731 = arith.constant 7 : i32
      %get3A_732 = arith.index_cast %get3A_731 : i32 to index
      %get3A_733 = arith.constant 32 : index
      %get3A_734 = tpu.vector_load %arg16[%get3A_732, %get3A_733] {strides = array<i32>} : memref<8x128xf32, #tpu.memory_space<vmem>>, vector<16xf32>,
      %add3A_735 = arith.addf %add3A_715, %get3A_734 : vector<16xf32>
      %get3A_736 = arith.constant 7 : i32
      %get3A_737 = arith.index_cast %get3A_736 : i32 to index
      %get3A_738 = arith.constant 48 : index
      %get3A_739 = tpu.vector_load %arg16[%get3A_737, %get3A_738] {strides = array<i32>} : memref<8x128xf32, #tpu.memory_space<vmem>>, vector<16xf32>,
      %add3A_740 = arith.addf %add3A_720, %get3A_739 : vector<16xf32>
      %iota3A = tpu.iota {dimensions = array<i32: 0>} : vector<16xi32>
      %lt3A_741 = arith.constant 5.000000e-01 : f32
      %lt3A_742 = vector.broadcast %lt3A_741 : f32 to vector<16xf32>
      %lt3A_743 = arith.cmpf olt, %add3A_735, %lt3A_742 : vector<16xf32>
      %ne3A_744 = arith.constant 0 : i32
      %ne3A_745 = vector.broadcast %ne3A_744 : i32 to vector<16xi32>
      %ne3A_746 = arith.cmpi ne, %iota3A, %ne3A_745 : vector<16xi32>
      %and3A_747 = arith.andi %lt3A_743, %ne3A_746 : vector<16xi1>
      %convert_element_type3A_748 = arith.extui %and3A_747 : vector<16xi1> to vector<16xi32>
      %convert_element_type3A_749 = arith.sitofp %convert_element_type3A_748 : vector<16xi32> to vector<16xf32>
      %lt3A_750 = arith.constant 5.000000e-01 : f32
      %lt3A_751 = vector.broadcast %lt3A_750 : f32 to vector<16xf32>
      %lt3A_752 = arith.cmpf olt, %add3A_740, %lt3A_751 : vector<16xf32>
      %convert_element_type3A_753 = arith.extui %lt3A_752 : vector<16xi1> to vector<16xi32>
      %convert_element_type3A_754 = arith.sitofp %convert_element_type3A_753 : vector<16xi32> to vector<16xf32>
      %add3A_755 = arith.constant 1.000000e-10 : f32
      %add3A_756 = vector.broadcast %add3A_755 : f32 to vector<16xf32>
      %add3A_757 = arith.addf %add3A_735, %add3A_756 : vector<16xf32>
      %div3A_758 = arith.divf %add3A_725, %add3A_757 : vector<16xf32>
      %mul3A_759 = arith.constant -1.000000e+04 : f32
      %mul3A_760 = vector.broadcast %mul3A_759 : f32 to vector<16xf32>
      %mul3A_761 = arith.mulf %mul3A_760, %convert_element_type3A_749 : vector<16xf32>
      %add3A_762 = arith.addf %div3A_758, %mul3A_761 : vector<16xf32>
      %get3A_763 = arith.constant 0 : index
      %get3A_764 = tpu.vector_load %arg18[%get3A_763] {strides = array<i32>} : memref<32xf32, #tpu.memory_space<vmem>>, vector<16xf32>,
      %add3A_765 = arith.addf %add3A_762, %get3A_764 : vector<16xf32>
      %add3A_766 = arith.constant 1.000000e-10 : f32
      %add3A_767 = vector.broadcast %add3A_766 : f32 to vector<16xf32>
      %add3A_768 = arith.addf %add3A_740, %add3A_767 : vector<16xf32>
      %div3A_769 = arith.divf %add3A_730, %add3A_768 : vector<16xf32>
      %mul3A_770 = arith.constant -1.000000e+04 : f32
      %mul3A_771 = vector.broadcast %mul3A_770 : f32 to vector<16xf32>
      %mul3A_772 = arith.mulf %mul3A_771, %convert_element_type3A_754 : vector<16xf32>
      %add3A_773 = arith.addf %div3A_769, %mul3A_772 : vector<16xf32>
      %get3A_774 = arith.constant 16 : index
      %get3A_775 = tpu.vector_load %arg18[%get3A_774] {strides = array<i32>} : memref<32xf32, #tpu.memory_space<vmem>>, vector<16xf32>,
      %add3A_776 = arith.addf %add3A_773, %get3A_775 : vector<16xf32>
      %swap3A_777 = arith.constant 0 : index
      %swap3A_778 = tpu.vector_load %arg19[%swap3A_777] {strides = array<i32>} : memref<32xf32, #tpu.memory_space<vmem>>, vector<16xf32>,
      tpu.vector_store %arg19[%swap3A_777], %add3A_765 {strides = array<i32>} : memref<32xf32, #tpu.memory_space<vmem>>, vector<16xf32>,
      %swap3A_779 = arith.constant 16 : index
      %swap3A_780 = tpu.vector_load %arg19[%swap3A_779] {strides = array<i32>} : memref<32xf32, #tpu.memory_space<vmem>>, vector<16xf32>,
      tpu.vector_store %arg19[%swap3A_779], %add3A_776 {strides = array<i32>} : memref<32xf32, #tpu.memory_space<vmem>>, vector<16xf32>,
      "tpu.region"() ({
        %run_scoped3A = tpu.sem_alloc : memref<!tpu.dma_semaphore, #tpu.memory_space<semaphore_mem>>
        %dma_start3A_781 = arith.constant 0 : i32
        %dma_start3A_782 = tpu.memref_slice %arg7[%add3A_30, %dma_start3A_781] : memref<4x32xf32, #tpu.memory_space<hbm>> -> memref<1x32xf32, #tpu.memory_space<hbm>>
        %dma_start3A_783 = tpu.memref_squeeze %dma_start3A_782 : memref<1x32xf32, #tpu.memory_space<hbm>> -> memref<32xf32, #tpu.memory_space<hbm>>
        %dma_start3A_784 = arith.constant 0 : i32
        %dma_start3A_785 = tpu.memref_slice %arg7[%add3A_30, %dma_start3A_784] : memref<4x32xf32, #tpu.memory_space<hbm>> -> memref<1x32xf32, #tpu.memory_space<hbm>>
        %dma_start3A_786 = tpu.memref_squeeze %dma_start3A_785 : memref<1x32xf32, #tpu.memory_space<hbm>> -> memref<32xf32, #tpu.memory_space<hbm>>
        tpu.enqueue_dma source(%arg19 : memref<32xf32, #tpu.memory_space<vmem>>) target(%dma_start3A_786 : memref<32xf32, #tpu.memory_space<hbm>>) target_semaphore(%run_scoped3A : memref<!tpu.dma_semaphore, #tpu.memory_space<semaphore_mem>>)
        %dma_wait3A_787 = arith.constant 0 : i32
        %dma_wait3A_788 = tpu.memref_slice %arg7[%add3A_30, %dma_wait3A_787] : memref<4x32xf32, #tpu.memory_space<hbm>> -> memref<1x32xf32, #tpu.memory_space<hbm>>
        %dma_wait3A_789 = tpu.memref_squeeze %dma_wait3A_788 : memref<1x32xf32, #tpu.memory_space<hbm>> -> memref<32xf32, #tpu.memory_space<hbm>>
        %dma_wait3A_790 = arith.constant 0 : i32
        %dma_wait3A_791 = tpu.memref_slice %arg7[%add3A_30, %dma_wait3A_790] : memref<4x32xf32, #tpu.memory_space<hbm>> -> memref<1x32xf32, #tpu.memory_space<hbm>>
        %dma_wait3A_792 = tpu.memref_squeeze %dma_wait3A_791 : memref<1x32xf32, #tpu.memory_space<hbm>> -> memref<32xf32, #tpu.memory_space<hbm>>
        tpu.wait_dma2 semaphore(%run_scoped3A : memref<!tpu.dma_semaphore, #tpu.memory_space<semaphore_mem>>) src(%arg19 : memref<32xf32, #tpu.memory_space<vmem>>) dst(%dma_wait3A_792 : memref<32xf32, #tpu.memory_space<hbm>>)
        tpu.yield
      }) : () -> ()
    } else {
    }
    return
  }
}

module attributes {stable_mosaic.version = 14 : i64} {
  func.func @_tl_body(%arg0: i32, %arg1: memref<1x4096x768xf32, #tpu.memory_space<vmem>>, %arg2: memref<768xf32, #tpu.memory_space<vmem>>, %arg3: memref<1xf32, #tpu.memory_space<smem>>, %arg4: memref<1x1x4096xf32, #tpu.memory_space<vmem>>) attributes {dimension_semantics = [#tpu.dimension_semantics<arbitrary>], iteration_bounds = array<i64: 8>, scalar_prefetch = 0 : i64, scratch_operands = 0 : i64, tpu.core_type = #tpu.core_type<tc>, window_params = [{transform_indices = @transform_0, window_bounds = array<i64: 1, 4096, 768>}, {pipeline_mode = #tpu.pipeline_mode<synchronous>, transform_indices = @transform_1, window_bounds = array<i64: 768>}, {transform_indices = @transform_2, window_bounds = array<i64: 1>}, {transform_indices = @transform_3, window_bounds = array<i64: 1, 1, 4096>}]} {
    %get3A = arith.constant 0 : index
    %get3A_0 = arith.constant 0 : index
    %get3A_1 = arith.constant 0 : index
    %get3A_2 = vector.load %arg1[%get3A, %get3A_0, %get3A_1] : memref<1x4096x768xf32, #tpu.memory_space<vmem>>, vector<1x4096x768xf32>
    %get3A_3 = vector.shape_cast %get3A_2 : vector<1x4096x768xf32> to vector<4096x768xf32>
    %get3A_4 = arith.constant 0 : index
    %get3A_5 = vector.load %arg2[%get3A_4] : memref<768xf32, #tpu.memory_space<vmem>>, vector<768xf32>
    %reshape3A = vector.shape_cast %get3A_5 : vector<768xf32> to vector<1x768xf32>
    %dot_general3A = arith.constant dense<0.000000e+00> : vector<1x4096xf32>
    %dot_general3A_6 = tpu.matmul %reshape3A, %get3A_3, %dot_general3A {dimension_numbers = #tpu.dot_dimension_numbers<[1], [1], [0], [0], [0, 0, 1, 0], [], []>, transpose_lhs_hint = false} : vector<1x768xf32>, vector<4096x768xf32>, vector<1x4096xf32> -> vector<1x4096xf32>
    %broadcast_in_dim3A = vector.shape_cast %dot_general3A_6 : vector<1x4096xf32> to vector<1x1x4096xf32>
    %get3A_7 = arith.constant 0 : index
    %get3A_8 = memref.load %arg3[%get3A_7] : memref<1xf32, #tpu.memory_space<smem>>
    %add3A = vector.broadcast %get3A_8 : f32 to vector<1x1x4096xf32>
    %add3A_9 = arith.addf %broadcast_in_dim3A, %add3A : vector<1x1x4096xf32>
    %swap3A = arith.constant 0 : index
    %swap3A_10 = arith.constant 0 : index
    %swap3A_11 = arith.constant 0 : index
    %swap3A_12 = vector.load %arg4[%swap3A, %swap3A_10, %swap3A_11] : memref<1x1x4096xf32, #tpu.memory_space<vmem>>, vector<1x1x4096xf32>
    tpu.vector_store %arg4[%swap3A, %swap3A_10, %swap3A_11], %add3A_9 {strides = array<i32>} : memref<1x1x4096xf32, #tpu.memory_space<vmem>>, vector<1x1x4096xf32>,
    return
  }
  func.func @transform_0(%arg0: i32) -> (i32, i32, i32) {
    %c0_i32 = arith.constant 0 : i32
    %c0_i32_0 = arith.constant 0 : i32
    %c0_i32_1 = arith.constant 0 : i32
    return %arg0, %c0_i32, %c0_i32_0 : i32, i32, i32
  }
  func.func @transform_1(%arg0: i32) -> i32 {
    %c0_i32 = arith.constant 0 : i32
    %c0_i32_0 = arith.constant 0 : i32
    return %c0_i32 : i32
  }
  func.func @transform_2(%arg0: i32) -> i32 {
    %c0_i32 = arith.constant 0 : i32
    %c0_i32_0 = arith.constant 0 : i32
    return %c0_i32 : i32
  }
  func.func @transform_3(%arg0: i32) -> (i32, i32, i32) {
    %c0_i32 = arith.constant 0 : i32
    %c0_i32_0 = arith.constant 0 : i32
    %c0_i32_1 = arith.constant 0 : i32
    return %arg0, %c0_i32, %c0_i32_0 : i32, i32, i32
  }
}

</mosaic_0001>

<sc_bundles>
// kernel: kernel.4.cloned.1.call-start
scs
__scs_entry_jumppad:
0x0: {  	(pc) =	sbr.rel $0x88, $3  }
0x1: {  	(tag) =	ssettag $0x0;
	lr =	simm.s32 $0x1  }
0x2: {  	[smem:$0x3F9A] =	sst lr;
	_ =	strace $0xD0000000  }
0x3: {  	_ = 	snop  }
0x4: {  	_ = 	snop  }
0x5: {  	_ = 	snop  }
0x6: {  	_ = 	snop  }
0x7: {  	_ = 	snop  }
__scs_overlays_trampoline_lowered:
0x8: {  	[smem:$0x3FA9] =	sst s0  }
0x9: {  	[smem:$0x3FAA] =	sst s1  }
0xa: {  	[smem:$0x3FAB] =	sst s2  }
0xb: {  	[smem:$0x3FAC] =	sst s3  }
0xc: {  	[smem:$0x3FAD] =	sst s4  }
0xd: {  	[smem:$0x3FAE] =	sst s5  }
0xe: {  	[smem:$0x3FAF] =	sst s6  }
0xf: {  	[smem:$0x3FB0] =	sst s7  }
0x10: {  	[smem:$0x3FB1] =	sst s8  }
0x11: {  	[smem:$0x3FB2] =	sst s9;
	s0 =	simm.s32 @!p0 $0x0  }
0x12: {  	s1 =	sld [smem:$0x3F98];
	s0 =	simm.s32 @p0 $0x1  }
0x13: {  	[smem:$0x3FB3] =	sst s0;
	s0 =	simm.s32 @!p1 $0x0  }
0x14: {  	s2 =	sld [smem:$0x3F97];
	s0 =	simm.s32 @p1 $0x1  }
0x15: {  	[smem:$0x3FB4] =	sst s0;
	s0 =	simm.s32 @!p2 $0x0  }
0x16: {  	s3 =	sld [smem:$0x3FDB];
	s0 =	simm.s32 @p2 $0x1  }
0x17: {  	s4 =	simm.s32 $0x1BF5;
	[smem:$0x3FB6] =	sst s0  }
0x18: {  	s0 =	sld [smem:$0x3F99];
	_ =	swait.ge [sflag:s4], $0x0  }
0x19: {  	s7 =	sld [smem:$0x3F9A]  }
0x1a: {  	s8 =	sadd.s32 $0xFFFFE003, lr  }
0x1b: {  	s9 =	sadd.s32 $0xFFFFFEF7, lr;
	s5 =	simm.s32 $0xFFFFFFFF;
	p2 =	slt.u32 s8, $0xFFFFF086  }
0x1c: {  	p1 =	slt.u32 s9, $0xF7A;
	s5 =	simm.s32 @!p2 $0x0  }
0x1d: {  	s5 =	simm.s32 @p1 $0x1;
	p0 =	seq.s32 s7, s2  }
0x1e: {  	s7 =	smul.u32 @!p0 $0xF7A, s2;
	p2 =	seq.s32 @!p0 s5, $0x0  }
0x1f: {  	s9 =	smul.u32 $0xF7A, s1;
	s8 =	simm.s32 @!p0 $0x1BF5;
	p2 =	por !p2, p0  }
0x20: {  	[sflag:s8] =	ssyncset.s32 @!p0 $0xFFFFF086;
	s6 =	sadd.s32 @!p0 s3, s7;
	s7 =	simm.s32 @!p0 $0x108  }
0x21: {  	s3 =	sadd.s32 s3, s9;
	s6 =	sadd.s32 @!p0 $0x88, s6;
	s7 =	simm.s32 @p2 $0x1082  }
0x22: {  	[simem:s7], [sflag:s8] =	dma.local @!p0 [hbm:s6], $0xF7A  }
0x23: {  	s9 =	sor.u32 $0xD0000000, s2;
	s6 =	simm.s32 $0x108;
	_ =	swait.ge @!p0 [sflag:s8], $0x0  }
0x24: {  	s3 =	sadd.s32 $0x88, s3;
	s6 =	simm.s32 @!p1 $0x1082;
	[sflag:s4] =	ssyncset.s32 $0xFFFFF086  }
0x25: {  	[simem:s6], [sflag:s4] =	dma.local [hbm:s3], $0xF7A  }
0x26: {  	[smem:$0x3F9A] =	sst s1;
	(tag) =	ssettag s2;
	_ =	strace s9  }
0x27: {  	s1 =	sld [smem:$0x3FAA]  }
0x28: {  	s2 =	sld [smem:$0x3FAB]  }
0x29: {  	s4 =	sld [smem:$0x3FAD]  }
0x2a: {  	p0 =	seq.s32 s5, $0x0;
	s5 =	sld [smem:$0x3FAE]  }
0x2b: {  	s6 =	sld [smem:$0x3FAF]  }
0x2c: {  	s7 =	sld [smem:$0x3FB0]  }
0x2d: {  	s3 =	simm.s32 $0x108;
	s8 =	sld [smem:$0x3FB1]  }
0x2e: {  	s3 =	simm.s32 @!p0 $0x1082;
	s9 =	sld [smem:$0x3FB2]  }
0x2f: {  	lr =	sadd.s32 s0, s3;
	s0 =	sld [smem:$0x3FA9]  }
0x30: {  	s3 =	sld [smem:$0x3FAC]  }
0x31: {  	[smem:$0x3FB5] =	sst s10  }
0x32: {  	s10 =	sld [smem:$0x3FB3];
	_ =	sdelay $0x3  }
0x33: {  	p0 =	seq.s32 s10, $0x1;
	s10 =	sld [smem:$0x3FB5];
	_ =	sdelay $0x3  }
0x34: {  	[smem:$0x3FB5] =	sst s10  }
0x35: {  	s10 =	sld [smem:$0x3FB4];
	_ =	sdelay $0x3  }
0x36: {  	p1 =	seq.s32 s10, $0x1;
	s10 =	sld [smem:$0x3FB5];
	_ =	sdelay $0x3  }
0x37: {  	[smem:$0x3FB5] =	sst s10  }
0x38: {  	s10 =	sld [smem:$0x3FB6]  }
0x39: {  	_ = 	snop;
	(pc) =	sbr.ind lr, $3  }
0x3a: {  	_ = 	snop  }
0x3b: {  	_ = 	snop  }
0x3c: {  	p2 =	seq.s32 s10, $0x1;
	s10 =	sld [smem:$0x3FB5]  }
0x3d: {  	_ =	shalt  }
0x3e: {  	_ =	shalt  }
0x3f: {  	_ =	shalt  }
0x40: {  	_ =	shalt  }
0x41: {  	_ =	shalt  }
0x42: {  	_ =	shalt  }
0x43: {  	_ =	shalt  }
0x44: {  	_ =	shalt  }
0x45: {  	_ =	shalt  }
0x46: {  	_ =	shalt  }
0x47: {  	_ =	shalt  }
0x48: {  	_ =	shalt  }
0x49: {  	_ =	shalt  }
0x4a: {  	_ =	shalt  }
0x4b: {  	_ =	shalt  }
0x4c: {  	_ =	shalt  }
0x4d: {  	_ =	shalt  }
0x4e: {  	_ =	shalt  }
0x4f: {  	_ =	shalt  }
0x50: {  	_ =	shalt  }
0x51: {  	_ =	shalt  }
0x52: {  	_ =	shalt  }
0x53: {  	_ =	shalt  }
0x54: {  	_ =	shalt  }
0x55: {  	_ =	shalt  }
0x56: {  	_ =	shalt  }
0x57: {  	_ =	shalt  }
0x58: {  	_ =	shalt  }
0x59: {  	_ =	shalt  }
0x5a: {  	_ =	shalt  }
0x5b: {  	_ =	shalt  }
0x5c: {  	_ =	shalt  }
0x5d: {  	_ =	shalt  }
0x5e: {  	_ =	shalt  }
0x5f: {  	_ =	shalt  }
0x60: {  	_ =	shalt  }
0x61: {  	_ =	shalt  }
0x62: {  	_ =	shalt  }
0x63: {  	_ =	shalt  }
0x64: {  	_ =	shalt  }
0x65: {  	_ =	shalt  }
0x66: {  	_ =	shalt  }
0x67: {  	_ =	shalt  }
0x68: {  	_ =	shalt  }
0x69: {  	_ =	shalt  }
0x6a: {  	_ =	shalt  }
0x6b: {  	_ =	shalt  }
0x6c: {  	_ =	shalt  }
0x6d: {  	_ =	shalt  }
0x6e: {  	_ =	shalt  }
0x6f: {  	_ =	shalt  }
0x70: {  	_ =	shalt  }
0x71: {  	_ =	shalt  }
0x72: {  	_ =	shalt  }
0x73: {  	_ =	shalt  }
0x74: {  	_ =	shalt  }
0x75: {  	_ =	shalt  }
0x76: {  	_ =	shalt  }
0x77: {  	_ =	shalt  }
0x78: {  	_ =	shalt  }
0x79: {  	_ =	shalt  }
0x7a: {  	_ =	shalt  }
0x7b: {  	_ =	shalt  }
0x7c: {  	_ =	shalt  }
0x7d: {  	_ =	shalt  }
0x7e: {  	_ =	shalt  }
0x7f: {  	_ =	shalt  }
0x80: {  	_ =	shalt  }
0x81: {  	_ =	shalt  }
0x82: {  	_ =	shalt  }
0x83: {  	_ =	shalt  }
0x84: {  	_ =	shalt  }
0x85: {  	_ =	shalt  }
0x86: {  	_ =	shalt  }
0x87: {  	_ =	shalt  }
.Lfunc_end0:
.L_simem_size_0:
called_computation_lowered:
.L_overlay_start_0:
0x88: {  	s2 =	sld [smem:$0x3FD9]  }
0x89: {  	s3 =	sld [smem:$0x3FFE];
	_ =	sdelay $0x1  }
0x8a: {  	s1 =	srdreg.scid  }
0x8b: {  	s0 =	sand.u32 $0x1, s1  }
0x8c: {  	s17 =	sshll.u32 s0, $0xA;
	s2 =	sadd.s32 s3, s2  }
0x8d: {  	s2 =	sadd.s32 s2, s17  }
0x8e: {  	[smem:$0x3FC1] =	sst s2  }
0x8f: {  	_ = 	snop  }
0x90: {  	s2 =	sld [smem:$0x3FC8]  }
0x91: {  	s18 =	sld [smem:$0x3FC7]  }
0x92: {  	s4 =	sld [smem:$0x3FC6]  }
0x93: {  	s5 =	sld [smem:$0x3FD0];
	(tm) =	ssettm $0x1  }
0x94: {  	s6 =	sld [smem:$0x3FFB];
	_ =	sdelay $0x3  }
0x95: {  	_ =	strace s6  }
0x96: {  	s6 =	sld [smem:$0x3FFC];
	_ =	sdelay $0x3  }
0x97: {  	_ =	strace s6  }
0x98: {  	s6 =	sld [smem:$0x3FFD];
	_ =	sdelay $0x3  }
0x99: {  	_ =	strace s6  }
0x9a: {  	_ =	strace $0x8FFFFFFF  }
0x9b: {  	s19 =	sld [smem:$0x3FDB];
	_ =	sdelay $0x1  }
0x9c: {  	s7 =	simm.s32 $_scs_section_size  }
0x9d: {  	s8 =	simm.s32 $_size__tile_overlayer_lowered;
	s9 =	simm.s32 $_tile_overlayer_lowered  }
0x9e: {  	s22 =	simm.s32 $0x1BFF;
	s21 =	sshll.u32 s9, $0x1;
	s6 =	sadd.s32 s7, s19  }
0x9f: {  	s10 =	simm.s32 $0x0;
	s20 =	sshll.u32 s8, $0x1;
	s8 =	sadd.s32 s21, s6  }
0xa0: {  	[timem:s10], [sflag:s22] =	dma.local [hbm:s8], s20  }
0xa1: {  	_ =	swait.ge [sflag:s22], s20  }
0xa2: {  	s7 =	ssub.s32 $0x0, s20;
	[sflag:s22] =	ssyncset.done $0x0  }
0xa3: {  	[sflag:s22] =	ssyncadd.s32 s7;
	_ =	sdelay $0x1  }
0xa4: {  	s23 =	simm.s32 $0x1B8B  }
0xa5: {  	_ =	swait.ge [sflag:s23], $0x1  }
0xa6: {  	[sflag:s23] =	ssyncset.done $0x0  }
0xa7: {  	s25 =	simm.s32 $0x1B8E;
	s24 =	sld [smem:$0x3FFE];
	[sflag:s23] =	ssyncadd.s32 $0xFFFFFFFF  }
0xa8: {  	s26 =	simm.s32 $execute0_lowered;
	[smem:$0x3FD2] =	sst s25  }
0xa9: {  	s8 =	sshll.u32 s26, $0x1;
	_ =	strace $0x80000046;
	[dreg:$0x1] =	wrdreg $0xFFFFFFFF  }
0xaa: {  	s28 =	simm.s32 $_size_execute0_lowered;
	s6 =	sadd.s32 s6, s8;
	[dreg:$0x0] =	wrdreg $0x0  }
0xab: {  	s8 =	sshll.u32 s28, $0x1;
	[dreg:$0x2] =	wrdreg s6  }
0xac: {  	[dreg:$0x3] =	wrdreg s8  }
0xad: {  	[dreg:$0x4] =	wrdreg $0xC0  }
0xae: {  	_ =	task [dreg:s10], $0x5FFFF  }
0xaf: {  	[dreg:$0x1] =	wrdreg $0xFFFFFFFF  }
0xb0: {  	[dreg:$0x0] =	wrdreg $0x60  }
0xb1: {  	[dreg:$0x2] =	wrdreg s24  }
0xb2: {  	[dreg:$0x3] =	wrdreg s2  }
0xb3: {  	[dreg:$0x4] =	wrdreg s18  }
0xb4: {  	[dreg:$0x5] =	wrdreg s4  }
0xb5: {  	[dreg:$0x6] =	wrdreg s5  }
0xb6: {  	[dreg:$0x7] =	wrdreg $0xD5800  }
0xb7: {  	[dreg:$0x8] =	wrdreg $0x95800  }
0xb8: {  	[dreg:$0x9] =	wrdreg $0x9  }
0xb9: {  	_ =	task.clear_ibuf [dreg:s10], $0xAFFFF;
	_ =	strace $0x90000046  }
0xba: {  	s29 =	simm.s32 $0x9;
	_ =	strace $0x80000048  }
0xbb: {  	_ =	swait.ge [sflag:s29], $0x1  }
0xbc: {  	[sflag:s29] =	ssyncadd.s32 $0xFFFFFFFF  }
0xbd: {  	_ =	strace $0x90000048  }
0xbe: {  	_ =	sfence  }
0xbf: {  	s30 =	sld [smem:$0x0];
	_ =	sdelay $0x2  }
0xc0: {  	s31 =	sshll.u32 s1, $0xD;
	s1 =	sshrl.u32 s1, $0x2  }
0xc1: {  	s3 =	sand.u32 $0x4000, s31;
	s1 =	sadd.s32 s1, s30  }
0xc2: {  	s0 =	sor.u32 s3, s0;
	s1 =	sshll.u32 s1, $0x11  }
0xc3: {  	s0 =	sor.u32 s1, s0  }
0xc4: {  	s0 =	sadd.s32 $0x8F2B, s0  }
0xc5: {  	[sflag:s0] =	ssyncadd.remote.s32 $0x1  }
0xc6: {  	_ =	sfence.sel $0xFFFF  }
0xc7: {  	[dreg:$0x0] =	wrdreg $0xFFFFFFFF;
	(pc) =	sbr.abs _section_cstart, $3  }
0xc8: {  	[dreg:$0x1] =	wrdreg $0xFFFFFFFF  }
0xc9: {  	_ =	task.clear_ibuf [dreg:s10], $0x2FFFF;
	_ =	strace $0x9FFFFFFF  }
0xca: {  	(tm) =	ssettm $0x7FFFFFFF  }
0xcb: {  	_ =	shalt  }
tec
execute0_lowered:
.L_overlay_start_1:
0x0: {  	(tag) =	ssettag $0x1  }
0x1: {  	s0 =	rddreg [dreg:$0x0]  }
0x2: {  	s1 =	rddreg [dreg:$0x1]  }
0x3: {  	s3 =	rddreg [dreg:$0x2]  }
0x4: {  	s4 =	rddreg [dreg:$0x3]  }
0x5: {  	s5 =	rddreg [dreg:$0x4]  }
0x6: {  	s6 =	rddreg [dreg:$0x5]  }
0x7: {  	s7 =	rddreg [dreg:$0x6]  }
0x8: {  	s2 =	srdreg.scid;
	s10 =	stileid.u32  }
0x9: {  	s8 =	sand.u32 $0x1, s2;
	s9 =	sshrl.u32 s10, $0x3;
	s11 =	sand.u32 $0x7, s10  }
0xa: {  	s2 =	simm.s32 $0x0;
	s17 =	sshll.u32 s8, $0x8;
	s12 =	sshll.u32 s9, $0x7  }
0xb: {  	s18 =	sshll.u32 s11, $0xC;
	[smem:$0x7FF] =	sst s2;
	s21 =	sshll.u32 s9, $0x11  }
0xc: {  	s23 =	sshll.u32 s11, $0xE;
	s15 =	sshll.u32 s9, $0xA;
	s12 =	sor.u32 s17, s12  }
0xd: {  	_ =	strace $0x80000047;
	s22 =	sadd.s32 s21, s7;
	s16 =	sadd.s32 s15, s6  }
0xe: {  	s10 =	sor.u32 s18, s12;
	s7 =	sadd.s32 s23, s22;
	[dreg:$0x18] =	wrdreg s16  }
0xf: {  	s10 =	sshrl.u32 s10, $0x3;
	[dreg:$0xc] =	wrdreg s7;
	s25 =	sadd.s32 $0x80, s7  }
0x10: {  	s13 =	sadd.s32 s10, s0;
	s0 =	sadd.s32 $0x1200, s0;
	[dreg:$0xe] =	wrdreg s25  }
0x11: {  	s1 =	sadd.s32 s1, s10;
	[dreg:$0x8] =	wrdreg s0  }
0x12: {  	s3 =	sadd.s32 s3, s10;
	[dreg:$0xa] =	wrdreg s1  }
0x13: {  	s24 =	sshll.u32 s11, $0xB;
	s4 =	sadd.s32 s4, s10;
	[dreg:$0xb] =	wrdreg s3  }
0x14: {  	s10 =	sadd.s32 s24, s22;
	s20 =	sadd.s32 $0x200, s13;
	[dreg:$0xd] =	wrdreg s4  }
0x15: {  	s1 =	sadd.s32 $0x80, s10;
	[dreg:$0x9] =	wrdreg s20  }
0x16: {  	s26 =	sadd.s32 $0x4000, s10;
	[dreg:$0xf] =	wrdreg s1  }
0x17: {  	s3 =	sadd.s32 $0x4080, s10;
	[dreg:$0x10] =	wrdreg s26  }
0x18: {  	s8 =	ssub.s32 $0x2, s8;
	s4 =	sadd.s32 $0x8000, s10;
	[dreg:$0x11] =	wrdreg s3  }
0x19: {  	s19 =	sshrl.u32 s8, $0x1;
	s7 =	sadd.s32 $0x8080, s10;
	[dreg:$0x12] =	wrdreg s4  }
0x1a: {  	s0 =	ssub.s32 s8, s19;
	s8 =	sadd.s32 $0xC000, s10;
	[dreg:$0x13] =	wrdreg s7  }
0x1b: {  	s13 =	sadd.s32 $0xC080, s10;
	[dreg:$0x14] =	wrdreg s8  }
0x1c: {  	s14 =	sadd.s32 $0x10000, s10;
	[dreg:$0x15] =	wrdreg s13  }
0x1d: {  	s18 =	sadd.s32 $0x14000, s10;
	[dreg:$0x16] =	wrdreg s14  }
0x1e: {  	s21 =	sadd.s32 $0x18000, s10;
	[dreg:$0x19] =	wrdreg s18  }
0x1f: {  	s22 =	sadd.s32 $0x18080, s10;
	[dreg:$0x1e] =	wrdreg s21  }
0x20: {  	s23 =	sadd.s32 $0x1C000, s10;
	[dreg:$0x1f] =	wrdreg s22  }
0x21: {  	s24 =	sadd.s32 $0x1C080, s10;
	[smem:$0x79A] =	sst s23  }
0x22: {  	s25 =	sadd.s32 $0x100, s10;
	[smem:$0x79B] =	sst s24  }
0x23: {  	s6 =	sadd.s32 $0x700, s10;
	[smem:$0x79C] =	sst s25  }
0x24: {  	p0 =	sne.s32 s11, $0x0;
	s9 =	sadd.s32 $0x380, s10;
	[smem:$0x7A2] =	sst s6  }
0x25: {  	s19 =	sshll.u32 s11, $0x7;
	s11 =	sadd.s32 $0x480, s10;
	[smem:$0x7A5] =	sst s9  }
0x26: {  	s17 =	sshrl.u32 s12, $0x3;
	s12 =	sadd.s32 $0x580, s10;
	[smem:$0x7A6] =	sst s11  }
0x27: {  	s15 =	sadd.s32 $0x4100, s10;
	[smem:$0x7A7] =	sst s12  }
0x28: {  	s3 =	sadd.s32 $0x10080, s10;
	[smem:$0x7AA] =	sst s15  }
0x29: {  	s1 =	sadd.s32 s5, s17;
	[dreg:$0x17] =	wrdreg s3  }
0x2a: {  	s20 =	sadd.s32 $0x14080, s10;
	[dreg:$0x1a] =	wrdreg s1  }
0x2b: {  	s0 =	smax.u32 s0, $0x1;
	[dreg:$0x1b] =	wrdreg s20  }
0x2c: {  	s26 =	sadd.s32 $0x200, s10;
	[dreg:$0x1d] =	wrdreg s0  }
0x2d: {  	s4 =	sadd.s32 $0x500, s10;
	[smem:$0x79D] =	sst s26  }
0x2e: {  	s5 =	sadd.s32 $0x600, s10;
	[smem:$0x7A0] =	sst s4  }
0x2f: {  	s7 =	sadd.s32 $0x180, s10;
	[smem:$0x7A1] =	sst s5  }
0x30: {  	s8 =	sadd.s32 $0x280, s10;
	[smem:$0x7A3] =	sst s7  }
0x31: {  	s13 =	sadd.s32 $0x680, s10;
	[smem:$0x7A4] =	sst s8  }
0x32: {  	s14 =	sadd.s32 $0x780, s10;
	[smem:$0x7A8] =	sst s13  }
0x33: {  	s17 =	sadd.s32 $0x4300, s10;
	[smem:$0x7A9] =	sst s14  }
0x34: {  	s18 =	sadd.s32 $0x4400, s10;
	[smem:$0x7AC] =	sst s17  }
0x35: {  	s21 =	sadd.s32 $0x4700, s10;
	[smem:$0x7AD] =	sst s18  }
0x36: {  	s22 =	sadd.s32 $0x4180, s10;
	[smem:$0x7B0] =	sst s21  }
0x37: {  	s23 =	sadd.s32 $0x4280, s10;
	[smem:$0x7B1] =	sst s22  }
0x38: {  	s24 =	sadd.s32 $0x4380, s10;
	[smem:$0x7B2] =	sst s23  }
0x39: {  	s25 =	sadd.s32 $0x4480, s10;
	[smem:$0x7B3] =	sst s24  }
0x3a: {  	s6 =	sadd.s32 $0x8300, s10;
	[smem:$0x7B4] =	sst s25  }
0x3b: {  	s9 =	sadd.s32 $0x8600, s10;
	[smem:$0x7BA] =	sst s6  }
0x3c: {  	s11 =	sadd.s32 $0x8700, s10;
	[smem:$0x7BD] =	sst s9  }
0x3d: {  	s12 =	sadd.s32 $0x8180, s10;
	[smem:$0x7BE] =	sst s11  }
0x3e: {  	s15 =	sadd.s32 $0x8480, s10;
	[smem:$0x7BF] =	sst s12  }
0x3f: {  	s1 =	sadd.s32 s19, s16;
	[smem:$0x7C2] =	sst s15  }
0x40: {  	s3 =	sadd.s32 $0x400, s10;
	[dreg:$0x1c] =	wrdreg s1  }
0x41: {  	s16 =	sadd.s32 $0x4200, s10;
	[smem:$0x79F] =	sst s3  }
0x42: {  	s19 =	sadd.s32 $0x4500, s10;
	[smem:$0x7AB] =	sst s16  }
0x43: {  	s20 =	sadd.s32 $0x4600, s10;
	[smem:$0x7AE] =	sst s19  }
0x44: {  	s26 =	sadd.s32 $0x4580, s10;
	[smem:$0x7AF] =	sst s20  }
0x45: {  	s4 =	sadd.s32 $0x8100, s10;
	[smem:$0x7B5] =	sst s26  }
0x46: {  	s5 =	sadd.s32 $0x8200, s10;
	[smem:$0x7B8] =	sst s4  }
0x47: {  	s7 =	sadd.s32 $0x8400, s10;
	[smem:$0x7B9] =	sst s5  }
0x48: {  	s8 =	sadd.s32 $0x8500, s10;
	[smem:$0x7BB] =	sst s7  }
0x49: {  	s13 =	sadd.s32 $0x8280, s10;
	[smem:$0x7BC] =	sst s8  }
0x4a: {  	s14 =	sadd.s32 $0x8380, s10;
	[smem:$0x7C0] =	sst s13  }
0x4b: {  	s17 =	sadd.s32 $0x8680, s10;
	[smem:$0x7C1] =	sst s14  }
0x4c: {  	s18 =	sadd.s32 $0x8780, s10;
	[smem:$0x7C4] =	sst s17  }
0x4d: {  	s21 =	sadd.s32 $0xC300, s10;
	[smem:$0x7C5] =	sst s18  }
0x4e: {  	s22 =	sadd.s32 $0xC400, s10;
	[smem:$0x7C8] =	sst s21  }
0x4f: {  	s23 =	sadd.s32 $0xC500, s10;
	[smem:$0x7C9] =	sst s22  }
0x50: {  	s24 =	sadd.s32 $0xC600, s10;
	[smem:$0x7CA] =	sst s23  }
0x51: {  	s25 =	sadd.s32 $0xC700, s10;
	[smem:$0x7CB] =	sst s24  }
0x52: {  	s6 =	sadd.s32 $0xC680, s10;
	[smem:$0x7CC] =	sst s25  }
0x53: {  	s9 =	sadd.s32 $0x10200, s10;
	[smem:$0x7D2] =	sst s6  }
0x54: {  	s11 =	sadd.s32 $0x10300, s10;
	[smem:$0x7D5] =	sst s9  }
0x55: {  	s12 =	sadd.s32 $0x10400, s10;
	[smem:$0x7D6] =	sst s11  }
0x56: {  	s15 =	sadd.s32 $0x10700, s10;
	[smem:$0x7D7] =	sst s12  }
0x57: {  	s1 =	sadd.s32 $0x300, s10;
	[smem:$0x7DA] =	sst s15  }
0x58: {  	s3 =	sadd.s32 $0x4780, s10;
	[smem:$0x79E] =	sst s1  }
0x59: {  	s16 =	sadd.s32 $0x8580, s10;
	[smem:$0x7B7] =	sst s3  }
0x5a: {  	s19 =	sadd.s32 $0xC100, s10;
	[smem:$0x7C3] =	sst s16  }
0x5b: {  	s20 =	sadd.s32 $0xC200, s10;
	[smem:$0x7C6] =	sst s19  }
0x5c: {  	s26 =	sadd.s32 $0xC180, s10;
	[smem:$0x7C7] =	sst s20  }
0x5d: {  	s4 =	sadd.s32 $0xC480, s10;
	[smem:$0x7CD] =	sst s26  }
0x5e: {  	s5 =	sadd.s32 $0xC580, s10;
	[smem:$0x7D0] =	sst s4  }
0x5f: {  	s7 =	sadd.s32 $0xC780, s10;
	[smem:$0x7D1] =	sst s5  }
0x60: {  	s8 =	sadd.s32 $0x10100, s10;
	[smem:$0x7D3] =	sst s7  }
0x61: {  	s13 =	sadd.s32 $0x10500, s10;
	[smem:$0x7D4] =	sst s8  }
0x62: {  	s14 =	sadd.s32 $0x10600, s10;
	[smem:$0x7D8] =	sst s13  }
0x63: {  	s17 =	sadd.s32 $0x10280, s10;
	[smem:$0x7D9] =	sst s14  }
0x64: {  	s18 =	sadd.s32 $0x10380, s10;
	[smem:$0x7DC] =	sst s17  }
0x65: {  	s21 =	sadd.s32 $0x10680, s10;
	[smem:$0x7DD] =	sst s18  }
0x66: {  	s22 =	sadd.s32 $0x10780, s10;
	[smem:$0x7E0] =	sst s21  }
0x67: {  	s23 =	sadd.s32 $0x14100, s10;
	[smem:$0x7E1] =	sst s22  }
0x68: {  	s24 =	sadd.s32 $0x14200, s10;
	[smem:$0x7E2] =	sst s23  }
0x69: {  	s25 =	sadd.s32 $0x14300, s10;
	[smem:$0x7E3] =	sst s24  }
0x6a: {  	s6 =	sadd.s32 $0x14280, s10;
	[smem:$0x7E4] =	sst s25  }
0x6b: {  	s9 =	sadd.s32 $0x14580, s10;
	[smem:$0x7EA] =	sst s6  }
0x6c: {  	s11 =	sadd.s32 $0x14680, s10;
	[smem:$0x7ED] =	sst s9  }
0x6d: {  	s12 =	sadd.s32 $0x14780, s10;
	[smem:$0x7EE] =	sst s11  }
0x6e: {  	s15 =	sadd.s32 $0x18300, s10;
	[smem:$0x7EF] =	sst s12  }
0x6f: {  	s1 =	sadd.s32 $0x4680, s10;
	[smem:$0x7F2] =	sst s15  }
0x70: {  	s3 =	sadd.s32 $0xC380, s10;
	[smem:$0x7B6] =	sst s1  }
0x71: {  	s16 =	sadd.s32 $0x10180, s10;
	[smem:$0x7CF] =	sst s3  }
0x72: {  	s19 =	sadd.s32 $0x10480, s10;
	[smem:$0x7DB] =	sst s16  }
0x73: {  	s20 =	sadd.s32 $0x10580, s10;
	[smem:$0x7DE] =	sst s19  }
0x74: {  	s26 =	sadd.s32 $0x14400, s10;
	[smem:$0x7DF] =	sst s20  }
0x75: {  	s4 =	sadd.s32 $0x14700, s10;
	[smem:$0x7E5] =	sst s26  }
0x76: {  	s5 =	sadd.s32 $0x14180, s10;
	[smem:$0x7E8] =	sst s4  }
0x77: {  	s28 =	simm.s32 $0x80;
	s7 =	sadd.s32 $0x14380, s10;
	[smem:$0x7E9] =	sst s5  }
0x78: {  	s29 =	simm.s32 $0x200;
	s8 =	sadd.s32 $0x14480, s10;
	[smem:$0x7EB] =	sst s7  }
0x79: {  	s30 =	simm.s32 $0x1;
	s13 =	sadd.s32 $0x18100, s10;
	[smem:$0x7EC] =	sst s8  }
0x7a: {  	s31 =	simm.s32 $0x1000;
	s14 =	sadd.s32 $0x18200, s10;
	[smem:$0x7F0] =	sst s13  }
0x7b: {  	s0 =	simm.s32 $0x3000;
	s17 =	sadd.s32 $0x18500, s10;
	[smem:$0x7F1] =	sst s14  }
0x7c: {  	s18 =	sadd.s32 $0x18600, s10;
	s21 =	sadd.s32 $0x18280, s10;
	[smem:$0x7F4] =	sst s17  }
0x7d: {  	s22 =	sadd.s32 $0x18380, s10;
	s23 =	sadd.s32 $0x18480, s10;
	[smem:$0x7F5] =	sst s18  }
0x7e: {  	s24 =	sadd.s32 $0x18580, s10;
	s25 =	sadd.s32 $0x18680, s10;
	[smem:$0x7F8] =	sst s21  }
0x7f: {  	s12 =	sadd.s32 $0x1C100, s10;
	s15 =	sadd.s32 $0x1C400, s10;
	[smem:$0x7F9] =	sst s22  }
0x80: {  	s1 =	sadd.s32 $0xC280, s10;
	s3 =	sadd.s32 $0x14600, s10;
	[smem:$0x7FA] =	sst s23  }
0x81: {  	s16 =	sadd.s32 $0x18400, s10;
	s19 =	sadd.s32 $0x18700, s10;
	[smem:$0x7FB] =	sst s24  }
0x82: {  	s20 =	sadd.s32 $0x18180, s10;
	[smem:$0x7FC] =	sst s25;
	s26 =	sadd.s32 $0x18780, s10  }
0x83: {  	s13 =	sadd.s32 $0x1C200, s10;
	s14 =	sadd.s32 $0x1C300, s10;
	[smem:$0x7CE] =	sst s1  }
0x84: {  	s7 =	sadd.s32 $0x1C600, s10;
	s17 =	sadd.s32 $0x1C700, s10;
	[smem:$0x7E7] =	sst s3  }
0x85: {  	s18 =	sadd.s32 $0x1C180, s10;
	s21 =	sadd.s32 $0x1C380, s10;
	[smem:$0x7F3] =	sst s16  }
.Ltmp0:
0x86: {  	s23 =	sadd.s32 $0x1C480, s10;
	[smem:$0x7F6] =	sst s19;
	(pc) =	sbr.rel .LBB2_1-.Ltmp0, $4  }
0x87: {  	s24 =	sadd.s32 $0x1C580, s10;
	s25 =	sadd.s32 $0x1C680, s10;
	[smem:$0x7F7] =	sst s20  }
0x88: {  	s22 =	simm.s32 $0x2;
	s1 =	sadd.s32 $0x14500, s10;
	[smem:$0x7FD] =	sst s26  }
0x89: {  	s16 =	sadd.s32 $0x1C500, s10;
	s19 =	sadd.s32 $0x1C280, s10;
	s26 =	sadd.s32 $0x1C780, s10  }
0x8a: {  	v11 =	vimm.f32 $0.0e+00;
	v0 =	vimm.f32 $1.000000000e+00;
	vm0 =	vcmask $0x3F04;
	s20 =	simm.s32 $0x0;
	[smem:$0x7E6] =	sst s1;
	s1 =	simm.s32 $0x100  }
.LBB2_8:
0x8b: {  	s20 =	sadd.s32 $0x1, s20;
	s3 =	rddreg [dreg:$0x1d]  }
0x8c: {  	p1 =	sne.s32 s20, s3  }
.Ltmp1:
0x8d: {  	_ = 	snop;
	(pc) =	sbr.rel @!p1 .LBB2_9-.Ltmp1, $2  }
0x8e: {  	_ =	sdelay $0x2  }
0x8f: {  	v0 =	vimm.f32 $1.000000000e+00  }
.LBB2_1:
0x90: {  	s3 =	rddreg [dreg:$0x9]  }
0x91: {  	[tilespmem:s2], [sflag:$0x1] =	stream.strided.gather [hbm4b:s3+s28], $0x400, s29, s28, $0x38;
	[tilespmem:$0xD600] =	vst v63  }
0x92: {  	s8 =	rddreg [dreg:$0xa];
	s4 =	simm.s32 $0x400  }
0x93: {  	[tilespmem:s4], [sflag:$0x1] =	stream.strided.gather [hbm4b:s8+s28], $0x400, s29, s28, $0x38;
	[tilespmem:$0xD600] =	vst v63  }
0x94: {  	s9 =	rddreg [dreg:$0xb];
	s11 =	simm.s32 $0x800  }
0x95: {  	[tilespmem:s11], [sflag:$0x1] =	stream.strided.gather [hbm4b:s9+s28], $0x400, s29, s28, $0x38;
	[tilespmem:$0xD600] =	vst v63  }
0x96: {  	s5 =	rddreg [dreg:$0xd];
	s6 =	simm.s32 $0xC00  }
0x97: {  	[tilespmem:s6], [sflag:$0x1] =	stream.strided.gather [hbm4b:s5+s28], $0x400, s29, s28, $0x38;
	[tilespmem:$0xD600] =	vst v63  }
0x98: {  	s8 =	rddreg [dreg:$0x8];
	s9 =	simm.s32 $0x9480  }
0x99: {  	[tilespmem:s9], [sflag:$0x1] =	stream.linear.gather [hbm4b:s8+s2], $0x80, $0x38;
	[tilespmem:$0xD600] =	vst v63  }
0x9a: {  	_ =	swait.ge [sflag:s30], $0x400  }
0x9b: {  	[sflag:s30] =	ssyncset.done $0x0  }
0x9c: {  	[sflag:s30] =	ssyncadd.s32 $0xFFFFFC00  }
0x9d: {  	_ =	swait.ge [sflag:s30], $0x400  }
0x9e: {  	[sflag:s30] =	ssyncset.done $0x0  }
0x9f: {  	[sflag:s30] =	ssyncadd.s32 $0xFFFFFC00  }
0xa0: {  	_ =	swait.ge [sflag:s30], $0x400  }
0xa1: {  	[sflag:s30] =	ssyncset.done $0x0  }
0xa2: {  	[sflag:s30] =	ssyncadd.s32 $0xFFFFFC00  }
0xa3: {  	_ =	swait.ge [sflag:s30], $0x400  }
0xa4: {  	[sflag:s30] =	ssyncset.done $0x0  }
0xa5: {  	[sflag:s30] =	ssyncadd.s32 $0xFFFFFC00  }
0xa6: {  	_ =	swait.ge [sflag:s30], $0x80  }
0xa7: {  	[sflag:s30] =	ssyncset.done $0x0  }
0xa8: {  	s11 =	simm.s32 $0x1040;
	[sflag:s30] =	ssyncadd.s32 $0xFFFFFF80  }
0xa9: {  	s8 =	simm.s32 $0x3040;
	[tilespmem:s11+$0xFFFFFFC0] =	vst v11  }
0xaa: {  	[tilespmem:s8+$0xFFFFFFC0] =	vst v11  }
0xab: {  	[tilespmem:s11+$0xFFFFFFD0] =	vst v11  }
0xac: {  	[tilespmem:s8+$0xFFFFFFD0] =	vst v11  }
0xad: {  	[tilespmem:s11+$0xFFFFFFE0] =	vst v11  }
0xae: {  	[tilespmem:s8+$0xFFFFFFE0] =	vst v11  }
0xaf: {  	[tilespmem:s11+$0xFFFFFFF0] =	vst v11  }
0xb0: {  	[tilespmem:s8+$0xFFFFFFF0] =	vst v11  }
0xb1: {  	[tilespmem:s11+$0x0] =	vst v11  }
0xb2: {  	[tilespmem:s8+$0x0] =	vst v11  }
0xb3: {  	[tilespmem:s11+$0x10] =	vst v11  }
0xb4: {  	[tilespmem:s8+$0x10] =	vst v11  }
0xb5: {  	[tilespmem:s11+$0x20] =	vst v11  }
0xb6: {  	[tilespmem:s8+$0x20] =	vst v11  }
0xb7: {  	s3 =	simm.s32 $0xFFFFFFF8;
	s4 =	simm.s32 $0x840;
	s5 =	simm.s32 $0x40;
	[tilespmem:s11+$0x30] =	vst v11  }
0xb8: {  	s6 =	simm.s32 $0x440;
	s9 =	simm.s32 $0x0;
	s11 =	simm.s32 $0x10C0;
	[tilespmem:s8+$0x30] =	vst v11  }
.LBB2_2:
0xb9: {  	[tilespmem:s11+$0xFFFFFFC0] =	vst v11;
	s8 =	sadd.s32 $0x80, s8  }
0xba: {  	[tilespmem:s8+$0xFFFFFFC0] =	vst v11  }
0xbb: {  	[tilespmem:s11+$0xFFFFFFD0] =	vst v11  }
0xbc: {  	[tilespmem:s8+$0xFFFFFFD0] =	vst v11  }
0xbd: {  	[tilespmem:s11+$0xFFFFFFE0] =	vst v11  }
0xbe: {  	[tilespmem:s8+$0xFFFFFFE0] =	vst v11  }
0xbf: {  	[tilespmem:s11+$0xFFFFFFF0] =	vst v11  }
0xc0: {  	[tilespmem:s8+$0xFFFFFFF0] =	vst v11  }
0xc1: {  	[tilespmem:s11+$0x0] =	vst v11  }
0xc2: {  	s9 =	sadd.s32 $0x8, s9;
	[tilespmem:s8+$0x0] =	vst v11  }
0xc3: {  	p1 =	slt.u32 s9, $0x1F8;
	[tilespmem:s11+$0x10] =	vst v11  }
.Ltmp2:
0xc4: {  	[tilespmem:s8+$0x10] =	vst v11;
	(pc) =	sbr.rel @p1 .LBB2_2-.Ltmp2, $4  }
0xc5: {  	[tilespmem:s11+$0x20] =	vst v11  }
0xc6: {  	[tilespmem:s8+$0x20] =	vst v11  }
0xc7: {  	[tilespmem:s11+$0x30] =	vst v11  }
0xc8: {  	s11 =	sadd.s32 $0x80, s11;
	[tilespmem:s8+$0x30] =	vst v11  }
.LBB2_3:
0xc9: {  	v3 =	vld [tilespmem:s6+$0xFFFFFFC0]  }
0xca: {  	v4 =	vld [tilespmem:s4+$0xFFFFFFC0];
	_ =	sdelay $0x3  }
0xcb: {  	v3 =	vshll.u32 v3, $0x5  }
0xcc: {  	v5 =	vld [tilespmem:s5+$0xFFFFFFC0];
	v3 =	vadd.s32 v3, v4;
	_ =	sdelay $0x4  }
0xcd: {  	[tilespmem:v3+s31+$0x0] =	vst.idx.add.f32.msk $0xffff, v5  }
0xce: {  	[tilespmem:v3+s0+$0x0] =	vst.idx.add.f32.msk $0xffff, v0  }
0xcf: {  	v3 =	vld [tilespmem:s6+$0xFFFFFFD0]  }
0xd0: {  	v57 =	vld [tilespmem:s4+$0xFFFFFFD0];
	_ =	sdelay $0x3  }
0xd1: {  	v3 =	vshll.u32 v3, $0x5  }
0xd2: {  	v5 =	vld [tilespmem:s5+$0xFFFFFFD0];
	v3 =	vadd.s32 v3, v57;
	_ =	sdelay $0x4  }
0xd3: {  	[tilespmem:v3+s31+$0x0] =	vst.idx.add.f32.msk $0xffff, v5  }
0xd4: {  	[tilespmem:v3+s0+$0x0] =	vst.idx.add.f32.msk $0xffff, v0  }
0xd5: {  	v3 =	vld [tilespmem:s6+$0xFFFFFFE0]  }
0xd6: {  	v58 =	vld [tilespmem:s4+$0xFFFFFFE0];
	_ =	sdelay $0x3  }
0xd7: {  	v3 =	vshll.u32 v3, $0x5  }
0xd8: {  	v5 =	vld [tilespmem:s5+$0xFFFFFFE0];
	v3 =	vadd.s32 v3, v58;
	_ =	sdelay $0x4  }
0xd9: {  	[tilespmem:v3+s31+$0x0] =	vst.idx.add.f32.msk $0xffff, v5  }
0xda: {  	[tilespmem:v3+s0+$0x0] =	vst.idx.add.f32.msk $0xffff, v0  }
0xdb: {  	v3 =	vld [tilespmem:s6+$0xFFFFFFF0]  }
0xdc: {  	v59 =	vld [tilespmem:s4+$0xFFFFFFF0];
	_ =	sdelay $0x3  }
0xdd: {  	v3 =	vshll.u32 v3, $0x5  }
0xde: {  	v5 =	vld [tilespmem:s5+$0xFFFFFFF0];
	v3 =	vadd.s32 v3, v59;
	_ =	sdelay $0x4  }
0xdf: {  	[tilespmem:v3+s31+$0x0] =	vst.idx.add.f32.msk $0xffff, v5  }
0xe0: {  	[tilespmem:v3+s0+$0x0] =	vst.idx.add.f32.msk $0xffff, v0  }
0xe1: {  	v3 =	vld [tilespmem:s6+$0x0]  }
0xe2: {  	v60 =	vld [tilespmem:s4+$0x0];
	_ =	sdelay $0x3  }
0xe3: {  	v3 =	vshll.u32 v3, $0x5  }
0xe4: {  	v5 =	vld [tilespmem:s5+$0x0];
	v3 =	vadd.s32 v3, v60;
	_ =	sdelay $0x4  }
0xe5: {  	[tilespmem:v3+s31+$0x0] =	vst.idx.add.f32.msk $0xffff, v5  }
0xe6: {  	[tilespmem:v3+s0+$0x0] =	vst.idx.add.f32.msk $0xffff, v0  }
0xe7: {  	v3 =	vld [tilespmem:s6+$0x10]  }
0xe8: {  	v61 =	vld [tilespmem:s4+$0x10];
	_ =	sdelay $0x3  }
0xe9: {  	v3 =	vshll.u32 v3, $0x5  }
0xea: {  	v5 =	vld [tilespmem:s5+$0x10];
	v3 =	vadd.s32 v3, v61;
	_ =	sdelay $0x4  }
0xeb: {  	[tilespmem:v3+s31+$0x0] =	vst.idx.add.f32.msk $0xffff, v5  }
0xec: {  	[tilespmem:v3+s0+$0x0] =	vst.idx.add.f32.msk $0xffff, v0  }
0xed: {  	v3 =	vld [tilespmem:s6+$0x20]  }
0xee: {  	v62 =	vld [tilespmem:s4+$0x20];
	_ =	sdelay $0x3  }
0xef: {  	v3 =	vshll.u32 v3, $0x5  }
0xf0: {  	v5 =	vld [tilespmem:s5+$0x20];
	v3 =	vadd.s32 v3, v62;
	_ =	sdelay $0x4  }
0xf1: {  	[tilespmem:v3+s31+$0x0] =	vst.idx.add.f32.msk $0xffff, v5  }
0xf2: {  	[tilespmem:v3+s0+$0x0] =	vst.idx.add.f32.msk $0xffff, v0  }
0xf3: {  	v3 =	vld [tilespmem:s6+$0x30]  }
0xf4: {  	v63 =	vld [tilespmem:s4+$0x30];
	_ =	sdelay $0x3  }
0xf5: {  	v3 =	vshll.u32 v3, $0x5  }
0xf6: {  	s3 =	sadd.s32 $0x8, s3;
	v5 =	vld [tilespmem:s5+$0x30];
	v3 =	vadd.s32 v3, v63  }
0xf7: {  	p1 =	slt.u32 s3, $0x38  }
.Ltmp3:
0xf8: {  	_ = 	snop;
	(pc) =	sbr.rel @p1 .LBB2_3-.Ltmp3, $3  }
0xf9: {  	_ =	sdelay $0x1  }
0xfa: {  	[tilespmem:v3+s31+$0x0] =	vst.idx.add.f32.msk $0xffff, v5  }
0xfb: {  	s6 =	sadd.s32 $0x80, s6;
	s4 =	sadd.s32 $0x80, s4;
	s5 =	sadd.s32 $0x80, s5;
	[tilespmem:v3+s0+$0x0] =	vst.idx.add.f32.msk $0xffff, v0  }
0xfc: {  	s3 =	rddreg [dreg:$0xc]  }
0xfd: {  	[spmem:s3] =	stream.strided.scatter [tilespmem:s31], [sflag:$0x1], $0x2000, s1, s28, $0x38;
	[tilespmem:$0xD600] =	vst v63  }
0xfe: {  	s11 =	rddreg [dreg:$0xe]  }
0xff: {  	[spmem:s11] =	stream.strided.scatter [tilespmem:s0], [sflag:$0x1], $0x2000, s1, s28, $0x38;
	[tilespmem:$0xD600] =	vst v63  }
0x100: {  	_ =	swait.ge [sflag:s30], $0x2000  }
0x101: {  	[sflag:s30] =	ssyncset.done $0x0  }
0x102: {  	[sflag:s30] =	ssyncadd.s32 $0xFFFFE000  }
0x103: {  	_ =	swait.ge [sflag:s30], $0x2000  }
0x104: {  	[sflag:s30] =	ssyncset.done $0x0  }
0x105: {  	[sflag:s30] =	ssyncadd.s32 $0xFFFFE000  }
0x106: {  	[bflag:$0x0] =	sbarrier.arrive $0xFFFF  }
0x107: {  	s4 =	simm.s32 $0x5000;
	s5 =	sld [smem:$0x79C]  }
0x108: {  	[tilespmem:s4], [sflag:$0x1] =	stream.linear.gather [spmem:s10], $0x80, $0x38;
	[tilespmem:$0xD600] =	vst v63  }
0x109: {  	s4 =	simm.s32 $0x5400;
	s6 =	sld [smem:$0x79D]  }
0x10a: {  	[tilespmem:s4], [sflag:$0x1] =	stream.linear.gather [spmem:s5], $0x80, $0x38;
	[tilespmem:$0xD600] =	vst v63  }
0x10b: {  	s8 =	simm.s32 $0x5800;
	s9 =	sld [smem:$0x79E]  }
0x10c: {  	[tilespmem:s8], [sflag:$0x1] =	stream.linear.gather [spmem:s6], $0x80, $0x38;
	[tilespmem:$0xD600] =	vst v63  }
0x10d: {  	s11 =	simm.s32 $0x5C00;
	s4 =	sld [smem:$0x79F]  }
0x10e: {  	[tilespmem:s11], [sflag:$0x1] =	stream.linear.gather [spmem:s9], $0x80, $0x38;
	[tilespmem:$0xD600] =	vst v63  }
0x10f: {  	s5 =	simm.s32 $0x6000;
	s6 =	sld [smem:$0x7A0]  }
0x110: {  	[tilespmem:s5], [sflag:$0x1] =	stream.linear.gather [spmem:s4], $0x80, $0x38;
	[tilespmem:$0xD600] =	vst v63  }
0x111: {  	s8 =	simm.s32 $0x6400;
	s9 =	sld [smem:$0x7A1]  }
0x112: {  	[tilespmem:s8], [sflag:$0x1] =	stream.linear.gather [spmem:s6], $0x80, $0x38;
	[tilespmem:$0xD600] =	vst v63  }
0x113: {  	s11 =	simm.s32 $0x6800;
	s4 =	sld [smem:$0x7A2]  }
0x114: {  	[tilespmem:s11], [sflag:$0x1] =	stream.linear.gather [spmem:s9], $0x80, $0x38;
	[tilespmem:$0xD600] =	vst v63  }
0x115: {  	s5 =	simm.s32 $0x6C00;
	s6 =	rddreg [dreg:$0xf]  }
0x116: {  	[tilespmem:s5], [sflag:$0x1] =	stream.linear.gather [spmem:s4], $0x80, $0x38;
	[tilespmem:$0xD600] =	vst v63  }
0x117: {  	s8 =	simm.s32 $0x7000;
	s9 =	sld [smem:$0x7A3]  }
0x118: {  	[tilespmem:s8], [sflag:$0x1] =	stream.linear.gather [spmem:s6], $0x80, $0x38;
	[tilespmem:$0xD600] =	vst v63  }
0x119: {  	s11 =	simm.s32 $0x7400;
	s4 =	sld [smem:$0x7A4]  }
0x11a: {  	[tilespmem:s11], [sflag:$0x1] =	stream.linear.gather [spmem:s9], $0x80, $0x38;
	[tilespmem:$0xD600] =	vst v63  }
0x11b: {  	s5 =	simm.s32 $0x7800;
	s6 =	sld [smem:$0x7A5]  }
0x11c: {  	[tilespmem:s5], [sflag:$0x1] =	stream.linear.gather [spmem:s4], $0x80, $0x38;
	[tilespmem:$0xD600] =	vst v63  }
0x11d: {  	s8 =	simm.s32 $0x7C00;
	s9 =	sld [smem:$0x7A6]  }
0x11e: {  	[tilespmem:s8], [sflag:$0x1] =	stream.linear.gather [spmem:s6], $0x80, $0x38;
	[tilespmem:$0xD600] =	vst v63  }
0x11f: {  	s11 =	simm.s32 $0x8000;
	s4 =	sld [smem:$0x7A7]  }
0x120: {  	[tilespmem:s11], [sflag:$0x1] =	stream.linear.gather [spmem:s9], $0x80, $0x38;
	[tilespmem:$0xD600] =	vst v63  }
0x121: {  	s5 =	simm.s32 $0x8400;
	s6 =	sld [smem:$0x7A8]  }
0x122: {  	[tilespmem:s5], [sflag:$0x1] =	stream.linear.gather [spmem:s4], $0x80, $0x38;
	[tilespmem:$0xD600] =	vst v63  }
0x123: {  	s8 =	simm.s32 $0x8800;
	s9 =	sld [smem:$0x7A9]  }
0x124: {  	[tilespmem:s8], [sflag:$0x1] =	stream.linear.gather [spmem:s6], $0x80, $0x38;
	[tilespmem:$0xD600] =	vst v63  }
0x125: {  	s11 =	simm.s32 $0x8C00;
	s4 =	rddreg [dreg:$0x10]  }
0x126: {  	[tilespmem:s11], [sflag:$0x1] =	stream.linear.gather [spmem:s9], $0x80, $0x38;
	[tilespmem:$0xD600] =	vst v63  }
0x127: {  	s5 =	simm.s32 $0x5080;
	s6 =	sld [smem:$0x7AA]  }
0x128: {  	[tilespmem:s5], [sflag:$0x1] =	stream.linear.gather [spmem:s4], $0x80, $0x38;
	[tilespmem:$0xD600] =	vst v63  }
0x129: {  	s8 =	simm.s32 $0x5480;
	s9 =	sld [smem:$0x7AB]  }
0x12a: {  	[tilespmem:s8], [sflag:$0x1] =	stream.linear.gather [spmem:s6], $0x80, $0x38;
	[tilespmem:$0xD600] =	vst v63  }
0x12b: {  	s11 =	simm.s32 $0x5880;
	s4 =	sld [smem:$0x7AC]  }
0x12c: {  	[tilespmem:s11], [sflag:$0x1] =	stream.linear.gather [spmem:s9], $0x80, $0x38;
	[tilespmem:$0xD600] =	vst v63  }
0x12d: {  	s5 =	simm.s32 $0x5C80;
	s6 =	sld [smem:$0x7AD]  }
0x12e: {  	[tilespmem:s5], [sflag:$0x1] =	stream.linear.gather [spmem:s4], $0x80, $0x38;
	[tilespmem:$0xD600] =	vst v63  }
0x12f: {  	s8 =	simm.s32 $0x6080;
	s9 =	sld [smem:$0x7AE]  }
0x130: {  	[tilespmem:s8], [sflag:$0x1] =	stream.linear.gather [spmem:s6], $0x80, $0x38;
	[tilespmem:$0xD600] =	vst v63  }
0x131: {  	s11 =	simm.s32 $0x6480;
	s4 =	sld [smem:$0x7AF]  }
0x132: {  	[tilespmem:s11], [sflag:$0x1] =	stream.linear.gather [spmem:s9], $0x80, $0x38;
	[tilespmem:$0xD600] =	vst v63  }
0x133: {  	s5 =	simm.s32 $0x6880;
	s6 =	sld [smem:$0x7B0]  }
0x134: {  	[tilespmem:s5], [sflag:$0x1] =	stream.linear.gather [spmem:s4], $0x80, $0x38;
	[tilespmem:$0xD600] =	vst v63  }
0x135: {  	s8 =	simm.s32 $0x6C80;
	s9 =	rddreg [dreg:$0x11]  }
0x136: {  	[tilespmem:s8], [sflag:$0x1] =	stream.linear.gather [spmem:s6], $0x80, $0x38;
	[tilespmem:$0xD600] =	vst v63  }
0x137: {  	s11 =	simm.s32 $0x7080;
	s4 =	sld [smem:$0x7B1]  }
0x138: {  	[tilespmem:s11], [sflag:$0x1] =	stream.linear.gather [spmem:s9], $0x80, $0x38;
	[tilespmem:$0xD600] =	vst v63  }
0x139: {  	s5 =	simm.s32 $0x7480;
	s6 =	sld [smem:$0x7B2]  }
0x13a: {  	[tilespmem:s5], [sflag:$0x1] =	stream.linear.gather [spmem:s4], $0x80, $0x38;
	[tilespmem:$0xD600] =	vst v63  }
0x13b: {  	s8 =	simm.s32 $0x7880;
	s9 =	sld [smem:$0x7B3]  }
0x13c: {  	[tilespmem:s8], [sflag:$0x1] =	stream.linear.gather [spmem:s6], $0x80, $0x38;
	[tilespmem:$0xD600] =	vst v63  }
0x13d: {  	s11 =	simm.s32 $0x7C80;
	s4 =	sld [smem:$0x7B4]  }
0x13e: {  	[tilespmem:s11], [sflag:$0x1] =	stream.linear.gather [spmem:s9], $0x80, $0x38;
	[tilespmem:$0xD600] =	vst v63  }
0x13f: {  	s5 =	simm.s32 $0x8080;
	s6 =	sld [smem:$0x7B5]  }
0x140: {  	[tilespmem:s5], [sflag:$0x1] =	stream.linear.gather [spmem:s4], $0x80, $0x38;
	[tilespmem:$0xD600] =	vst v63  }
0x141: {  	s8 =	simm.s32 $0x8480;
	s9 =	sld [smem:$0x7B6]  }
0x142: {  	[tilespmem:s8], [sflag:$0x1] =	stream.linear.gather [spmem:s6], $0x80, $0x38;
	[tilespmem:$0xD600] =	vst v63  }
0x143: {  	s11 =	simm.s32 $0x8880;
	s4 =	sld [smem:$0x7B7]  }
0x144: {  	[tilespmem:s11], [sflag:$0x1] =	stream.linear.gather [spmem:s9], $0x80, $0x38;
	[tilespmem:$0xD600] =	vst v63  }
0x145: {  	s5 =	simm.s32 $0x8C80;
	s6 =	rddreg [dreg:$0x12]  }
0x146: {  	[tilespmem:s5], [sflag:$0x1] =	stream.linear.gather [spmem:s4], $0x80, $0x38;
	[tilespmem:$0xD600] =	vst v63  }
0x147: {  	s8 =	simm.s32 $0x5100;
	s9 =	sld [smem:$0x7B8]  }
0x148: {  	[tilespmem:s8], [sflag:$0x1] =	stream.linear.gather [spmem:s6], $0x80, $0x38;
	[tilespmem:$0xD600] =	vst v63  }
0x149: {  	s11 =	simm.s32 $0x5500;
	s4 =	sld [smem:$0x7B9]  }
0x14a: {  	[tilespmem:s11], [sflag:$0x1] =	stream.linear.gather [spmem:s9], $0x80, $0x38;
	[tilespmem:$0xD600] =	vst v63  }
0x14b: {  	s5 =	simm.s32 $0x5900;
	s6 =	sld [smem:$0x7BA]  }
0x14c: {  	[tilespmem:s5], [sflag:$0x1] =	stream.linear.gather [spmem:s4], $0x80, $0x38;
	[tilespmem:$0xD600] =	vst v63  }
0x14d: {  	s8 =	simm.s32 $0x5D00;
	s9 =	sld [smem:$0x7BB]  }
0x14e: {  	[tilespmem:s8], [sflag:$0x1] =	stream.linear.gather [spmem:s6], $0x80, $0x38;
	[tilespmem:$0xD600] =	vst v63  }
0x14f: {  	s11 =	simm.s32 $0x6100;
	s4 =	sld [smem:$0x7BC]  }
0x150: {  	[tilespmem:s11], [sflag:$0x1] =	stream.linear.gather [spmem:s9], $0x80, $0x38;
	[tilespmem:$0xD600] =	vst v63  }
0x151: {  	s5 =	simm.s32 $0x6500;
	s6 =	sld [smem:$0x7BD]  }
0x152: {  	[tilespmem:s5], [sflag:$0x1] =	stream.linear.gather [spmem:s4], $0x80, $0x38;
	[tilespmem:$0xD600] =	vst v63  }
0x153: {  	s8 =	simm.s32 $0x6900;
	s9 =	sld [smem:$0x7BE]  }
0x154: {  	[tilespmem:s8], [sflag:$0x1] =	stream.linear.gather [spmem:s6], $0x80, $0x38;
	[tilespmem:$0xD600] =	vst v63  }
0x155: {  	s11 =	simm.s32 $0x6D00;
	s4 =	rddreg [dreg:$0x13]  }
0x156: {  	[tilespmem:s11], [sflag:$0x1] =	stream.linear.gather [spmem:s9], $0x80, $0x38;
	[tilespmem:$0xD600] =	vst v63  }
0x157: {  	s5 =	simm.s32 $0x7100;
	s6 =	sld [smem:$0x7BF]  }
0x158: {  	[tilespmem:s5], [sflag:$0x1] =	stream.linear.gather [spmem:s4], $0x80, $0x38;
	[tilespmem:$0xD600] =	vst v63  }
0x159: {  	s8 =	simm.s32 $0x7500;
	s9 =	sld [smem:$0x7C0]  }
0x15a: {  	[tilespmem:s8], [sflag:$0x1] =	stream.linear.gather [spmem:s6], $0x80, $0x38;
	[tilespmem:$0xD600] =	vst v63  }
0x15b: {  	s11 =	simm.s32 $0x7900;
	s4 =	sld [smem:$0x7C1]  }
0x15c: {  	[tilespmem:s11], [sflag:$0x1] =	stream.linear.gather [spmem:s9], $0x80, $0x38;
	[tilespmem:$0xD600] =	vst v63  }
0x15d: {  	s5 =	simm.s32 $0x7D00;
	s6 =	sld [smem:$0x7C2]  }
0x15e: {  	[tilespmem:s5], [sflag:$0x1] =	stream.linear.gather [spmem:s4], $0x80, $0x38;
	[tilespmem:$0xD600] =	vst v63  }
0x15f: {  	s8 =	simm.s32 $0x8100;
	s9 =	sld [smem:$0x7C3]  }
0x160: {  	[tilespmem:s8], [sflag:$0x1] =	stream.linear.gather [spmem:s6], $0x80, $0x38;
	[tilespmem:$0xD600] =	vst v63  }
0x161: {  	s11 =	simm.s32 $0x8500;
	s4 =	sld [smem:$0x7C4]  }
0x162: {  	[tilespmem:s11], [sflag:$0x1] =	stream.linear.gather [spmem:s9], $0x80, $0x38;
	[tilespmem:$0xD600] =	vst v63  }
0x163: {  	s5 =	simm.s32 $0x8900;
	s6 =	sld [smem:$0x7C5]  }
0x164: {  	[tilespmem:s5], [sflag:$0x1] =	stream.linear.gather [spmem:s4], $0x80, $0x38;
	[tilespmem:$0xD600] =	vst v63  }
0x165: {  	s8 =	simm.s32 $0x8D00;
	s9 =	rddreg [dreg:$0x14]  }
0x166: {  	[tilespmem:s8], [sflag:$0x1] =	stream.linear.gather [spmem:s6], $0x80, $0x38;
	[tilespmem:$0xD600] =	vst v63  }
0x167: {  	s11 =	simm.s32 $0x5180;
	s4 =	sld [smem:$0x7C6]  }
0x168: {  	[tilespmem:s11], [sflag:$0x1] =	stream.linear.gather [spmem:s9], $0x80, $0x38;
	[tilespmem:$0xD600] =	vst v63  }
0x169: {  	s5 =	simm.s32 $0x5580;
	s6 =	sld [smem:$0x7C7]  }
0x16a: {  	[tilespmem:s5], [sflag:$0x1] =	stream.linear.gather [spmem:s4], $0x80, $0x38;
	[tilespmem:$0xD600] =	vst v63  }
0x16b: {  	s8 =	simm.s32 $0x5980;
	s9 =	sld [smem:$0x7C8]  }
0x16c: {  	[tilespmem:s8], [sflag:$0x1] =	stream.linear.gather [spmem:s6], $0x80, $0x38;
	[tilespmem:$0xD600] =	vst v63  }
0x16d: {  	s11 =	simm.s32 $0x5D80;
	s4 =	sld [smem:$0x7C9]  }
0x16e: {  	[tilespmem:s11], [sflag:$0x1] =	stream.linear.gather [spmem:s9], $0x80, $0x38;
	[tilespmem:$0xD600] =	vst v63  }
0x16f: {  	s5 =	simm.s32 $0x6180;
	s6 =	sld [smem:$0x7CA]  }
0x170: {  	[tilespmem:s5], [sflag:$0x1] =	stream.linear.gather [spmem:s4], $0x80, $0x38;
	[tilespmem:$0xD600] =	vst v63  }
0x171: {  	s8 =	simm.s32 $0x6580;
	s9 =	sld [smem:$0x7CB]  }
0x172: {  	[tilespmem:s8], [sflag:$0x1] =	stream.linear.gather [spmem:s6], $0x80, $0x38;
	[tilespmem:$0xD600] =	vst v63  }
0x173: {  	s11 =	simm.s32 $0x6980;
	s4 =	sld [smem:$0x7CC]  }
0x174: {  	[tilespmem:s11], [sflag:$0x1] =	stream.linear.gather [spmem:s9], $0x80, $0x38;
	[tilespmem:$0xD600] =	vst v63  }
0x175: {  	s5 =	simm.s32 $0x6D80;
	s6 =	rddreg [dreg:$0x15]  }
0x176: {  	[tilespmem:s5], [sflag:$0x1] =	stream.linear.gather [spmem:s4], $0x80, $0x38;
	[tilespmem:$0xD600] =	vst v63  }
0x177: {  	s8 =	simm.s32 $0x7180;
	s9 =	sld [smem:$0x7CD]  }
0x178: {  	[tilespmem:s8], [sflag:$0x1] =	stream.linear.gather [spmem:s6], $0x80, $0x38;
	[tilespmem:$0xD600] =	vst v63  }
0x179: {  	s11 =	simm.s32 $0x7580;
	s4 =	sld [smem:$0x7CE]  }
0x17a: {  	[tilespmem:s11], [sflag:$0x1] =	stream.linear.gather [spmem:s9], $0x80, $0x38;
	[tilespmem:$0xD600] =	vst v63  }
0x17b: {  	s5 =	simm.s32 $0x7980;
	s6 =	sld [smem:$0x7CF]  }
0x17c: {  	[tilespmem:s5], [sflag:$0x1] =	stream.linear.gather [spmem:s4], $0x80, $0x38;
	[tilespmem:$0xD600] =	vst v63  }
0x17d: {  	s8 =	simm.s32 $0x7D80;
	s9 =	sld [smem:$0x7D0]  }
0x17e: {  	[tilespmem:s8], [sflag:$0x1] =	stream.linear.gather [spmem:s6], $0x80, $0x38;
	[tilespmem:$0xD600] =	vst v63  }
0x17f: {  	s11 =	simm.s32 $0x8180;
	s4 =	sld [smem:$0x7D1]  }
0x180: {  	[tilespmem:s11], [sflag:$0x1] =	stream.linear.gather [spmem:s9], $0x80, $0x38;
	[tilespmem:$0xD600] =	vst v63  }
0x181: {  	s5 =	simm.s32 $0x8580;
	s6 =	sld [smem:$0x7D2]  }
0x182: {  	[tilespmem:s5], [sflag:$0x1] =	stream.linear.gather [spmem:s4], $0x80, $0x38;
	[tilespmem:$0xD600] =	vst v63  }
0x183: {  	s8 =	simm.s32 $0x8980;
	s9 =	sld [smem:$0x7D3]  }
0x184: {  	[tilespmem:s8], [sflag:$0x1] =	stream.linear.gather [spmem:s6], $0x80, $0x38;
	[tilespmem:$0xD600] =	vst v63  }
0x185: {  	s11 =	simm.s32 $0x8D80;
	s4 =	rddreg [dreg:$0x16]  }
0x186: {  	[tilespmem:s11], [sflag:$0x1] =	stream.linear.gather [spmem:s9], $0x80, $0x38;
	[tilespmem:$0xD600] =	vst v63  }
0x187: {  	s5 =	simm.s32 $0x5200;
	s6 =	sld [smem:$0x7D4]  }
0x188: {  	[tilespmem:s5], [sflag:$0x1] =	stream.linear.gather [spmem:s4], $0x80, $0x38;
	[tilespmem:$0xD600] =	vst v63  }
0x189: {  	s8 =	simm.s32 $0x5600;
	s9 =	sld [smem:$0x7D5]  }
0x18a: {  	[tilespmem:s8], [sflag:$0x1] =	stream.linear.gather [spmem:s6], $0x80, $0x38;
	[tilespmem:$0xD600] =	vst v63  }
0x18b: {  	s11 =	simm.s32 $0x5A00;
	s6 =	sld [smem:$0x7D6]  }
0x18c: {  	[tilespmem:s11], [sflag:$0x1] =	stream.linear.gather [spmem:s9], $0x80, $0x38;
	[tilespmem:$0xD600] =	vst v63  }
0x18d: {  	s8 =	simm.s32 $0x5E00;
	s9 =	sld [smem:$0x7D7]  }
0x18e: {  	[tilespmem:s8], [sflag:$0x1] =	stream.linear.gather [spmem:s6], $0x80, $0x38;
	[tilespmem:$0xD600] =	vst v63  }
0x18f: {  	s11 =	simm.s32 $0x6200;
	s6 =	sld [smem:$0x7D8]  }
0x190: {  	[tilespmem:s11], [sflag:$0x1] =	stream.linear.gather [spmem:s9], $0x80, $0x38;
	[tilespmem:$0xD600] =	vst v63  }
0x191: {  	s8 =	simm.s32 $0x6600;
	s9 =	sld [smem:$0x7D9]  }
0x192: {  	[tilespmem:s8], [sflag:$0x1] =	stream.linear.gather [spmem:s6], $0x80, $0x38;
	[tilespmem:$0xD600] =	vst v63  }
0x193: {  	s11 =	simm.s32 $0x6A00;
	s6 =	sld [smem:$0x7DA]  }
0x194: {  	[tilespmem:s11], [sflag:$0x1] =	stream.linear.gather [spmem:s9], $0x80, $0x38;
	[tilespmem:$0xD600] =	vst v63  }
0x195: {  	s8 =	simm.s32 $0x6E00;
	s9 =	rddreg [dreg:$0x17]  }
0x196: {  	[tilespmem:s8], [sflag:$0x1] =	stream.linear.gather [spmem:s6], $0x80, $0x38;
	[tilespmem:$0xD600] =	vst v63  }
0x197: {  	s3 =	simm.s32 $0x7200;
	s11 =	sld [smem:$0x7DB]  }
0x198: {  	[tilespmem:s3], [sflag:$0x1] =	stream.linear.gather [spmem:s9], $0x80, $0x38;
	[tilespmem:$0xD600] =	vst v63  }
0x199: {  	s6 =	simm.s32 $0x7600  }
0x19a: {  	[tilespmem:s6], [sflag:$0x1] =	stream.linear.gather [spmem:s11], $0x80, $0x38;
	[tilespmem:$0xD600] =	vst v63  }
0x19b: {  	s6 =	sld [smem:$0x7DC];
	_ =	sdelay $0x1  }
0x19c: {  	s8 =	simm.s32 $0x7A00;
	s9 =	sld [smem:$0x7DD]  }
0x19d: {  	[tilespmem:s8], [sflag:$0x1] =	stream.linear.gather [spmem:s6], $0x80, $0x38;
	[tilespmem:$0xD600] =	vst v63  }
0x19e: {  	s11 =	simm.s32 $0x7E00;
	s6 =	sld [smem:$0x7DE]  }
0x19f: {  	[tilespmem:s11], [sflag:$0x1] =	stream.linear.gather [spmem:s9], $0x80, $0x38;
	[tilespmem:$0xD600] =	vst v63  }
0x1a0: {  	s8 =	simm.s32 $0x8200;
	s9 =	sld [smem:$0x7DF]  }
0x1a1: {  	[tilespmem:s8], [sflag:$0x1] =	stream.linear.gather [spmem:s6], $0x80, $0x38;
	[tilespmem:$0xD600] =	vst v63  }
0x1a2: {  	s11 =	simm.s32 $0x8600;
	s6 =	sld [smem:$0x7E0]  }
0x1a3: {  	[tilespmem:s11], [sflag:$0x1] =	stream.linear.gather [spmem:s9], $0x80, $0x38;
	[tilespmem:$0xD600] =	vst v63  }
0x1a4: {  	s8 =	simm.s32 $0x8A00;
	s9 =	sld [smem:$0x7E1]  }
0x1a5: {  	[tilespmem:s8], [sflag:$0x1] =	stream.linear.gather [spmem:s6], $0x80, $0x38;
	[tilespmem:$0xD600] =	vst v63  }
0x1a6: {  	s11 =	simm.s32 $0x8E00;
	s6 =	rddreg [dreg:$0x19]  }
0x1a7: {  	[tilespmem:s11], [sflag:$0x1] =	stream.linear.gather [spmem:s9], $0x80, $0x38;
	[tilespmem:$0xD600] =	vst v63  }
0x1a8: {  	s8 =	simm.s32 $0x5280;
	s9 =	sld [smem:$0x7E2]  }
0x1a9: {  	[tilespmem:s8], [sflag:$0x1] =	stream.linear.gather [spmem:s6], $0x80, $0x38;
	[tilespmem:$0xD600] =	vst v63  }
0x1aa: {  	s11 =	simm.s32 $0x5680;
	s6 =	sld [smem:$0x7E3]  }
0x1ab: {  	[tilespmem:s11], [sflag:$0x1] =	stream.linear.gather [spmem:s9], $0x80, $0x38;
	[tilespmem:$0xD600] =	vst v63  }
0x1ac: {  	s8 =	simm.s32 $0x5A80;
	s9 =	sld [smem:$0x7E4]  }
0x1ad: {  	[tilespmem:s8], [sflag:$0x1] =	stream.linear.gather [spmem:s6], $0x80, $0x38;
	[tilespmem:$0xD600] =	vst v63  }
0x1ae: {  	s11 =	simm.s32 $0x5E80;
	s6 =	sld [smem:$0x7E5]  }
0x1af: {  	[tilespmem:s11], [sflag:$0x1] =	stream.linear.gather [spmem:s9], $0x80, $0x38;
	[tilespmem:$0xD600] =	vst v63  }
0x1b0: {  	s8 =	simm.s32 $0x6280;
	s9 =	sld [smem:$0x7E6]  }
0x1b1: {  	[tilespmem:s8], [sflag:$0x1] =	stream.linear.gather [spmem:s6], $0x80, $0x38;
	[tilespmem:$0xD600] =	vst v63  }
0x1b2: {  	s11 =	simm.s32 $0x6680;
	s6 =	sld [smem:$0x7E7]  }
0x1b3: {  	[tilespmem:s11], [sflag:$0x1] =	stream.linear.gather [spmem:s9], $0x80, $0x38;
	[tilespmem:$0xD600] =	vst v63  }
0x1b4: {  	s8 =	simm.s32 $0x6A80;
	s9 =	sld [smem:$0x7E8]  }
0x1b5: {  	[tilespmem:s8], [sflag:$0x1] =	stream.linear.gather [spmem:s6], $0x80, $0x38;
	[tilespmem:$0xD600] =	vst v63  }
0x1b6: {  	s11 =	simm.s32 $0x6E80;
	s6 =	rddreg [dreg:$0x1b]  }
0x1b7: {  	[tilespmem:s11], [sflag:$0x1] =	stream.linear.gather [spmem:s9], $0x80, $0x38;
	[tilespmem:$0xD600] =	vst v63  }
0x1b8: {  	s8 =	simm.s32 $0x7280;
	s9 =	sld [smem:$0x7E9]  }
0x1b9: {  	[tilespmem:s8], [sflag:$0x1] =	stream.linear.gather [spmem:s6], $0x80, $0x38;
	[tilespmem:$0xD600] =	vst v63  }
0x1ba: {  	s11 =	simm.s32 $0x7680;
	s6 =	sld [smem:$0x7EA]  }
0x1bb: {  	[tilespmem:s11], [sflag:$0x1] =	stream.linear.gather [spmem:s9], $0x80, $0x38;
	[tilespmem:$0xD600] =	vst v63  }
0x1bc: {  	s8 =	simm.s32 $0x7A80;
	s9 =	sld [smem:$0x7EB]  }
0x1bd: {  	[tilespmem:s8], [sflag:$0x1] =	stream.linear.gather [spmem:s6], $0x80, $0x38;
	[tilespmem:$0xD600] =	vst v63  }
0x1be: {  	s11 =	simm.s32 $0x7E80;
	s6 =	sld [smem:$0x7EC]  }
0x1bf: {  	[tilespmem:s11], [sflag:$0x1] =	stream.linear.gather [spmem:s9], $0x80, $0x38;
	[tilespmem:$0xD600] =	vst v63  }
0x1c0: {  	s8 =	simm.s32 $0x8280;
	s9 =	sld [smem:$0x7ED]  }
0x1c1: {  	[tilespmem:s8], [sflag:$0x1] =	stream.linear.gather [spmem:s6], $0x80, $0x38;
	[tilespmem:$0xD600] =	vst v63  }
0x1c2: {  	s11 =	simm.s32 $0x8680;
	s6 =	sld [smem:$0x7EE]  }
0x1c3: {  	[tilespmem:s11], [sflag:$0x1] =	stream.linear.gather [spmem:s9], $0x80, $0x38;
	[tilespmem:$0xD600] =	vst v63  }
0x1c4: {  	s8 =	simm.s32 $0x8A80;
	s9 =	sld [smem:$0x7EF]  }
0x1c5: {  	[tilespmem:s8], [sflag:$0x1] =	stream.linear.gather [spmem:s6], $0x80, $0x38;
	[tilespmem:$0xD600] =	vst v63  }
0x1c6: {  	s11 =	simm.s32 $0x8E80;
	s6 =	rddreg [dreg:$0x1e]  }
0x1c7: {  	[tilespmem:s11], [sflag:$0x1] =	stream.linear.gather [spmem:s9], $0x80, $0x38;
	[tilespmem:$0xD600] =	vst v63  }
0x1c8: {  	s8 =	simm.s32 $0x5300;
	s9 =	sld [smem:$0x7F0]  }
0x1c9: {  	[tilespmem:s8], [sflag:$0x1] =	stream.linear.gather [spmem:s6], $0x80, $0x38;
	[tilespmem:$0xD600] =	vst v63  }
0x1ca: {  	s11 =	simm.s32 $0x5700;
	s6 =	sld [smem:$0x7F1]  }
0x1cb: {  	[tilespmem:s11], [sflag:$0x1] =	stream.linear.gather [spmem:s9], $0x80, $0x38;
	[tilespmem:$0xD600] =	vst v63  }
0x1cc: {  	s8 =	simm.s32 $0x5B00;
	s9 =	sld [smem:$0x7F2]  }
0x1cd: {  	[tilespmem:s8], [sflag:$0x1] =	stream.linear.gather [spmem:s6], $0x80, $0x38;
	[tilespmem:$0xD600] =	vst v63  }
0x1ce: {  	s11 =	simm.s32 $0x5F00;
	s6 =	sld [smem:$0x7F3]  }
0x1cf: {  	[tilespmem:s11], [sflag:$0x1] =	stream.linear.gather [spmem:s9], $0x80, $0x38;
	[tilespmem:$0xD600] =	vst v63  }
0x1d0: {  	s8 =	simm.s32 $0x6300;
	s9 =	sld [smem:$0x7F4]  }
0x1d1: {  	[tilespmem:s8], [sflag:$0x1] =	stream.linear.gather [spmem:s6], $0x80, $0x38;
	[tilespmem:$0xD600] =	vst v63  }
0x1d2: {  	s11 =	simm.s32 $0x6700;
	s6 =	sld [smem:$0x7F5]  }
0x1d3: {  	[tilespmem:s11], [sflag:$0x1] =	stream.linear.gather [spmem:s9], $0x80, $0x38;
	[tilespmem:$0xD600] =	vst v63  }
0x1d4: {  	s8 =	simm.s32 $0x6B00;
	s9 =	sld [smem:$0x7F6]  }
0x1d5: {  	[tilespmem:s8], [sflag:$0x1] =	stream.linear.gather [spmem:s6], $0x80, $0x38;
	[tilespmem:$0xD600] =	vst v63  }
0x1d6: {  	s11 =	simm.s32 $0x6F00;
	s6 =	rddreg [dreg:$0x1f]  }
0x1d7: {  	[tilespmem:s11], [sflag:$0x1] =	stream.linear.gather [spmem:s9], $0x80, $0x38;
	[tilespmem:$0xD600] =	vst v63  }
0x1d8: {  	s8 =	simm.s32 $0x7300;
	s9 =	sld [smem:$0x7F7]  }
0x1d9: {  	[tilespmem:s8], [sflag:$0x1] =	stream.linear.gather [spmem:s6], $0x80, $0x38;
	[tilespmem:$0xD600] =	vst v63  }
0x1da: {  	s11 =	simm.s32 $0x7700;
	s6 =	sld [smem:$0x7F8]  }
0x1db: {  	[tilespmem:s11], [sflag:$0x1] =	stream.linear.gather [spmem:s9], $0x80, $0x38;
	[tilespmem:$0xD600] =	vst v63  }
0x1dc: {  	s8 =	simm.s32 $0x7B00;
	s9 =	sld [smem:$0x7F9]  }
0x1dd: {  	[tilespmem:s8], [sflag:$0x1] =	stream.linear.gather [spmem:s6], $0x80, $0x38;
	[tilespmem:$0xD600] =	vst v63  }
0x1de: {  	s11 =	simm.s32 $0x7F00;
	s6 =	sld [smem:$0x7FA]  }
0x1df: {  	[tilespmem:s11], [sflag:$0x1] =	stream.linear.gather [spmem:s9], $0x80, $0x38;
	[tilespmem:$0xD600] =	vst v63  }
0x1e0: {  	s8 =	simm.s32 $0x8300;
	s9 =	sld [smem:$0x7FB]  }
0x1e1: {  	[tilespmem:s8], [sflag:$0x1] =	stream.linear.gather [spmem:s6], $0x80, $0x38;
	[tilespmem:$0xD600] =	vst v63  }
0x1e2: {  	s11 =	simm.s32 $0x8700;
	s6 =	sld [smem:$0x7FC]  }
0x1e3: {  	[tilespmem:s11], [sflag:$0x1] =	stream.linear.gather [spmem:s9], $0x80, $0x38;
	[tilespmem:$0xD600] =	vst v63  }
0x1e4: {  	s8 =	simm.s32 $0x8B00;
	s9 =	sld [smem:$0x7FD]  }
0x1e5: {  	[tilespmem:s8], [sflag:$0x1] =	stream.linear.gather [spmem:s6], $0x80, $0x38;
	[tilespmem:$0xD600] =	vst v63  }
0x1e6: {  	s11 =	simm.s32 $0x8F00;
	s8 =	sld [smem:$0x79A]  }
0x1e7: {  	[tilespmem:s11], [sflag:$0x1] =	stream.linear.gather [spmem:s9], $0x80, $0x38;
	[tilespmem:$0xD600] =	vst v63  }
0x1e8: {  	s9 =	simm.s32 $0x5380  }
0x1e9: {  	[tilespmem:s9], [sflag:$0x1] =	stream.linear.gather [spmem:s8], $0x80, $0x38;
	[tilespmem:$0xD600] =	vst v63  }
0x1ea: {  	s11 =	simm.s32 $0x5780  }
0x1eb: {  	[tilespmem:s11], [sflag:$0x1] =	stream.linear.gather [spmem:s12], $0x80, $0x38;
	[tilespmem:$0xD600] =	vst v63  }
0x1ec: {  	s6 =	simm.s32 $0x5B80  }
0x1ed: {  	[tilespmem:s6], [sflag:$0x1] =	stream.linear.gather [spmem:s13], $0x80, $0x38;
	[tilespmem:$0xD600] =	vst v63  }
0x1ee: {  	s8 =	simm.s32 $0x5F80  }
0x1ef: {  	[tilespmem:s8], [sflag:$0x1] =	stream.linear.gather [spmem:s14], $0x80, $0x38;
	[tilespmem:$0xD600] =	vst v63  }
0x1f0: {  	s9 =	simm.s32 $0x6380  }
0x1f1: {  	[tilespmem:s9], [sflag:$0x1] =	stream.linear.gather [spmem:s15], $0x80, $0x38;
	[tilespmem:$0xD600] =	vst v63  }
0x1f2: {  	s11 =	simm.s32 $0x6780  }
0x1f3: {  	[tilespmem:s11], [sflag:$0x1] =	stream.linear.gather [spmem:s16], $0x80, $0x38;
	[tilespmem:$0xD600] =	vst v63  }
0x1f4: {  	s6 =	simm.s32 $0x6B80  }
0x1f5: {  	[tilespmem:s6], [sflag:$0x1] =	stream.linear.gather [spmem:s7], $0x80, $0x38;
	[tilespmem:$0xD600] =	vst v63  }
0x1f6: {  	s8 =	simm.s32 $0x6F80;
	s9 =	sld [smem:$0x79B]  }
0x1f7: {  	[tilespmem:s8], [sflag:$0x1] =	stream.linear.gather [spmem:s17], $0x80, $0x38;
	[tilespmem:$0xD600] =	vst v63  }
0x1f8: {  	s11 =	simm.s32 $0x7380  }
0x1f9: {  	[tilespmem:s11], [sflag:$0x1] =	stream.linear.gather [spmem:s9], $0x80, $0x38;
	[tilespmem:$0xD600] =	vst v63  }
0x1fa: {  	s8 =	simm.s32 $0x7780  }
0x1fb: {  	[tilespmem:s8], [sflag:$0x1] =	stream.linear.gather [spmem:s18], $0x80, $0x38;
	[tilespmem:$0xD600] =	vst v63  }
0x1fc: {  	s9 =	simm.s32 $0x7B80  }
0x1fd: {  	[tilespmem:s9], [sflag:$0x1] =	stream.linear.gather [spmem:s19], $0x80, $0x38;
	[tilespmem:$0xD600] =	vst v63  }
0x1fe: {  	s11 =	simm.s32 $0x7F80  }
0x1ff: {  	[tilespmem:s11], [sflag:$0x1] =	stream.linear.gather [spmem:s21], $0x80, $0x38;
	[tilespmem:$0xD600] =	vst v63  }
0x200: {  	s6 =	simm.s32 $0x8380  }
0x201: {  	[tilespmem:s6], [sflag:$0x1] =	stream.linear.gather [spmem:s23], $0x80, $0x38;
	[tilespmem:$0xD600] =	vst v63  }
0x202: {  	s8 =	simm.s32 $0x8780  }
0x203: {  	[tilespmem:s8], [sflag:$0x1] =	stream.linear.gather [spmem:s24], $0x80, $0x38;
	[tilespmem:$0xD600] =	vst v63  }
0x204: {  	s9 =	simm.s32 $0x8B80  }
0x205: {  	[tilespmem:s9], [sflag:$0x1] =	stream.linear.gather [spmem:s25], $0x80, $0x38;
	[tilespmem:$0xD600] =	vst v63  }
0x206: {  	s11 =	simm.s32 $0x8F80  }
0x207: {  	[tilespmem:s11], [sflag:$0x1] =	stream.linear.gather [spmem:s26], $0x80, $0x38;
	[tilespmem:$0xD600] =	vst v63  }
0x208: {  	_ =	swait.ge [sflag:s30], $0x400  }
0x209: {  	[sflag:s30] =	ssyncset.done $0x0  }
0x20a: {  	[sflag:s30] =	ssyncadd.s32 $0xFFFFFC00  }
0x20b: {  	_ =	swait.ge [sflag:s30], $0x400  }
0x20c: {  	[sflag:s30] =	ssyncset.done $0x0  }
0x20d: {  	[sflag:s30] =	ssyncadd.s32 $0xFFFFFC00  }
0x20e: {  	_ =	swait.ge [sflag:s30], $0x400  }
0x20f: {  	[sflag:s30] =	ssyncset.done $0x0  }
0x210: {  	[sflag:s30] =	ssyncadd.s32 $0xFFFFFC00  }
0x211: {  	_ =	swait.ge [sflag:s30], $0x400  }
0x212: {  	[sflag:s30] =	ssyncset.done $0x0  }
0x213: {  	[sflag:s30] =	ssyncadd.s32 $0xFFFFFC00  }
0x214: {  	_ =	swait.ge [sflag:s30], $0x400  }
0x215: {  	[sflag:s30] =	ssyncset.done $0x0  }
0x216: {  	[sflag:s30] =	ssyncadd.s32 $0xFFFFFC00  }
0x217: {  	_ =	swait.ge [sflag:s30], $0x400  }
0x218: {  	[sflag:s30] =	ssyncset.done $0x0  }
0x219: {  	[sflag:s30] =	ssyncadd.s32 $0xFFFFFC00  }
0x21a: {  	_ =	swait.ge [sflag:s30], $0x400  }
0x21b: {  	[sflag:s30] =	ssyncset.done $0x0  }
0x21c: {  	[sflag:s30] =	ssyncadd.s32 $0xFFFFFC00  }
0x21d: {  	_ =	swait.ge [sflag:s30], $0x400  }
0x21e: {  	[sflag:s30] =	ssyncset.done $0x0  }
0x21f: {  	[sflag:s30] =	ssyncadd.s32 $0xFFFFFC00  }
0x220: {  	_ =	swait.ge [sflag:s30], $0x400  }
0x221: {  	[sflag:s30] =	ssyncset.done $0x0  }
0x222: {  	[sflag:s30] =	ssyncadd.s32 $0xFFFFFC00  }
0x223: {  	_ =	swait.ge [sflag:s30], $0x400  }
0x224: {  	[sflag:s30] =	ssyncset.done $0x0  }
0x225: {  	[sflag:s30] =	ssyncadd.s32 $0xFFFFFC00  }
0x226: {  	_ =	swait.ge [sflag:s30], $0x400  }
0x227: {  	[sflag:s30] =	ssyncset.done $0x0  }
0x228: {  	[sflag:s30] =	ssyncadd.s32 $0xFFFFFC00  }
0x229: {  	_ =	swait.ge [sflag:s30], $0x400  }
0x22a: {  	[sflag:s30] =	ssyncset.done $0x0  }
0x22b: {  	[sflag:s30] =	ssyncadd.s32 $0xFFFFFC00  }
0x22c: {  	_ =	swait.ge [sflag:s30], $0x400  }
0x22d: {  	[sflag:s30] =	ssyncset.done $0x0  }
0x22e: {  	[sflag:s30] =	ssyncadd.s32 $0xFFFFFC00  }
0x22f: {  	_ =	swait.ge [sflag:s30], $0x400  }
0x230: {  	[sflag:s30] =	ssyncset.done $0x0  }
0x231: {  	[sflag:s30] =	ssyncadd.s32 $0xFFFFFC00  }
0x232: {  	_ =	swait.ge [sflag:s30], $0x400  }
0x233: {  	[sflag:s30] =	ssyncset.done $0x0  }
0x234: {  	[sflag:s30] =	ssyncadd.s32 $0xFFFFFC00  }
0x235: {  	_ =	swait.ge [sflag:s30], $0x400  }
0x236: {  	[sflag:s30] =	ssyncset.done $0x0  }
0x237: {  	[sflag:s30] =	ssyncadd.s32 $0xFFFFFC00  }
0x238: {  	v0 =	vld [tilespmem:s5+$0x1E0]  }
0x239: {  	v1 =	vld [tilespmem:s5+$0x1C0]  }
0x23a: {  	v2 =	vld [tilespmem:s5+$0x140]  }
0x23b: {  	v17 =	vld [tilespmem:s5+$0xE0]  }
0x23c: {  	v15 =	vld [tilespmem:s5+$0xF0]  }
0x23d: {  	v16 =	vld [tilespmem:s5+$0xC0]  }
0x23e: {  	v23 =	vld [tilespmem:s5+$0x60]  }
0x23f: {  	v22 =	vld [tilespmem:s5+$0x70]  }
0x240: {  	v18 =	vld [tilespmem:s5+$0xA0]  }
0x241: {  	v25 =	vld [tilespmem:s5+$0x40]  }
0x242: {  	v24 =	vld [tilespmem:s5+$0x50]  }
0x243: {  	v28 =	vld [tilespmem:s5+$0xFFFFFFE0]  }
0x244: {  	v29 =	vld [tilespmem:s5+$0xFFFFFFF0]  }
0x245: {  	v27 =	vld [tilespmem:s5+$0x20]  }
0x246: {  	v26 =	vld [tilespmem:s5+$0x30]  }
0x247: {  	v30 =	vld [tilespmem:s5+$0xFFFFFFC0]  }
0x248: {  	v31 =	vld [tilespmem:s5+$0xFFFFFFD0]  }
0x249: {  	v32 =	vld [tilespmem:s5+$0xFFFFFF60]  }
0x24a: {  	v33 =	vld [tilespmem:s5+$0xFFFFFF70]  }
0x24b: {  	v34 =	vld [tilespmem:s5+$0x0]  }
0x24c: {  	v35 =	vld [tilespmem:s5+$0x10]  }
0x24d: {  	v36 =	vld [tilespmem:s5+$0xFFFFFFA0]  }
0x24e: {  	v37 =	vld [tilespmem:s5+$0xFFFFFFB0]  }
0x24f: {  	v38 =	vld [tilespmem:s5+$0xFFFFFF40]  }
0x250: {  	v39 =	vld [tilespmem:s5+$0xFFFFFF50]  }
0x251: {  	v40 =	vld [tilespmem:s5+$0xFFFFFE60]  }
0x252: {  	v41 =	vld [tilespmem:s5+$0xFFFFFE70]  }
0x253: {  	v42 =	vld [tilespmem:s5+$0xFFFFFEE0]  }
0x254: {  	v43 =	vld [tilespmem:s5+$0xFFFFFEF0]  }
0x255: {  	v14 =	vld [tilespmem:s3+$0x1C0]  }
0x256: {  	v20 =	vld [tilespmem:s3+$0x160]  }
0x257: {  	v19 =	vld [tilespmem:s3+$0x170]  }
0x258: {  	v44 =	vld [tilespmem:s5+$0xFFFFFF80]  }
0x259: {  	v45 =	vld [tilespmem:s5+$0xFFFFFF90]  }
0x25a: {  	v46 =	vld [tilespmem:s5+$0xFFFFFF20]  }
0x25b: {  	v47 =	vld [tilespmem:s5+$0xFFFFFF30]  }
0x25c: {  	v48 =	vld [tilespmem:s5+$0xFFFFFE40]  }
0x25d: {  	v49 =	vld [tilespmem:s5+$0xFFFFFE50]  }
0x25e: {  	v50 =	vld [tilespmem:s5+$0xFFFFFEC0]  }
0x25f: {  	v51 =	vld [tilespmem:s5+$0xFFFFFED0]  }
0x260: {  	v21 =	vld [tilespmem:s3+$0x140]  }
0x261: {  	v52 =	vld [tilespmem:s5+$0xFFFFFF00]  }
0x262: {  	v53 =	vld [tilespmem:s5+$0xFFFFFF10]  }
0x263: {  	v54 =	vld [tilespmem:s5+$0xFFFFFE20]  }
0x264: {  	v55 =	vld [tilespmem:s5+$0xFFFFFE30]  }
0x265: {  	v56 =	vld [tilespmem:s5+$0xFFFFFEA0]  }
0x266: {  	v57 =	vld [tilespmem:s5+$0xFFFFFEB0]  }
0x267: {  	v58 =	vld [tilespmem:s5+$0xFFFFFE00]  }
0x268: {  	v59 =	vld [tilespmem:s5+$0xFFFFFE10]  }
0x269: {  	v60 =	vld [tilespmem:s5+$0xFFFFFE80]  }
0x26a: {  	v61 =	vld [tilespmem:s5+$0xFFFFFE90]  }
0x26b: {  	v62 =	vld [tilespmem:s3+$0xFFFFFE60]  }
0x26c: {  	v63 =	vld [tilespmem:s3+$0xFFFFFE70]  }
0x26d: {  	v6 =	vld [tilespmem:s3+$0xFFFFFEE0]  }
0x26e: {  	v10 =	vld [tilespmem:s3+$0xFFFFFEF0]  }
0x26f: {  	v12 =	vld [tilespmem:s3+$0xFFFFFE40]  }
0x270: {  	v13 =	vld [tilespmem:s3+$0xFFFFFE50]  }
0x271: {  	v3 =	vld [tilespmem:s3+$0xFFFFFEC0]  }
0x272: {  	v7 =	vld [tilespmem:s3+$0xFFFFFED0]  }
0x273: {  	v8 =	vld [tilespmem:s3+$0xFFFFFE20]  }
0x274: {  	v11 =	vld [tilespmem:s3+$0xFFFFFE30]  }
0x275: {  	v4 =	vld [tilespmem:s3+$0xFFFFFEB0]  }
0x276: {  	v5 =	vld [tilespmem:s3+$0xFFFFFE00]  }
0x277: {  	v9 =	vld [tilespmem:s3+$0xFFFFFE10]  }
0x278: {  	[tilespmem:$0x1FFE0] =	vst v0;
	v0 =	vld [tilespmem:s5+$0x1F0]  }
0x279: {  	[tilespmem:$0x1FFF0] =	vst v1;
	v1 =	vld [tilespmem:s5+$0x160]  }
0x27a: {  	[tilespmem:$0x1FFD0] =	vst v2;
	v2 =	vld [tilespmem:s5+$0xD0]  }
0x27b: {  	v40 =	vadd.f32 v42, v40;
	v42 =	vld [tilespmem:s3+$0xFFFFFE80]  }
0x27c: {  	v41 =	vadd.f32 v43, v41;
	v43 =	vadd.f32 v50, v48;
	v48 =	vld [tilespmem:s3+$0xFFFFFE90]  }
0x27d: {  	v49 =	vadd.f32 v51, v49;
	v51 =	vld [tilespmem:s3+$0xFFFFFF60]  }
0x27e: {  	v50 =	vadd.f32 v56, v54;
	v56 =	vld [tilespmem:s3+$0xFFFFFF70]  }
0x27f: {  	v54 =	vadd.f32 v57, v55;
	v55 =	vadd.f32 v60, v58;
	v58 =	vld [tilespmem:s3+$0xFFFFFF40]  }
0x280: {  	v3 =	vadd.f32 v3, v12;
	v12 =	vld [tilespmem:s3+$0xFFFFFF50]  }
0x281: {  	v4 =	vadd.f32 v4, v11;
	v11 =	vld [tilespmem:s3+$0xFFFFFF30]  }
0x282: {  	v60 =	vld [tilespmem:s3+$0xFFFFFF00]  }
0x283: {  	v57 =	vadd.f32 v61, v59;
	v61 =	vld [tilespmem:s3+$0xFFFFFF10]  }
0x284: {  	[tilespmem:$0x1FF70] =	vst v2;
	v2 =	vld [tilespmem:s5+$0xB0]  }
0x285: {  	v10 =	vadd.f32 v10, v63;
	v63 =	vadd.f32 v47, v54;
	v47 =	vld [tilespmem:s3+$0xFFFFFFF0]  }
0x286: {  	v52 =	vadd.f32 v52, v55;
	v54 =	vadd.f32 v53, v57;
	v55 =	vld [tilespmem:s3+$0xFFFFFFC0]  }
0x287: {  	v57 =	vld [tilespmem:s3+$0xFFFFFFD0]  }
0x288: {  	v53 =	vadd.f32 v45, v54;
	v54 =	vld [tilespmem:s3+$0x40]  }
0x289: {  	[tilespmem:$0x1FFA0] =	vst v2;
	v2 =	vld [tilespmem:s5+$0x80]  }
0x28a: {  	v7 =	vadd.f32 v7, v13;
	[tilespmem:$0x1FFC0] =	vst v1;
	v1 =	vld [tilespmem:s5+$0x170]  }
0x28b: {  	v13 =	vadd.f32 v32, v40;
	v5 =	vadd.f32 v42, v5;
	v42 =	vld [tilespmem:s3+$0xFFFFFFE0]  }
0x28c: {  	v6 =	vadd.f32 v6, v62;
	v4 =	vadd.f32 v11, v4;
	v11 =	vld [tilespmem:s3+$0xFFFFFFB0]  }
0x28d: {  	v7 =	vadd.f32 v12, v7;
	v12 =	vadd.f32 v28, v13;
	v13 =	vld [tilespmem:s3+$0xFFFFFF80]  }
0x28e: {  	v63 =	vadd.f32 v37, v63;
	[tilespmem:$0x1FFB0] =	vst v2;
	v2 =	vld [tilespmem:s3+$0x1E0]  }
0x28f: {  	v6 =	vadd.f32 v51, v6;
	v51 =	vadd.f32 v44, v52;
	v52 =	vld [tilespmem:s3+$0x70]  }
0x290: {  	v33 =	vadd.f32 v33, v41;
	v10 =	vadd.f32 v56, v10;
	v56 =	vld [tilespmem:s3+$0x10]  }
0x291: {  	v62 =	vadd.f32 v46, v50;
	v26 =	vadd.f32 v26, v63;
	v63 =	vld [tilespmem:s3+$0x120]  }
0x292: {  	v9 =	vadd.f32 v48, v9;
	v5 =	vadd.f32 v60, v5;
	v60 =	vld [tilespmem:s3+$0xFFFFFF90]  }
0x293: {  	v38 =	vadd.f32 v38, v43;
	v3 =	vadd.f32 v58, v3;
	[tilespmem:$0x1FF80] =	vst v2;
	v2 =	vld [tilespmem:s3+$0x1F0]  }
0x294: {  	v9 =	vadd.f32 v61, v9;
	v61 =	vadd.f32 v36, v62;
	v62 =	vld [tilespmem:s3+$0x60]  }
0x295: {  	v59 =	vadd.f32 v30, v38;
	v3 =	vadd.f32 v55, v3;
	v55 =	vld [tilespmem:s3+$0x50]  }
0x296: {  	v58 =	vadd.f32 v29, v33;
	v7 =	vadd.f32 v57, v7;
	v57 =	vld [tilespmem:s3+$0xE0]  }
0x297: {  	v12 =	vadd.f32 v23, v12;
	v23 =	vadd.f32 v25, v59;
	v59 =	vld [tilespmem:s3+$0xF0]  }
0x298: {  	[tilespmem:$0x1FF90] =	vst v2;
	v2 =	vld [tilespmem:s3+$0xFFFFFEA0]  }
0x299: {  	v22 =	vadd.f32 v22, v58;
	v27 =	vadd.f32 v27, v61;
	v61 =	vld [tilespmem:s3+$0xC0]  }
0x29a: {  	v12 =	vadd.f32 v17, v12;
	v17 =	vld [tilespmem:s3+$0x90]  }
0x29b: {  	v15 =	vadd.f32 v15, v22;
	v22 =	vld [tilespmem:$0x1FF70]  }
0x29c: {  	v5 =	vadd.f32 v13, v5;
	v13 =	vld [tilespmem:s3+$0x0]  }
0x29d: {  	v2 =	vadd.f32 v2, v8;
	v8 =	vld [tilespmem:s3+$0xFFFFFF20]  }
0x29e: {  	v10 =	vadd.f32 v47, v10;
	v16 =	vadd.f32 v16, v23;
	v23 =	vld [tilespmem:s3+$0x150]  }
0x29f: {  	v4 =	vadd.f32 v11, v4;
	v11 =	vld [tilespmem:s3+$0x30]  }
0x2a0: {  	v10 =	vadd.f32 v52, v10;
	v15 =	vadd.f32 v1, v15;
	v1 =	vld [tilespmem:$0x1FFE0]  }
0x2a1: {  	v6 =	vadd.f32 v42, v6;
	v5 =	vadd.f32 v13, v5;
	v13 =	vld [tilespmem:s3+$0x80]  }
0x2a2: {  	v10 =	vadd.f32 v59, v10;
	v2 =	vadd.f32 v8, v2;
	v8 =	vld [tilespmem:s3+$0xFFFFFFA0]  }
0x2a3: {  	v3 =	vadd.f32 v54, v3;
	v6 =	vadd.f32 v62, v6;
	v62 =	vld [tilespmem:s3+$0xD0]  }
0x2a4: {  	v9 =	vadd.f32 v60, v9;
	v10 =	vadd.f32 v19, v10;
	v19 =	vld [tilespmem:s3+$0x180]  }
0x2a5: {  	v3 =	vadd.f32 v61, v3;
	v4 =	vadd.f32 v11, v4;
	v11 =	vld [tilespmem:s3+$0xB0]  }
0x2a6: {  	v9 =	vadd.f32 v56, v9;
	v5 =	vadd.f32 v13, v5;
	v13 =	vld [tilespmem:s3+$0x100]  }
0x2a7: {  	v3 =	vadd.f32 v21, v3;
	v2 =	vadd.f32 v8, v2;
	v8 =	vld [tilespmem:s3+$0x20]  }
0x2a8: {  	v6 =	vadd.f32 v57, v6;
	v9 =	vadd.f32 v17, v9;
	v17 =	vld [tilespmem:s3+$0x1D0]  }
0x2a9: {  	v3 =	vadd.f32 v14, v3;
	v14 =	vld [tilespmem:$0x1FFC0]  }
0x2aa: {  	v6 =	vadd.f32 v20, v6;
	v20 =	vld [tilespmem:$0x1FF80]  }
0x2ab: {  	v5 =	vadd.f32 v13, v5;
	v13 =	vld [tilespmem:$0x1FF90]  }
0x2ac: {  	v7 =	vadd.f32 v55, v7;
	v2 =	vadd.f32 v8, v2;
	v8 =	vld [tilespmem:s3+$0xA0]  }
0x2ad: {  	v4 =	vadd.f32 v11, v4;
	v11 =	vld [tilespmem:s3+$0x110]  }
0x2ae: {  	v7 =	vadd.f32 v62, v7;
	v12 =	vadd.f32 v14, v12;
	v14 =	vld [tilespmem:$0x1FFD0]  }
0x2af: {  	v6 =	vadd.f32 v20, v6;
	v20 =	vld [tilespmem:s3+$0x190]  }
0x2b0: {  	v7 =	vadd.f32 v23, v7;
	v10 =	vadd.f32 v13, v10;
	v13 =	vld [tilespmem:s3+$0x1A0]  }
0x2b1: {  	v2 =	vadd.f32 v8, v2;
	v8 =	vld [tilespmem:s3+$0x130]  }
0x2b2: {  	v7 =	vadd.f32 v17, v7;
	v9 =	vadd.f32 v11, v9;
	v11 =	vld [tilespmem:s3+$0x1B0];
	v6 =	vmax.f32 v6, $1.000000000e+00  }
0x2b3: {  	(erf) = vrcp.f32 v6;
	v6 =	vld [tilespmem:s5+$0x90];
	v10 =	vmax.f32 v10, $1.000000000e+00;
	v2 =	vadd.f32 v63, v2  }
0x2b4: {  	v39 =	vadd.f32 v39, v49;
	v3 =	vmax.f32 v3, $1.000000000e+00;
	(erf) = vrcp.f32 v10;
	v10 =	vld [tilespmem:s5+$0x150]  }
0x2b5: {  	v7 =	vmax.f32 v7, $1.000000000e+00;
	v5 =	vadd.f32 v19, v5;
	v2 =	vadd.f32 v13, v2;
	v13 =	vld [tilespmem:$0x1FFB0]  }
0x2b6: {  	(erf) = vrcp.f32 v3;
	v4 =	vadd.f32 v8, v4;
	v8 =	vadd.f32 v20, v9;
	v9 =	vld [tilespmem:$0x1FFA0]  }
0x2b7: {  	v31 =	vadd.f32 v31, v39;
	v5 =	vmax.f32 v5, $1.000000000e+00;
	(erf) = vrcp.f32 v7;
	v7 =	vld [tilespmem:s5+$0x130]  }
0x2b8: {  	(erf) = vrcp.f32 v5;
	v5 =	vld [tilespmem:s5+$0x100]  }
0x2b9: {  	v24 =	vadd.f32 v24, v31;
	v58 =	vadd.f32 v34, v51;
	v3 =	vld [tilespmem:s5+$0x120]  }
0x2ba: {  	v2 =	vmax.f32 v2, $1.000000000e+00;
	v8 =	vmax.f32 v8, $1.000000000e+00;
	v4 =	vadd.f32 v11, v4;
	v11 =	vld [tilespmem:s5+$0x110]  }
0x2bb: {  	(erf) = vrcp.f32 v8;
	v8 =	vld [tilespmem:s5+$0x1D0];
	v13 =	vadd.f32 v13, v58;
	v9 =	vadd.f32 v9, v26  }
0x2bc: {  	v60 =	vadd.f32 v35, v53;
	v22 =	vadd.f32 v22, v24;
	(erf) = vrcp.f32 v2;
	v2 =	vld [tilespmem:s5+$0x180]  }
0x2bd: {  	v4 =	vmax.f32 v4, $1.000000000e+00;
	v5 =	vadd.f32 v5, v13;
	v13 =	vadd.f32 v7, v9;
	v7 =	vld [tilespmem:$0x1FFF0]  }
0x2be: {  	v18 =	vadd.f32 v18, v27;
	v6 =	vadd.f32 v6, v60;
	(erf) = vrcp.f32 v4;
	v4 =	vld [tilespmem:s5+$0x190]  }
0x2bf: {  	v14 =	vadd.f32 v14, v16;
	v16 =	vld [tilespmem:s5+$0x1A0];
	v17 =	vpop (erf);
	v10 =	vadd.f32 v10, v22  }
0x2c0: {  	s4 =	simm.s32 $0xC40;
	v3 =	vadd.f32 v3, v18;
	v18 =	vld [tilespmem:s5+$0x1B0];
	v19 =	vpop (erf);
	v6 =	vadd.f32 v11, v6  }
0x2c1: {  	v20 =	vpop (erf);
	v11 =	vadd.f32 v1, v12;
	v1 =	vld [tilespmem:s4+$0xFFFFFFC0];
	v12 =	vadd.f32 v0, v15  }
0x2c2: {  	v2 =	vadd.f32 v2, v5;
	v5 =	vpop (erf);
	v14 =	vadd.f32 v7, v14  }
0x2c3: {  	v0 =	vadd.f32 v8, v10;
	v4 =	vadd.f32 v4, v6;
	v10 =	vpop (erf);
	v7 =	vld [tilespmem:s4+$0xFFFFFFD0]  }
0x2c4: {  	v9 =	vld [tilespmem:s4+$0xFFFFFFE0];
	v11 =	vmul.f32 v17, v11;
	v6 =	vadd.f32 v16, v3;
	v2 =	vmul.f32 v10, v2;
	v3 =	vpop (erf)  }
0x2c5: {  	v12 =	vmul.f32 v19, v12;
	v15 =	vadd.f32 v18, v13;
	v13 =	vld [tilespmem:s4+$0x0];
	v4 =	vmul.f32 v3, v4  }
0x2c6: {  	v17 =	vld [tilespmem:s4+$0x30];
	v16 =	vmul.f32 v20, v14;
	v2 =	vmul.f32 v2, v1;
	v14 =	vpop (erf)  }
0x2c7: {  	v18 =	vmul.f32 v5, v0;
	v10 =	vld [tilespmem:s4+$0xFFFFFFF0];
	v3 =	vimm.f32 $0.0e+00;
	v6 =	vmul.f32 v14, v6  }
0x2c8: {  	v21 =	vadd.f32 v2, v3;
	v14 =	vld [tilespmem:s4+$0x10];
	v5 =	vpop (erf);
	v20 =	vmul.f32 v4, v7;
	v4 =	vimm.f32 $0.0e+00  }
0x2c9: {  	s6 =	simm.s32 $0x5600;
	s5 =	simm.s32 $0x0;
	v19 =	vmul.f32 v5, v15;
	v15 =	vld [tilespmem:s4+$0x20];
	v5 =	vadd.f32 v1, v3;
	v6 =	vmul.f32 v6, v9  }
.LBB2_5:
0x2ca: {  	v0 =	vld [tilespmem:s6+$0x1E0]  }
0x2cb: {  	v34 =	vld [tilespmem:s6+$0xFFFFFFE0]  }
0x2cc: {  	v35 =	vld [tilespmem:s6+$0xFFFFFFF0]  }
0x2cd: {  	v36 =	vld [tilespmem:s6+$0xFFFFFFC0]  }
0x2ce: {  	v37 =	vld [tilespmem:s6+$0xFFFFFFD0]  }
0x2cf: {  	v42 =	vld [tilespmem:s6+$0xFFFFFF60]  }
0x2d0: {  	v43 =	vld [tilespmem:s6+$0xFFFFFF70]  }
0x2d1: {  	v32 =	vld [tilespmem:s6+$0x0]  }
0x2d2: {  	v33 =	vld [tilespmem:s6+$0x10]  }
0x2d3: {  	v38 =	vld [tilespmem:s6+$0xFFFFFFA0]  }
0x2d4: {  	v39 =	vld [tilespmem:s6+$0xFFFFFFB0]  }
0x2d5: {  	v44 =	vld [tilespmem:s6+$0xFFFFFF50]  }
0x2d6: {  	v45 =	vld [tilespmem:s6+$0xFFFFFE60]  }
0x2d7: {  	v46 =	vld [tilespmem:s6+$0xFFFFFE70]  }
0x2d8: {  	v47 =	vld [tilespmem:s6+$0xFFFFFEE0]  }
0x2d9: {  	v48 =	vld [tilespmem:s6+$0xFFFFFEF0]  }
0x2da: {  	v40 =	vld [tilespmem:s6+$0xFFFFFF80]  }
0x2db: {  	v41 =	vld [tilespmem:s6+$0xFFFFFF90]  }
0x2dc: {  	v49 =	vld [tilespmem:s6+$0xFFFFFF20]  }
0x2dd: {  	v50 =	vld [tilespmem:s6+$0xFFFFFF30]  }
0x2de: {  	v51 =	vld [tilespmem:s6+$0xFFFFFE40]  }
0x2df: {  	v52 =	vld [tilespmem:s6+$0xFFFFFE50]  }
0x2e0: {  	v53 =	vld [tilespmem:s6+$0xFFFFFEC0]  }
0x2e1: {  	v54 =	vld [tilespmem:s6+$0xFFFFFED0]  }
0x2e2: {  	v55 =	vld [tilespmem:s6+$0xFFFFFF00]  }
0x2e3: {  	v56 =	vld [tilespmem:s6+$0xFFFFFF10]  }
0x2e4: {  	v57 =	vld [tilespmem:s6+$0xFFFFFE20]  }
0x2e5: {  	v58 =	vld [tilespmem:s6+$0xFFFFFE30]  }
0x2e6: {  	v59 =	vld [tilespmem:s6+$0xFFFFFEA0]  }
0x2e7: {  	v60 =	vld [tilespmem:s6+$0xFFFFFEB0]  }
0x2e8: {  	v61 =	vld [tilespmem:s6+$0xFFFFFE00]  }
0x2e9: {  	v62 =	vld [tilespmem:s6+$0xFFFFFE10]  }
0x2ea: {  	v63 =	vld [tilespmem:s6+$0xFFFFFE80]  }
0x2eb: {  	v1 =	vld [tilespmem:s6+$0xFFFFFE90]  }
0x2ec: {  	[tilespmem:$0x1FF00] =	vst v0;
	v0 =	vld [tilespmem:s6+$0x1F0]  }
0x2ed: {  	v5 =	vadd.f32 v9, v5;
	v9 =	vld [tilespmem:s6+$0x50]  }
0x2ee: {  	s3 =	sadd.s32 $0x400, s3;
	v6 =	vadd.f32 v6, v21;
	v21 =	vld [tilespmem:s6+$0x80]  }
0x2ef: {  	v8 =	vld [tilespmem:s3+$0xFFFFFEE0]  }
0x2f0: {  	v22 =	vld [tilespmem:s3+$0xFFFFFEF0]  }
0x2f1: {  	[tilespmem:$0x1FF20] =	vst v0;
	v0 =	vld [tilespmem:s6+$0x1C0]  }
0x2f2: {  	v23 =	vld [tilespmem:s3+$0xFFFFFE40]  }
0x2f3: {  	v24 =	vld [tilespmem:s3+$0xFFFFFE50]  }
0x2f4: {  	v25 =	vld [tilespmem:s3+$0xFFFFFEC0]  }
0x2f5: {  	v26 =	vld [tilespmem:s3+$0xFFFFFED0]  }
0x2f6: {  	[tilespmem:$0x1FF10] =	vst v0;
	v0 =	vld [tilespmem:s6+$0x160]  }
0x2f7: {  	v27 =	vld [tilespmem:s3+$0xFFFFFE20]  }
0x2f8: {  	v28 =	vld [tilespmem:s3+$0xFFFFFE30]  }
0x2f9: {  	v29 =	vld [tilespmem:s3+$0xFFFFFEA0]  }
0x2fa: {  	v30 =	vld [tilespmem:s3+$0xFFFFFEB0]  }
0x2fb: {  	[tilespmem:$0x1FED0] =	vst v0;
	v0 =	vld [tilespmem:s6+$0x170]  }
0x2fc: {  	v31 =	vld [tilespmem:s3+$0xFFFFFE00]  }
0x2fd: {  	v16 =	vmul.f32 v16, v13;
	v13 =	vadd.f32 v13, v5;
	v5 =	vmul.f32 v11, v15;
	v11 =	vld [tilespmem:s6+$0x70]  }
0x2fe: {  	v2 =	vadd.f32 v20, v3;
	v3 =	vadd.f32 v7, v4;
	v4 =	vmul.f32 v19, v10;
	v19 =	vld [tilespmem:s6+$0xA0]  }
0x2ff: {  	v20 =	vld [tilespmem:s6+$0xB0]  }
0x300: {  	[tilespmem:$0x1FEF0] =	vst v0;
	v0 =	vld [tilespmem:s6+$0x140]  }
0x301: {  	v7 =	vld [tilespmem:s6+$0x20];
	v45 =	vadd.f32 v47, v45  }
0x302: {  	v46 =	vadd.f32 v48, v46;
	v47 =	vld [tilespmem:s3+$0xFFFFFE80];
	v48 =	vadd.f32 v53, v51  }
0x303: {  	v51 =	vadd.f32 v54, v52;
	v52 =	vld [tilespmem:s3+$0xFFFFFE90];
	v6 =	vadd.f32 v16, v6  }
0x304: {  	v54 =	vadd.f32 v60, v58;
	v58 =	vld [tilespmem:s3+$0xFFFFFF60]  }
0x305: {  	v53 =	vadd.f32 v59, v57;
	v59 =	vld [tilespmem:s3+$0xFFFFFF40];
	[tilespmem:$0x1FEE0] =	vst v0;
	v0 =	vadd.f32 v5, v6  }
0x306: {  	v60 =	vld [tilespmem:s3+$0xFFFFFF50]  }
0x307: {  	v57 =	vadd.f32 v63, v61;
	v61 =	vld [tilespmem:s3+$0xFFFFFF20];
	[tilespmem:$0x1FF40] =	vst v0;
	v0 =	vadd.f32 v15, v13  }
0x308: {  	v1 =	vadd.f32 v1, v62;
	v62 =	vld [tilespmem:s3+$0xFFFFFF30]  }
0x309: {  	[tilespmem:$0x1FF60] =	vst v0;
	v0 =	vld [tilespmem:s6+$0xE0]  }
0x30a: {  	v63 =	vld [tilespmem:s3+$0xFFFFFF00];
	v2 =	vadd.f32 v4, v2;
	v3 =	vadd.f32 v10, v3;
	v4 =	vmul.f32 v18, v14  }
0x30b: {  	v18 =	vld [tilespmem:s6+$0xF0]  }
0x30c: {  	v16 =	vld [tilespmem:s6+$0xC0];
	v2 =	vadd.f32 v4, v2;
	v4 =	vadd.f32 v14, v3;
	v3 =	vmul.f32 v12, v17  }
0x30d: {  	v10 =	vld [tilespmem:s6+$0x40]  }
0x30e: {  	v55 =	vadd.f32 v55, v57;
	v57 =	vld [tilespmem:s3+$0xFFFFFFE0];
	[tilespmem:$0x1FEA0] =	vst v0;
	v0 =	vadd.f32 v3, v2  }
0x30f: {  	v44 =	vadd.f32 v44, v51;
	v53 =	vadd.f32 v49, v53;
	v51 =	vld [tilespmem:s3+$0xFFFFFF90]  }
0x310: {  	v1 =	vadd.f32 v56, v1;
	v56 =	vld [tilespmem:s3+$0x30];
	[tilespmem:$0x1FF50] =	vst v0;
	v0 =	vadd.f32 v17, v4  }
0x311: {  	v12 =	vld [tilespmem:s6+$0x60]  }
0x312: {  	v38 =	vadd.f32 v38, v53;
	[tilespmem:$0x1FF30] =	vst v0;
	v0 =	vld [tilespmem:s3+$0x1E0]  }
0x313: {  	v54 =	vadd.f32 v50, v54;
	v14 =	vld [tilespmem:s3+$0x170]  }
0x314: {  	v53 =	vld [tilespmem:s3+$0x40];
	v7 =	vadd.f32 v7, v38  }
0x315: {  	v39 =	vadd.f32 v39, v54;
	v54 =	vld [tilespmem:s3+$0x50]  }
0x316: {  	v7 =	vadd.f32 v19, v7;
	v19 =	vld [tilespmem:s3+$0x150]  }
0x317: {  	[tilespmem:$0x1FEB0] =	vst v0;
	v0 =	vld [tilespmem:s3+$0x1F0]  }
0x318: {  	v6 =	vld [tilespmem:s6+$0x30]  }
0x319: {  	v5 =	vld [tilespmem:s3+$0x140]  }
0x31a: {  	v3 =	vld [tilespmem:s3+$0xFFFFFE70]  }
0x31b: {  	v50 =	vadd.f32 v37, v44;
	v15 =	vld [tilespmem:s3+$0x1C0]  }
0x31c: {  	v40 =	vadd.f32 v40, v55;
	v1 =	vadd.f32 v41, v1;
	[tilespmem:$0x1FEC0] =	vst v0;
	v0 =	vld [tilespmem:s3+$0xFFFFFE60]  }
0x31d: {  	v9 =	vadd.f32 v9, v50;
	v13 =	vld [tilespmem:s3+$0x160];
	v6 =	vadd.f32 v6, v39  }
0x31e: {  	v32 =	vadd.f32 v32, v40;
	v1 =	vadd.f32 v33, v1;
	v4 =	vld [tilespmem:s3+$0xFFFFFE10]  }
0x31f: {  	v6 =	vadd.f32 v20, v6;
	v2 =	vld [tilespmem:s6+$0xFFFFFF40];
	v3 =	vadd.f32 v22, v3  }
0x320: {  	v17 =	vld [tilespmem:s6+$0xD0];
	v22 =	vadd.f32 v25, v23;
	v23 =	vadd.f32 v26, v24  }
0x321: {  	v26 =	vadd.f32 v30, v28;
	v0 =	vadd.f32 v8, v0;
	v8 =	vld [tilespmem:s3+$0xFFFFFF70]  }
0x322: {  	v28 =	vadd.f32 v47, v31;
	v31 =	vadd.f32 v42, v45;
	v45 =	vld [tilespmem:s3+$0xFFFFFF80]  }
0x323: {  	v25 =	vadd.f32 v29, v27;
	v4 =	vadd.f32 v52, v4;
	v52 =	vld [tilespmem:s3+$0xFFFFFF10]  }
0x324: {  	v42 =	vadd.f32 v43, v46;
	v22 =	vadd.f32 v59, v22;
	v59 =	vld [tilespmem:s3+$0xFFFFFFC0]  }
0x325: {  	v2 =	vadd.f32 v2, v48;
	v23 =	vadd.f32 v60, v23;
	v60 =	vld [tilespmem:s3+$0xFFFFFFD0]  }
0x326: {  	v25 =	vadd.f32 v61, v25;
	v3 =	vadd.f32 v8, v3;
	v8 =	vld [tilespmem:s3+$0xFFFFFFF0]  }
0x327: {  	v26 =	vadd.f32 v62, v26;
	v61 =	vld [tilespmem:s3+$0xFFFFFFA0];
	v2 =	vadd.f32 v36, v2  }
0x328: {  	v28 =	vadd.f32 v63, v28;
	v62 =	vld [tilespmem:s3+$0xFFFFFFB0];
	v63 =	vadd.f32 v35, v42  }
0x329: {  	v9 =	vadd.f32 v17, v9;
	v2 =	vadd.f32 v10, v2;
	v10 =	vld [tilespmem:s3+$0x10]  }
0x32a: {  	v17 =	vadd.f32 v21, v32;
	v4 =	vadd.f32 v52, v4;
	v52 =	vld [tilespmem:s3+$0x60]  }
0x32b: {  	v11 =	vadd.f32 v11, v63;
	v3 =	vadd.f32 v8, v3;
	v8 =	vld [tilespmem:s3+$0x70]  }
0x32c: {  	v28 =	vadd.f32 v45, v28;
	v22 =	vadd.f32 v59, v22;
	v59 =	vld [tilespmem:s3+$0xC0]  }
0x32d: {  	v11 =	vadd.f32 v18, v11;
	v23 =	vadd.f32 v60, v23;
	v60 =	vld [tilespmem:s3+$0xD0]  }
0x32e: {  	v18 =	vld [tilespmem:s3+$0x80];
	v2 =	vadd.f32 v16, v2;
	v0 =	vadd.f32 v58, v0  }
0x32f: {  	v22 =	vadd.f32 v53, v22;
	v23 =	vadd.f32 v54, v23;
	v58 =	vld [tilespmem:s3+$0xE0]  }
0x330: {  	v0 =	vadd.f32 v57, v0;
	v3 =	vadd.f32 v8, v3;
	v8 =	vld [tilespmem:s3+$0xF0]  }
0x331: {  	v25 =	vadd.f32 v61, v25;
	v21 =	vadd.f32 v59, v22;
	v57 =	vld [tilespmem:s3+$0x0]  }
0x332: {  	v16 =	vld [tilespmem:s3+$0x90];
	v22 =	vadd.f32 v60, v23;
	v0 =	vadd.f32 v52, v0  }
0x333: {  	v26 =	vadd.f32 v62, v26;
	v5 =	vadd.f32 v5, v21;
	v21 =	vld [tilespmem:$0x1FEB0]  }
0x334: {  	v19 =	vadd.f32 v19, v22;
	v22 =	vld [tilespmem:$0x1FEC0];
	v0 =	vadd.f32 v58, v0  }
0x335: {  	v4 =	vadd.f32 v51, v4;
	v23 =	vld [tilespmem:s3+$0x100];
	v3 =	vadd.f32 v8, v3  }
0x336: {  	v28 =	vadd.f32 v57, v28;
	v0 =	vadd.f32 v13, v0;
	v13 =	vld [tilespmem:s3+$0x1D0]  }
0x337: {  	v4 =	vadd.f32 v10, v4;
	v3 =	vadd.f32 v14, v3;
	v14 =	vld [tilespmem:s3+$0x180]  }
0x338: {  	v55 =	vld [tilespmem:s3+$0x20];
	v18 =	vadd.f32 v18, v28;
	v0 =	vadd.f32 v21, v0  }
0x339: {  	v10 =	vld [tilespmem:s3+$0xA0];
	v4 =	vadd.f32 v16, v4;
	v3 =	vadd.f32 v22, v3  }
0x33a: {  	v5 =	vadd.f32 v15, v5;
	v15 =	vld [tilespmem:s6+$0x90];
	v18 =	vadd.f32 v23, v18;
	v0 =	vmax.f32 v0, $1.000000000e+00  }
0x33b: {  	v16 =	vld [tilespmem:s3+$0x110];
	v13 =	vadd.f32 v13, v19;
	(erf) = vrcp.f32 v0;
	v3 =	vmax.f32 v3, $1.000000000e+00  }
0x33c: {  	v20 =	vld [tilespmem:s3+$0x120];
	v5 =	vmax.f32 v5, $1.000000000e+00;
	v0 =	vadd.f32 v14, v18;
	(erf) = vrcp.f32 v3  }
0x33d: {  	v62 =	vld [tilespmem:$0x1FEA0];
	v25 =	vadd.f32 v55, v25;
	v13 =	vmax.f32 v13, $1.000000000e+00;
	(erf) = vrcp.f32 v5  }
0x33e: {  	v31 =	vadd.f32 v34, v31;
	v61 =	vld [tilespmem:s3+$0xB0];
	v0 =	vmax.f32 v0, $1.000000000e+00;
	(erf) = vrcp.f32 v13  }
0x33f: {  	v8 =	vadd.f32 v10, v25;
	(erf) = vrcp.f32 v0;
	v0 =	vadd.f32 v15, v1;
	v15 =	vld [tilespmem:$0x1FED0]  }
0x340: {  	v12 =	vadd.f32 v12, v31;
	v4 =	vadd.f32 v16, v4;
	v16 =	vld [tilespmem:s3+$0x1B0]  }
0x341: {  	v8 =	vadd.f32 v20, v8;
	v20 =	vld [tilespmem:s3+$0x190]  }
0x342: {  	v12 =	vadd.f32 v62, v12;
	v21 =	vld [tilespmem:s3+$0x1A0]  }
0x343: {  	v10 =	vld [tilespmem:s3+$0x130]  }
0x344: {  	v26 =	vadd.f32 v56, v26;
	v12 =	vadd.f32 v15, v12;
	v15 =	vld [tilespmem:$0x1FEE0]  }
0x345: {  	v14 =	vld [tilespmem:s6+$0x150]  }
0x346: {  	v63 =	vadd.f32 v61, v26;
	v3 =	vadd.f32 v20, v4;
	v4 =	vld [tilespmem:s6+$0x120]  }
0x347: {  	v5 =	vld [tilespmem:s6+$0x130]  }
0x348: {  	v10 =	vadd.f32 v10, v63;
	v13 =	vld [tilespmem:s6+$0x100]  }
0x349: {  	v8 =	vadd.f32 v21, v8;
	v3 =	vmax.f32 v3, $1.000000000e+00;
	v2 =	vadd.f32 v15, v2;
	v15 =	vld [tilespmem:$0x1FEF0]  }
0x34a: {  	v10 =	vadd.f32 v16, v10;
	(erf) = vrcp.f32 v3;
	v9 =	vadd.f32 v14, v9;
	v14 =	vld [tilespmem:$0x1FF00]  }
0x34b: {  	v8 =	vmax.f32 v8, $1.000000000e+00;
	v1 =	vld [tilespmem:s6+$0x110]  }
0x34c: {  	v3 =	vmax.f32 v10, $1.000000000e+00;
	(erf) = vrcp.f32 v8;
	v8 =	vld [tilespmem:s6+$0x180]  }
0x34d: {  	v4 =	vadd.f32 v4, v7;
	(erf) = vrcp.f32 v3;
	v3 =	vld [tilespmem:s6+$0x190]  }
0x34e: {  	v7 =	vadd.f32 v13, v17;
	v13 =	vpop (erf);
	v11 =	vadd.f32 v15, v11;
	v15 =	vld [tilespmem:$0x1FF10]  }
0x34f: {  	v12 =	vadd.f32 v14, v12;
	v14 =	vpop (erf)  }
0x350: {  	s4 =	sadd.s32 $0x80, s4;
	v10 =	vld [tilespmem:s6+$0x1D0];
	v0 =	vadd.f32 v1, v0;
	v16 =	vpop (erf)  }
0x351: {  	v8 =	vadd.f32 v8, v7;
	v7 =	vld [tilespmem:s4+$0xFFFFFFD0];
	v19 =	vpop (erf)  }
0x352: {  	v5 =	vadd.f32 v5, v6;
	v6 =	vld [tilespmem:s6+$0x1A0];
	v0 =	vadd.f32 v3, v0;
	v3 =	vpop (erf)  }
0x353: {  	v1 =	vld [tilespmem:s6+$0x1B0];
	v20 =	vadd.f32 v15, v2;
	v2 =	vpop (erf)  }
0x354: {  	v17 =	vld [tilespmem:s4+$0xFFFFFFC0];
	v0 =	vmul.f32 v2, v0  }
0x355: {  	v15 =	vld [tilespmem:$0x1FF20]  }
0x356: {  	v16 =	vmul.f32 v16, v20;
	v20 =	vmul.f32 v0, v7;
	v0 =	vld [tilespmem:$0x1FF40]  }
0x357: {  	v3 =	vmul.f32 v3, v8  }
0x358: {  	v18 =	vadd.f32 v10, v9;
	v9 =	vld [tilespmem:s4+$0xFFFFFFE0];
	v1 =	vadd.f32 v1, v5;
	v2 =	vpop (erf)  }
0x359: {  	v10 =	vld [tilespmem:s4+$0xFFFFFFF0];
	v6 =	vadd.f32 v6, v4;
	v3 =	vmul.f32 v3, v17;
	v4 =	vpop (erf)  }
0x35a: {  	s5 =	sadd.s32 $0x4, s5;
	v18 =	vmul.f32 v19, v18;
	v19 =	vmul.f32 v4, v1;
	v4 =	vld [tilespmem:$0x1FF30]  }
0x35b: {  	p1 =	slt.u32 s5, $0x1C;
	v15 =	vadd.f32 v15, v11;
	v21 =	vadd.f32 v3, v0;
	v0 =	vld [tilespmem:$0x1FF60]  }
.Ltmp4:
0x35c: {  	v11 =	vmul.f32 v13, v12;
	v13 =	vld [tilespmem:s4+$0x0];
	(pc) =	sbr.rel @p1 .LBB2_5-.Ltmp4, $4  }
0x35d: {  	v12 =	vmul.f32 v14, v15;
	v14 =	vld [tilespmem:s4+$0x10]  }
0x35e: {  	v2 =	vmul.f32 v2, v6;
	v15 =	vld [tilespmem:s4+$0x20]  }
0x35f: {  	v3 =	vld [tilespmem:$0x1FF50]  }
0x360: {  	s6 =	sadd.s32 $0x400, s6;
	v6 =	vmul.f32 v2, v9;
	v5 =	vadd.f32 v17, v0;
	v17 =	vld [tilespmem:s4+$0x30]  }
0x361: {  	_ = 	snop  }
0x362: {  	v1 =	vmul.f32 v19, v10;
	v4 =	vadd.f32 v7, v4  }
0x363: {  	v57 =	vmul.f32 v16, v13;
	v2 =	vadd.f32 v6, v21;
	v5 =	vadd.f32 v9, v5  }
0x364: {  	v59 =	vmul.f32 v11, v15;
	v11 =	vimm.f32 $0.0e+00;
	v0 =	vadd.f32 v20, v3  }
0x365: {  	v4 =	vadd.f32 v10, v4;
	v2 =	vadd.f32 v57, v2;
	[tilespmem:$0x9440] =	vst v11  }
0x366: {  	v58 =	vmul.f32 v18, v14;
	v5 =	vadd.f32 v13, v5;
	[tilespmem:$0x9450] =	vst v11;
	v0 =	vadd.f32 v1, v0  }
0x367: {  	[tilespmem:$0x9460] =	vst v11;
	v61 =	vadd.f32 v14, v4;
	v2 =	vadd.f32 v59, v2  }
0x368: {  	[tilespmem:$0x9470] =	vst v11;
	v60 =	vmul.f32 v12, v17;
	v62 =	vadd.f32 v15, v5;
	v0 =	vadd.f32 v58, v0  }
0x369: {  	v63 =	vadd.f32 v17, v61;
	[tilespmem:$0x9400] =	vst v2  }
0x36a: {  	[tilespmem:$0x9420] =	vst v62;
	v0 =	vadd.f32 v60, v0  }
0x36b: {  	[tilespmem:$0x9430] =	vst v63  }
0x36c: {  	s3 =	rddreg [dreg:$0x1c];
	s4 =	simm.s32 $0x9400;
	[tilespmem:$0x9410] =	vst v0  }
0x36d: {  	[spmem:s3] =	stream.linear.scatter [tilespmem:s4], [sflag:$0x2], $0x80, $0x38;
	[tilespmem:$0xD600] =	vst v63  }
.Ltmp5:
0x36e: {  	_ =	swait.ge [sflag:s22], $0x80;
	(pc) =	sbr.rel @p0 .LBB2_8-.Ltmp5, $3  }
0x36f: {  	[sflag:s22] =	ssyncset.done $0x0  }
0x370: {  	[sflag:s22] =	ssyncadd.s32 $0xFFFFFF80  }
0x371: {  	[bflag:$0x0] =	sbarrier.arrive $0xFFFF;
	_ =	sdelay $0x1  }
0x372: {  	s3 =	rddreg [dreg:$0x18];
	s4 =	simm.s32 $0x9000  }
0x373: {  	[tilespmem:s4], [sflag:$0x2] =	stream.linear.gather [spmem:s3], $0x400, $0x38;
	[tilespmem:$0xD600] =	vst v63  }
0x374: {  	_ =	swait.ge [sflag:s22], $0x400  }
0x375: {  	[sflag:s22] =	ssyncset.done $0x0  }
0x376: {  	[sflag:s22] =	ssyncadd.s32 $0xFFFFFC00  }
0x377: {  	v0 =	vld [tilespmem:$0x9000]  }
0x378: {  	v1 =	vld [tilespmem:$0x9010]  }
0x379: {  	v2 =	vld [tilespmem:$0x9020]  }
0x37a: {  	v3 =	vld [tilespmem:$0x9030]  }
0x37b: {  	v4 =	vld [tilespmem:$0x9080]  }
0x37c: {  	v5 =	vld [tilespmem:$0x9090]  }
0x37d: {  	v6 =	vld [tilespmem:$0x90A0]  }
0x37e: {  	v7 =	vld [tilespmem:$0x90B0]  }
0x37f: {  	v8 =	vld [tilespmem:$0x9120]  }
0x380: {  	v9 =	vld [tilespmem:$0x9130]  }
0x381: {  	v10 =	vld [tilespmem:$0x91A0]  }
0x382: {  	v43 =	vld [tilespmem:$0x91B0];
	v2 =	vadd.f32 v6, v2  }
0x383: {  	v44 =	vld [tilespmem:$0x9220];
	v3 =	vadd.f32 v7, v3  }
0x384: {  	v2 =	vadd.f32 v8, v2;
	v8 =	vld [tilespmem:$0x9230]  }
0x385: {  	v3 =	vadd.f32 v9, v3;
	v9 =	vld [tilespmem:$0x92A0]  }
0x386: {  	v2 =	vadd.f32 v10, v2;
	v10 =	vld [tilespmem:$0x92B0]  }
0x387: {  	v45 =	vld [tilespmem:$0x9320];
	v3 =	vadd.f32 v43, v3  }
0x388: {  	v46 =	vld [tilespmem:$0x9330];
	v2 =	vadd.f32 v44, v2  }
0x389: {  	v3 =	vadd.f32 v8, v3;
	v8 =	vld [tilespmem:$0x93A0]  }
0x38a: {  	v2 =	vadd.f32 v9, v2;
	v9 =	vld [tilespmem:$0x93B0]  }
0x38b: {  	v3 =	vadd.f32 v10, v3;
	v10 =	vld [tilespmem:$0x9100]  }
0x38c: {  	v47 =	vld [tilespmem:$0x9110];
	v2 =	vadd.f32 v45, v2  }
0x38d: {  	v48 =	vld [tilespmem:$0x9180];
	v3 =	vadd.f32 v46, v3  }
0x38e: {  	v49 =	vld [tilespmem:$0x9190];
	v0 =	vadd.f32 v4, v0;
	v2 =	vadd.f32 v8, v2  }
0x38f: {  	v50 =	vld [tilespmem:$0x9200];
	v1 =	vadd.f32 v5, v1;
	v3 =	vadd.f32 v9, v3  }
0x390: {  	v8 =	vld [tilespmem:$0x9210];
	v0 =	vadd.f32 v10, v0;
	v9 =	vadd.f32 $1.000000010e-10, v2  }
0x391: {  	v51 =	vld [tilespmem:$0x9280];
	v1 =	vadd.f32 v47, v1;
	v10 =	vadd.f32 $1.000000010e-10, v3  }
0x392: {  	v52 =	vld [tilespmem:$0x9290];
	v0 =	vadd.f32 v48, v0;
	(erf) = vrcp.f32 v9  }
0x393: {  	v53 =	vld [tilespmem:$0x9300];
	v1 =	vadd.f32 v49, v1;
	(erf) = vrcp.f32 v10  }
0x394: {  	v54 =	vld [tilespmem:$0x9310];
	v0 =	vadd.f32 v50, v0  }
0x395: {  	v1 =	vadd.f32 v8, v1;
	v8 =	vld [tilespmem:$0x9380]  }
0x396: {  	v55 =	vld [tilespmem:$0x9390];
	v0 =	vadd.f32 v51, v0  }
0x397: {  	v1 =	vadd.f32 v52, v1  }
0x398: {  	v0 =	vadd.f32 v53, v0  }
0x399: {  	vm1 =	vlt.f32 v2, $5.000000000e-01;
	v1 =	vadd.f32 v54, v1  }
0x39a: {  	v57 =	vimm.s32 $0x0;
	vm1 =	vmand vm1, vm0;
	v0 =	vadd.f32 v8, v0  }
0x39b: {  	v59 =	vld [tilespmem:$0x9480];
	v58 =	vsel vm1, $0x3F800000, v57;
	vm1 =	vlt.f32 v3, $5.000000000e-01;
	v1 =	vadd.f32 v55, v1;
	v56 =	vpop (erf)  }
0x39c: {  	v62 =	vld [tilespmem:$0x9490];
	v5 =	vsel vm1, $0x3F800000, v57;
	v60 =	vmul.f32 $1.000000000e+04, v58;
	v0 =	vmul.f32 v56, v0;
	v61 =	vpop (erf)  }
0x39d: {  	v63 =	vmul.f32 $1.000000000e+04, v5;
	v1 =	vmul.f32 v61, v1  }
0x39e: {  	v0 =	vsub.f32 v0, v60  }
0x39f: {  	v1 =	vsub.f32 v1, v63  }
0x3a0: {  	v0 =	vadd.f32 v0, v59  }
0x3a1: {  	v1 =	vadd.f32 v1, v62  }
0x3a2: {  	[tilespmem:$0x9500] =	vst v0  }
.Ltmp6:
0x3a3: {  	s11 =	simm.s32 $0x9500;
	s9 =	rddreg [dreg:$0x1a];
	[tilespmem:$0x9510] =	vst v1;
	(pc) =	sbr.rel .LBB2_8-.Ltmp6, $4  }
0x3a4: {  	[hbm4b:s9+s2] =	stream.linear.scatter [tilespmem:s11], [sflag:$0x2], $0x80, $0x38;
	[tilespmem:$0xD600] =	vst v63  }
0x3a5: {  	_ =	swait.ge [sflag:s22], $0x80  }
0x3a6: {  	[sflag:s22] =	ssyncset.done $0x0  }
0x3a7: {  	[sflag:s22] =	ssyncadd.s32 $0xFFFFFF80  }
.LBB2_9:
0x3a8: {  	_ =	sfence.sel $0x180000  }
0x3a9: {  	[bflag:$0x0] =	sbarrier.arrive $0xFFFF  }
0x3aa: {  	_ =	strace $0x90000047  }
0x3ab: {  	s0 =	stileid.u32;
	[bflag:$0x2] =	sbarrier.arrive $0xFFFF  }
0x3ac: {  	p0 =	sne.s32 s0, $0x0;
	s0 =	rddreg [dreg:$0x7]  }
0x3ad: {  	s0 =	sadd.s32 @!p0 $0x100000, s0  }
0x3ae: {  	[sflag:s0] =	ssyncadd.tile.s32 @!p0 $0x1;
	_ =	shalt  }
.Lfunc_end2:
_tile_overlayer_lowered:
.L_overlay_start_2:
0x3af: {  	(tag) =	ssettag $0x2  }
0x3b0: {  	s0 =	rddreg [dreg:$0x0];
	s2 =	stileid.u32  }
0x3b1: {  	s1 =	rddreg [dreg:$0x1];
	p0 =	sne.s32 s2, $0x0  }
0x3b2: {  	s3 =	rddreg [dreg:$0x2];
	[bflag:$0x3] =	sbarrier.arrive $0xFFFF;
	s2 =	simm.s32 @!p0 $0x1C02  }
0x3b3: {  	[timem:s3], [sflag:s2] =	dma.local @!p0 [hbm:s0], s1  }
0x3b4: {  	s0 =	simm.s32 @!p0 $0x2  }
0x3b5: {  	_ =	swait.ge @!p0 [sflag:s0], s1  }
0x3b6: {  	s1 =	ssub.s32 @!p0 $0x0, s1;
	[sflag:s0] =	ssyncset.done @!p0 $0x0  }
0x3b7: {  	[sflag:s0] =	ssyncadd.s32 @!p0 s1  }
0x3b8: {  	[bflag:$0x3] =	sbarrier.arrive $0xFFFF  }
0x3b9: {  	_ =	shalt  }

</sc_bundles>
